<compile_context>
chip_gen: v7x
topology: tpu7x:2x2x1
jax: 0.10.2.dev20260603
libtpu: 0.0.44.dev20260713+nightly
codegen_flags: <defaults>
</compile_context>

<pallas_src>
import functools

import jax
import jax.numpy as jnp
from jax import lax
from jax.experimental import pallas as pl
from jax.experimental.pallas import tpu as pltpu
from jax.experimental.pallas import tpu_sc as plsc

N = 10000
E = 320000
FIN = 128
D = 16
NC, NS = 2, 16
NW = NC * NS
CH = 128
TCH = E // CH
NB = 4
KMAX = 80
DR = 10240
ZRD = N // NS
NV = N // 8


def _mesh():
    return plsc.VectorSubcoreMesh(core_axis_name="c", subcore_axis_name="s")


_SC_PARAMS = pltpu.CompilerParams(use_tc_tiling_on_sc=False)


def _worker_chunks(w):
    big = (w < 17).astype(jnp.int32)
    off = 76 * w + 4 * jnp.minimum(w, 17)
    kw = 76 + 4 * big
    return off, kw


def _load_idx(idx_hbm, plane, idx_v, off, w):
    base = plane * TCH + off
    pltpu.sync_copy(idx_hbm.at[pl.ds(base, 76)], idx_v.at[pl.ds(0, 76)])

    @pl.when(w < 17)
    def _():
        pltpu.sync_copy(idx_hbm.at[pl.ds(base + 76, 4)], idx_v.at[pl.ds(76, 4)])


def _tc_edgeprep(ei):

    def body(ei_ref, out_ref):
        v = ei_ref[...]
        vp = 8 * lax.rem(v, NV) + lax.div(v, NV)
        out_ref[...] = vp.reshape(2 * TCH, CH)

    return pl.pallas_call(
        body,
        out_shape=jax.ShapeDtypeStruct((2 * TCH, CH), jnp.int32),
    )(ei)


def _sc_degree(eip2):
    @functools.partial(
        pl.kernel,
        mesh=_mesh(),
        out_type=jax.ShapeDtypeStruct((NC, DR, D), jnp.float32),
        compiler_params=_SC_PARAMS,
        scratch_types=[
            pltpu.VMEM((KMAX, CH), jnp.int32),
            pltpu.VMEM((CH, D), jnp.float32),
            pltpu.VMEM((DR // NS, D), jnp.float32),
            pltpu.VMEM_SHARED((DR, D), jnp.float32),
        ],
    )
    def k(ei_hbm, out_hbm, dst_v, ones_v, zb_v, dtab):
        c = lax.axis_index("c")
        s = lax.axis_index("s")
        w = c * NS + s

        z16 = jnp.zeros((D,), jnp.float32)
        o16 = jnp.ones((D,), jnp.float32)

        def fz(i, carry):
            zb_v[i, :] = z16
            return carry

        lax.fori_loop(0, DR // NS, fz, 0)

        def fo(i, carry):
            ones_v[i, :] = o16
            return carry

        lax.fori_loop(0, CH, fo, 0)

        pltpu.sync_copy(zb_v, dtab.at[pl.ds(s * (DR // NS), DR // NS)])
        plsc.subcore_barrier()

        off, kw = _worker_chunks(w)
        _load_idx(ei_hbm, 1, dst_v, off, w)

        def step(j, carry):
            pltpu.sync_copy(ones_v, dtab.at[dst_v.at[j]], add=True)
            return carry

        lax.fori_loop(0, kw, step, 0)
        plsc.subcore_barrier()

        @pl.when(s == 0)
        def _():
            pltpu.sync_copy(dtab, out_hbm.at[c])

    return k(eip2)


def _sc_aggregate(ytab, eip2):

    @functools.partial(
        pl.kernel,
        mesh=_mesh(),
        out_type=jax.ShapeDtypeStruct((NC, N, D), jnp.float32),
        compiler_params=_SC_PARAMS,
        scratch_types=[
            pltpu.VMEM((KMAX, CH), jnp.int32),
            pltpu.VMEM((KMAX, CH), jnp.int32),
            [pltpu.VMEM((CH, D), jnp.float32) for _ in range(NB)],
            pltpu.VMEM((ZRD, D), jnp.float32),
            pltpu.VMEM_SHARED((N, D), jnp.float32),
            [pltpu.SemaphoreType.DMA for _ in range(NB)],
        ],
    )
    def k(ytab_hbm, ei_hbm, out_hbm, src_v, dst_v, bufs, zb, ztab, gsems):
        c = lax.axis_index("c")
        s = lax.axis_index("s")
        w = c * NS + s

        zrow = jnp.zeros((D,), jnp.float32)

        def fz(i, carry):
            zb[i, :] = zrow
            return carry

        lax.fori_loop(0, ZRD, fz, 0)
        pltpu.sync_copy(zb, ztab.at[pl.ds(s * ZRD, ZRD)])
        plsc.subcore_barrier()

        off, kw = _worker_chunks(w)
        _load_idx(ei_hbm, 0, src_v, off, w)
        _load_idx(ei_hbm, 1, dst_v, off, w)

        for b in range(NB):
            pltpu.async_copy(ytab_hbm.at[src_v.at[b]], bufs[b], gsems[b])

        def block(i, carry):
            j0 = i * NB
            for b in range(NB):
                j = j0 + b
                pltpu.make_async_copy(
                    ytab_hbm.at[src_v.at[j]], bufs[b], gsems[b]
                ).wait()
                pltpu.sync_copy(bufs[b], ztab.at[dst_v.at[j]], add=True)

                @pl.when(j + NB < kw)
                def _():
                    pltpu.async_copy(
                        ytab_hbm.at[src_v.at[j + NB]], bufs[b], gsems[b]
                    )

            return carry

        lax.fori_loop(0, kw // NB, block, 0)
        plsc.subcore_barrier()

        @pl.when(s == 0)
        def _():
            pltpu.sync_copy(ztab, out_hbm.at[c])

    return k(ytab, eip2)


def _tc_lin(x, w1):

    def body(x_ref, w1_ref, lin_ref):
        parts = [
            jnp.dot(x_ref[pl.ds(NV * a, NV), :], w1_ref[...],
                    preferred_element_type=jnp.float32)
            for a in range(8)
        ]
        lin_ref[...] = jnp.concatenate(parts, axis=1)

    return pl.pallas_call(
        body,
        out_shape=jax.ShapeDtypeStruct((NV, 128), jnp.float32),
    )(x, w1)


def _tc_scale(degv, linv):

    def body(deg_ref, lin_ref, dinv_ref, u1_ref):
        deg_v = deg_ref[0, :NV] + deg_ref[1, :NV] + 1.0
        dinv_v = lax.rsqrt(deg_v)
        dinv_ref[...] = dinv_v
        u1_ref[...] = lin_ref[...] * dinv_v

    return pl.pallas_call(
        body,
        out_shape=[
            jax.ShapeDtypeStruct((NV, 128), jnp.float32),
            jax.ShapeDtypeStruct((NV, 128), jnp.float32),
        ],
    )(degv, linv)


def _tc_mid(z1v, u1v, dinvv, b1t, w2e):

    def body(z_ref, u_ref, dinv_ref, b_ref, w2e_ref, u2_ref):
        agg = z_ref[0] + z_ref[1] + u_ref[...]
        h1 = jnp.maximum(dinv_ref[...] * agg + b_ref[...], 0.0)
        lin2 = jnp.dot(h1, w2e_ref[...], preferred_element_type=jnp.float32)
        u2_ref[...] = dinv_ref[...] * lin2

    return pl.pallas_call(
        body,
        out_shape=jax.ShapeDtypeStruct((NV, 128), jnp.float32),
    )(z1v, u1v, dinvv, b1t, w2e)


def _tc_final(z2v, u2v, dinvv, b2t, w3e, b3):

    def body(z_ref, u_ref, dinv_ref, b2_ref, w3e_ref, b3_ref, out_ref):
        agg = z_ref[0] + z_ref[1] + u_ref[...]
        h2 = jnp.maximum(dinv_ref[...] * agg + b2_ref[...], 0.0)
        o = jnp.dot(h2, w3e_ref[...], preferred_element_type=jnp.float32)
        o = o + b3_ref[0, 0]
        sh = o - o
        out_ref[...] = sh - jnp.log(jnp.exp(sh))

    return pl.pallas_call(
        body,
        out_shape=jax.ShapeDtypeStruct((NV, 8), jnp.float32),
    )(z2v, u2v, dinvv, b2t, w3e, b3)


def kernel(x, edge_index, W1, b1, W2, b2, W3, b3):
    ei = edge_index.astype(jnp.int32)
    eip2 = _tc_edgeprep(ei)

    e8 = jnp.eye(8, dtype=jnp.float32)
    w2e = jnp.einsum("ac,kf->akcf", e8, W2).reshape(128, 128)
    w3e = (e8[:, None, :] * W3[None, :, 0, None]).reshape(128, 8)
    b1t = jnp.tile(b1, 8)[None, :]
    b2t = jnp.tile(b2, 8)[None, :]

    linv = _tc_lin(x, W1)
    deg2 = _sc_degree(eip2)
    degv = deg2.reshape(NC, DR * D // 128, 128)
    dinvv, u1v = _tc_scale(degv, linv)
    z1 = _sc_aggregate(u1v.reshape(N, D), eip2)
    u2v = _tc_mid(z1.reshape(NC, NV, 128), u1v, dinvv, b1t, w2e)
    z2 = _sc_aggregate(u2v.reshape(N, D), eip2)
    out = _tc_final(z2.reshape(NC, NV, 128), u2v, dinvv, b2t, w3e,
                    b3.reshape(1, 1))
    return out.reshape(N, 1)

# --- scband reference (transcript-rebuilt; emitter-appended) ---
"""Pipeline reference for scband-gcn-86612310492049 (READ-ONLY COPY).

The authoritative reference and input builder live on the scoring server;
editing this copy changes nothing except your own understanding.
"""

import jax, jax.numpy as jnp
import numpy as np

N_NODES = 10000
N_EDGES = 320000
F_IN = 128
DIM = 16
NUM_CLASSES = 1


def setup_inputs(seed: int = 0) -> dict:
    key = jax.random.key(seed)
    ks = jax.random.split(key, 9)
    x = jax.random.normal(ks[0], (N_NODES, F_IN), dtype=jnp.float32)
    edge_index = jax.random.randint(ks[1], (2, N_EDGES), 0, N_NODES, dtype=jnp.int64)
    W1 = jax.random.normal(ks[2], (F_IN, DIM), dtype=jnp.float32) * 0.05
    b1 = jnp.zeros((DIM,), dtype=jnp.float32)
    W2 = jax.random.normal(ks[3], (DIM, DIM), dtype=jnp.float32) * 0.1
    b2 = jnp.zeros((DIM,), dtype=jnp.float32)
    W3 = jax.random.normal(ks[4], (DIM, NUM_CLASSES), dtype=jnp.float32) * 0.1
    b3 = jnp.zeros((NUM_CLASSES,), dtype=jnp.float32)
    return {"x": x, "edge_index": edge_index, "W1": W1, "b1": b1, "W2": W2, "b2": b2, "W3": W3, "b3": b3}


def gcn_conv(x, edge_index, W, b):
    # PyG GCNConv: linear transform, add self-loops, symmetric normalization, sum-aggregate
    n = x.shape[0]
    lin = x @ W
    loop = jnp.arange(n, dtype=edge_index.dtype)
    src = jnp.concatenate([edge_index[0], loop])
    dst = jnp.concatenate([edge_index[1], loop])
    deg = jnp.zeros((n,), dtype=lin.dtype).at[dst].add(1.0)
    dinv = jax.lax.rsqrt(deg)  # deg >= 1 due to self-loops
    norm = dinv[src] * dinv[dst]
    msg = lin[src] * norm[:, None]
    out = jnp.zeros((n, lin.shape[1]), dtype=lin.dtype).at[dst].add(msg)
    return out + b


def reference(x, edge_index, W1, b1, W2, b2, W3, b3):
    # eval mode: F.dropout is identity
    h1 = jax.nn.relu(gcn_conv(x, edge_index, W1, b1))
    h2 = jax.nn.relu(gcn_conv(h1, edge_index, W2, b2))
    out = h2 @ W3 + b3
    return jax.nn.log_softmax(out, axis=-1)

if __name__ == "__main__":
    import jax
    _d = setup_inputs()
    print(jax.jit(kernel)(*tuple(_d.values())))

</pallas_src>

<mosaic_0001>
#map = affine_map<(d0, d1) -> (0, 0)>
#map1 = affine_map<(d0, d1) -> (0, 0, 0)>
module attributes {stable_mosaic.version = 14 : i64} {
  func.func @k(%arg0: i32, %arg1: i32, %arg2: memref<10000x16xf32, #tpu.memory_space<hbm>>, %arg3: memref<5000x128xi32, #tpu.memory_space<hbm>>, %arg4: memref<2x10000x16xf32, #tpu.memory_space<hbm>>, %arg5: memref<80x128xi32, #tpu.memory_space<vmem>>, %arg6: memref<80x128xi32, #tpu.memory_space<vmem>>, %arg7: memref<128x16xf32, #tpu.memory_space<vmem>>, %arg8: memref<128x16xf32, #tpu.memory_space<vmem>>, %arg9: memref<128x16xf32, #tpu.memory_space<vmem>>, %arg10: memref<128x16xf32, #tpu.memory_space<vmem>>, %arg11: memref<625x16xf32, #tpu.memory_space<vmem>>, %arg12: memref<10000x16xf32, #tpu.memory_space<vmem_shared>>, %arg13: memref<!tpu.dma_semaphore, #tpu.memory_space<semaphore_mem>>, %arg14: memref<!tpu.dma_semaphore, #tpu.memory_space<semaphore_mem>>, %arg15: memref<!tpu.dma_semaphore, #tpu.memory_space<semaphore_mem>>, %arg16: memref<!tpu.dma_semaphore, #tpu.memory_space<semaphore_mem>>) attributes {dimension_semantics = [#tpu.dimension_semantics<core_parallel>, #tpu.dimension_semantics<subcore_parallel>], iteration_bounds = array<i64: 2, 16>, scalar_prefetch = 0 : i64, scratch_operands = 12 : i64, tpu.core_type = #tpu.core_type<sc_vector_subcore>, window_params = [{transform_indices = #map}, {transform_indices = #map}, {transform_indices = #map1}]} {
    %mul3A = arith.constant 16 : i32
    %mul3A_0 = arith.muli %arg0, %mul3A : i32
    %add3A = arith.addi %mul3A_0, %arg1 : i32
    %broadcast_in_dim3A = arith.constant 0.000000e+00 : f32
    %broadcast_in_dim3A_1 = vector.broadcast %broadcast_in_dim3A : f32 to vector<16xf32>
    %scan3A = arith.constant 0 : i32
    %scan3A_2 = arith.constant 0 : i32
    %scan3A_3 = arith.constant 625 : i32
    %scan3A_4 = arith.addi %scan3A_2, %scan3A_3 : i32
    %scan3A_5 = arith.constant 1 : i32
    scf.for %scan3A_90 = %scan3A_2 to %scan3A_4 step %scan3A_5  : i32 {
      %swap3A = arith.index_cast %scan3A_90 : i32 to index
      %swap3A_91 = arith.constant 0 : index
      %swap3A_92 = tpu.vector_load %arg11[%swap3A, %swap3A_91] {strides = array<i32>} : memref<625x16xf32, #tpu.memory_space<vmem>>, vector<1x16xf32>,
      %swap3A_93 = vector.shape_cast %swap3A_92 : vector<1x16xf32> to vector<16xf32>
      %swap3A_94 = vector.shape_cast %broadcast_in_dim3A_1 : vector<16xf32> to vector<1x16xf32>
      tpu.vector_store %arg11[%swap3A, %swap3A_91], %swap3A_94 {strides = array<i32>} : memref<625x16xf32, #tpu.memory_space<vmem>>, vector<1x16xf32>,
    }
    %scan3A_6 = arith.constant 625 : i32
    %mul3A_7 = arith.constant 625 : i32
    %mul3A_8 = arith.muli %arg1, %mul3A_7 : i32
    "tpu.region"() ({
      %run_scoped3A = tpu.sem_alloc : memref<!tpu.dma_semaphore, #tpu.memory_space<semaphore_mem>>
      %dma_start3A_90 = arith.constant 0 : i32
      %dma_start3A_91 = tpu.memref_slice %arg12[%mul3A_8, %dma_start3A_90] : memref<10000x16xf32, #tpu.memory_space<vmem_shared>> -> memref<625x16xf32, #tpu.memory_space<vmem_shared>>
      %dma_start3A_92 = arith.constant 0 : i32
      %dma_start3A_93 = tpu.memref_slice %arg12[%mul3A_8, %dma_start3A_92] : memref<10000x16xf32, #tpu.memory_space<vmem_shared>> -> memref<625x16xf32, #tpu.memory_space<vmem_shared>>
      tpu.enqueue_dma source(%arg11 : memref<625x16xf32, #tpu.memory_space<vmem>>) target(%dma_start3A_93 : memref<625x16xf32, #tpu.memory_space<vmem_shared>>) target_semaphore(%run_scoped3A : memref<!tpu.dma_semaphore, #tpu.memory_space<semaphore_mem>>)
      %dma_wait3A = arith.constant 0 : i32
      %dma_wait3A_94 = tpu.memref_slice %arg12[%mul3A_8, %dma_wait3A] : memref<10000x16xf32, #tpu.memory_space<vmem_shared>> -> memref<625x16xf32, #tpu.memory_space<vmem_shared>>
      %dma_wait3A_95 = arith.constant 0 : i32
      %dma_wait3A_96 = tpu.memref_slice %arg12[%mul3A_8, %dma_wait3A_95] : memref<10000x16xf32, #tpu.memory_space<vmem_shared>> -> memref<625x16xf32, #tpu.memory_space<vmem_shared>>
      tpu.wait_dma2 semaphore(%run_scoped3A : memref<!tpu.dma_semaphore, #tpu.memory_space<semaphore_mem>>) src(%arg11 : memref<625x16xf32, #tpu.memory_space<vmem>>) dst(%dma_wait3A_96 : memref<625x16xf32, #tpu.memory_space<vmem_shared>>)
      tpu.yield
    }) : () -> ()
    %barrier3A = arith.constant 0 : index
    tpu.barrier barrier_id(%barrier3A)
    %lt3A = arith.constant 17 : i32
    %lt3A_9 = arith.cmpi slt, %add3A, %lt3A : i32
    %convert_element_type3A = arith.extui %lt3A_9 : i1 to i32
    %mul3A_10 = arith.constant 76 : i32
    %mul3A_11 = arith.muli %mul3A_10, %add3A : i32
    %min3A = arith.constant 17 : i32
    %min3A_12 = arith.minsi %add3A, %min3A : i32
    %mul3A_13 = arith.constant 4 : i32
    %mul3A_14 = arith.muli %mul3A_13, %min3A_12 : i32
    %add3A_15 = arith.addi %mul3A_11, %mul3A_14 : i32
    %mul3A_16 = arith.constant 4 : i32
    %mul3A_17 = arith.muli %mul3A_16, %convert_element_type3A : i32
    %add3A_18 = arith.constant 76 : i32
    %add3A_19 = arith.addi %add3A_18, %mul3A_17 : i32
    %add3A_20 = arith.constant 0 : i32
    %add3A_21 = arith.addi %add3A_20, %add3A_15 : i32
    "tpu.region"() ({
      %run_scoped3A = tpu.sem_alloc : memref<!tpu.dma_semaphore, #tpu.memory_space<semaphore_mem>>
      %dma_start3A_90 = arith.constant 0 : i32
      %dma_start3A_91 = arith.constant 0 : i32
      %dma_start3A_92 = tpu.memref_slice %arg5[%dma_start3A_90, %dma_start3A_91] : memref<80x128xi32, #tpu.memory_space<vmem>> -> memref<76x128xi32, #tpu.memory_space<vmem>>
      %dma_start3A_93 = arith.constant 0 : i32
      %dma_start3A_94 = tpu.memref_slice %arg3[%add3A_21, %dma_start3A_93] : memref<5000x128xi32, #tpu.memory_space<hbm>> -> memref<76x128xi32, #tpu.memory_space<hbm>>
      %dma_start3A_95 = arith.constant 0 : i32
      %dma_start3A_96 = arith.constant 0 : i32
      %dma_start3A_97 = tpu.memref_slice %arg5[%dma_start3A_95, %dma_start3A_96] : memref<80x128xi32, #tpu.memory_space<vmem>> -> memref<76x128xi32, #tpu.memory_space<vmem>>
      %dma_start3A_98 = arith.constant 0 : i32
      %dma_start3A_99 = tpu.memref_slice %arg3[%add3A_21, %dma_start3A_98] : memref<5000x128xi32, #tpu.memory_space<hbm>> -> memref<76x128xi32, #tpu.memory_space<hbm>>
      tpu.enqueue_dma source(%dma_start3A_99 : memref<76x128xi32, #tpu.memory_space<hbm>>) target(%dma_start3A_97 : memref<76x128xi32, #tpu.memory_space<vmem>>) target_semaphore(%run_scoped3A : memref<!tpu.dma_semaphore, #tpu.memory_space<semaphore_mem>>)
      %dma_wait3A = arith.constant 0 : i32
      %dma_wait3A_100 = arith.constant 0 : i32
      %dma_wait3A_101 = tpu.memref_slice %arg5[%dma_wait3A, %dma_wait3A_100] : memref<80x128xi32, #tpu.memory_space<vmem>> -> memref<76x128xi32, #tpu.memory_space<vmem>>
      %dma_wait3A_102 = arith.constant 0 : i32
      %dma_wait3A_103 = tpu.memref_slice %arg3[%add3A_21, %dma_wait3A_102] : memref<5000x128xi32, #tpu.memory_space<hbm>> -> memref<76x128xi32, #tpu.memory_space<hbm>>
      %dma_wait3A_104 = arith.constant 0 : i32
      %dma_wait3A_105 = arith.constant 0 : i32
      %dma_wait3A_106 = tpu.memref_slice %arg5[%dma_wait3A_104, %dma_wait3A_105] : memref<80x128xi32, #tpu.memory_space<vmem>> -> memref<76x128xi32, #tpu.memory_space<vmem>>
      %dma_wait3A_107 = arith.constant 0 : i32
      %dma_wait3A_108 = tpu.memref_slice %arg3[%add3A_21, %dma_wait3A_107] : memref<5000x128xi32, #tpu.memory_space<hbm>> -> memref<76x128xi32, #tpu.memory_space<hbm>>
      tpu.wait_dma2 semaphore(%run_scoped3A : memref<!tpu.dma_semaphore, #tpu.memory_space<semaphore_mem>>) src(%dma_wait3A_108 : memref<76x128xi32, #tpu.memory_space<hbm>>) dst(%dma_wait3A_106 : memref<76x128xi32, #tpu.memory_space<vmem>>)
      tpu.yield
    }) : () -> ()
    %lt3A_22 = arith.constant 17 : i32
    %lt3A_23 = arith.cmpi slt, %add3A, %lt3A_22 : i32
    %convert_element_type3A_24 = arith.extui %lt3A_23 : i1 to i32
    %cond3A = arith.constant 0 : i32
    %cond3A_25 = arith.cmpi ne, %convert_element_type3A_24, %cond3A : i32
    scf.if %cond3A_25 {
      %add3A_90 = arith.constant 76 : i32
      %add3A_91 = arith.addi %add3A_21, %add3A_90 : i32
      "tpu.region"() ({
        %run_scoped3A = tpu.sem_alloc : memref<!tpu.dma_semaphore, #tpu.memory_space<semaphore_mem>>
        %dma_start3A_92 = arith.constant 76 : i32
        %dma_start3A_93 = arith.constant 0 : i32
        %dma_start3A_94 = tpu.memref_slice %arg5[%dma_start3A_92, %dma_start3A_93] : memref<80x128xi32, #tpu.memory_space<vmem>> -> memref<4x128xi32, #tpu.memory_space<vmem>>
        %dma_start3A_95 = arith.constant 0 : i32
        %dma_start3A_96 = tpu.memref_slice %arg3[%add3A_91, %dma_start3A_95] : memref<5000x128xi32, #tpu.memory_space<hbm>> -> memref<4x128xi32, #tpu.memory_space<hbm>>
        %dma_start3A_97 = arith.constant 76 : i32
        %dma_start3A_98 = arith.constant 0 : i32
        %dma_start3A_99 = tpu.memref_slice %arg5[%dma_start3A_97, %dma_start3A_98] : memref<80x128xi32, #tpu.memory_space<vmem>> -> memref<4x128xi32, #tpu.memory_space<vmem>>
        %dma_start3A_100 = arith.constant 0 : i32
        %dma_start3A_101 = tpu.memref_slice %arg3[%add3A_91, %dma_start3A_100] : memref<5000x128xi32, #tpu.memory_space<hbm>> -> memref<4x128xi32, #tpu.memory_space<hbm>>
        tpu.enqueue_dma source(%dma_start3A_101 : memref<4x128xi32, #tpu.memory_space<hbm>>) target(%dma_start3A_99 : memref<4x128xi32, #tpu.memory_space<vmem>>) target_semaphore(%run_scoped3A : memref<!tpu.dma_semaphore, #tpu.memory_space<semaphore_mem>>)
        %dma_wait3A = arith.constant 76 : i32
        %dma_wait3A_102 = arith.constant 0 : i32
        %dma_wait3A_103 = tpu.memref_slice %arg5[%dma_wait3A, %dma_wait3A_102] : memref<80x128xi32, #tpu.memory_space<vmem>> -> memref<4x128xi32, #tpu.memory_space<vmem>>
        %dma_wait3A_104 = arith.constant 0 : i32
        %dma_wait3A_105 = tpu.memref_slice %arg3[%add3A_91, %dma_wait3A_104] : memref<5000x128xi32, #tpu.memory_space<hbm>> -> memref<4x128xi32, #tpu.memory_space<hbm>>
        %dma_wait3A_106 = arith.constant 76 : i32
        %dma_wait3A_107 = arith.constant 0 : i32
        %dma_wait3A_108 = tpu.memref_slice %arg5[%dma_wait3A_106, %dma_wait3A_107] : memref<80x128xi32, #tpu.memory_space<vmem>> -> memref<4x128xi32, #tpu.memory_space<vmem>>
        %dma_wait3A_109 = arith.constant 0 : i32
        %dma_wait3A_110 = tpu.memref_slice %arg3[%add3A_91, %dma_wait3A_109] : memref<5000x128xi32, #tpu.memory_space<hbm>> -> memref<4x128xi32, #tpu.memory_space<hbm>>
        tpu.wait_dma2 semaphore(%run_scoped3A : memref<!tpu.dma_semaphore, #tpu.memory_space<semaphore_mem>>) src(%dma_wait3A_110 : memref<4x128xi32, #tpu.memory_space<hbm>>) dst(%dma_wait3A_108 : memref<4x128xi32, #tpu.memory_space<vmem>>)
        tpu.yield
      }) : () -> ()
    } else {
    }
    %add3A_26 = arith.constant 2500 : i32
    %add3A_27 = arith.addi %add3A_26, %add3A_15 : i32
    "tpu.region"() ({
      %run_scoped3A = tpu.sem_alloc : memref<!tpu.dma_semaphore, #tpu.memory_space<semaphore_mem>>
      %dma_start3A_90 = arith.constant 0 : i32
      %dma_start3A_91 = arith.constant 0 : i32
      %dma_start3A_92 = tpu.memref_slice %arg6[%dma_start3A_90, %dma_start3A_91] : memref<80x128xi32, #tpu.memory_space<vmem>> -> memref<76x128xi32, #tpu.memory_space<vmem>>
      %dma_start3A_93 = arith.constant 0 : i32
      %dma_start3A_94 = tpu.memref_slice %arg3[%add3A_27, %dma_start3A_93] : memref<5000x128xi32, #tpu.memory_space<hbm>> -> memref<76x128xi32, #tpu.memory_space<hbm>>
      %dma_start3A_95 = arith.constant 0 : i32
      %dma_start3A_96 = arith.constant 0 : i32
      %dma_start3A_97 = tpu.memref_slice %arg6[%dma_start3A_95, %dma_start3A_96] : memref<80x128xi32, #tpu.memory_space<vmem>> -> memref<76x128xi32, #tpu.memory_space<vmem>>
      %dma_start3A_98 = arith.constant 0 : i32
      %dma_start3A_99 = tpu.memref_slice %arg3[%add3A_27, %dma_start3A_98] : memref<5000x128xi32, #tpu.memory_space<hbm>> -> memref<76x128xi32, #tpu.memory_space<hbm>>
      tpu.enqueue_dma source(%dma_start3A_99 : memref<76x128xi32, #tpu.memory_space<hbm>>) target(%dma_start3A_97 : memref<76x128xi32, #tpu.memory_space<vmem>>) target_semaphore(%run_scoped3A : memref<!tpu.dma_semaphore, #tpu.memory_space<semaphore_mem>>)
      %dma_wait3A = arith.constant 0 : i32
      %dma_wait3A_100 = arith.constant 0 : i32
      %dma_wait3A_101 = tpu.memref_slice %arg6[%dma_wait3A, %dma_wait3A_100] : memref<80x128xi32, #tpu.memory_space<vmem>> -> memref<76x128xi32, #tpu.memory_space<vmem>>
      %dma_wait3A_102 = arith.constant 0 : i32
      %dma_wait3A_103 = tpu.memref_slice %arg3[%add3A_27, %dma_wait3A_102] : memref<5000x128xi32, #tpu.memory_space<hbm>> -> memref<76x128xi32, #tpu.memory_space<hbm>>
      %dma_wait3A_104 = arith.constant 0 : i32
      %dma_wait3A_105 = arith.constant 0 : i32
      %dma_wait3A_106 = tpu.memref_slice %arg6[%dma_wait3A_104, %dma_wait3A_105] : memref<80x128xi32, #tpu.memory_space<vmem>> -> memref<76x128xi32, #tpu.memory_space<vmem>>
      %dma_wait3A_107 = arith.constant 0 : i32
      %dma_wait3A_108 = tpu.memref_slice %arg3[%add3A_27, %dma_wait3A_107] : memref<5000x128xi32, #tpu.memory_space<hbm>> -> memref<76x128xi32, #tpu.memory_space<hbm>>
      tpu.wait_dma2 semaphore(%run_scoped3A : memref<!tpu.dma_semaphore, #tpu.memory_space<semaphore_mem>>) src(%dma_wait3A_108 : memref<76x128xi32, #tpu.memory_space<hbm>>) dst(%dma_wait3A_106 : memref<76x128xi32, #tpu.memory_space<vmem>>)
      tpu.yield
    }) : () -> ()
    %lt3A_28 = arith.constant 17 : i32
    %lt3A_29 = arith.cmpi slt, %add3A, %lt3A_28 : i32
    %convert_element_type3A_30 = arith.extui %lt3A_29 : i1 to i32
    %cond3A_31 = arith.constant 0 : i32
    %cond3A_32 = arith.cmpi ne, %convert_element_type3A_30, %cond3A_31 : i32
    scf.if %cond3A_32 {
      %add3A_90 = arith.constant 76 : i32
      %add3A_91 = arith.addi %add3A_27, %add3A_90 : i32
      "tpu.region"() ({
        %run_scoped3A = tpu.sem_alloc : memref<!tpu.dma_semaphore, #tpu.memory_space<semaphore_mem>>
        %dma_start3A_92 = arith.constant 76 : i32
        %dma_start3A_93 = arith.constant 0 : i32
        %dma_start3A_94 = tpu.memref_slice %arg6[%dma_start3A_92, %dma_start3A_93] : memref<80x128xi32, #tpu.memory_space<vmem>> -> memref<4x128xi32, #tpu.memory_space<vmem>>
        %dma_start3A_95 = arith.constant 0 : i32
        %dma_start3A_96 = tpu.memref_slice %arg3[%add3A_91, %dma_start3A_95] : memref<5000x128xi32, #tpu.memory_space<hbm>> -> memref<4x128xi32, #tpu.memory_space<hbm>>
        %dma_start3A_97 = arith.constant 76 : i32
        %dma_start3A_98 = arith.constant 0 : i32
        %dma_start3A_99 = tpu.memref_slice %arg6[%dma_start3A_97, %dma_start3A_98] : memref<80x128xi32, #tpu.memory_space<vmem>> -> memref<4x128xi32, #tpu.memory_space<vmem>>
        %dma_start3A_100 = arith.constant 0 : i32
        %dma_start3A_101 = tpu.memref_slice %arg3[%add3A_91, %dma_start3A_100] : memref<5000x128xi32, #tpu.memory_space<hbm>> -> memref<4x128xi32, #tpu.memory_space<hbm>>
        tpu.enqueue_dma source(%dma_start3A_101 : memref<4x128xi32, #tpu.memory_space<hbm>>) target(%dma_start3A_99 : memref<4x128xi32, #tpu.memory_space<vmem>>) target_semaphore(%run_scoped3A : memref<!tpu.dma_semaphore, #tpu.memory_space<semaphore_mem>>)
        %dma_wait3A = arith.constant 76 : i32
        %dma_wait3A_102 = arith.constant 0 : i32
        %dma_wait3A_103 = tpu.memref_slice %arg6[%dma_wait3A, %dma_wait3A_102] : memref<80x128xi32, #tpu.memory_space<vmem>> -> memref<4x128xi32, #tpu.memory_space<vmem>>
        %dma_wait3A_104 = arith.constant 0 : i32
        %dma_wait3A_105 = tpu.memref_slice %arg3[%add3A_91, %dma_wait3A_104] : memref<5000x128xi32, #tpu.memory_space<hbm>> -> memref<4x128xi32, #tpu.memory_space<hbm>>
        %dma_wait3A_106 = arith.constant 76 : i32
        %dma_wait3A_107 = arith.constant 0 : i32
        %dma_wait3A_108 = tpu.memref_slice %arg6[%dma_wait3A_106, %dma_wait3A_107] : memref<80x128xi32, #tpu.memory_space<vmem>> -> memref<4x128xi32, #tpu.memory_space<vmem>>
        %dma_wait3A_109 = arith.constant 0 : i32
        %dma_wait3A_110 = tpu.memref_slice %arg3[%add3A_91, %dma_wait3A_109] : memref<5000x128xi32, #tpu.memory_space<hbm>> -> memref<4x128xi32, #tpu.memory_space<hbm>>
        tpu.wait_dma2 semaphore(%run_scoped3A : memref<!tpu.dma_semaphore, #tpu.memory_space<semaphore_mem>>) src(%dma_wait3A_110 : memref<4x128xi32, #tpu.memory_space<hbm>>) dst(%dma_wait3A_108 : memref<4x128xi32, #tpu.memory_space<vmem>>)
        tpu.yield
      }) : () -> ()
    } else {
    }
    %dma_start3A = arith.constant 0 : i32
    %dma_start3A_33 = arith.constant 0 : i32
    %dma_start3A_34 = tpu.memref_slice %arg5[%dma_start3A, %dma_start3A_33] : memref<80x128xi32, #tpu.memory_space<vmem>> -> memref<1x128xi32, #tpu.memory_space<vmem>>
    %dma_start3A_35 = tpu.memref_squeeze %dma_start3A_34 : memref<1x128xi32, #tpu.memory_space<vmem>> -> memref<128xi32, #tpu.memory_space<vmem>>
    %dma_start3A_36 = arith.constant 0 : i32
    %dma_start3A_37 = arith.constant 0 : i32
    %dma_start3A_38 = tpu.memref_slice %arg2[%dma_start3A_36, %dma_start3A_37] : memref<10000x16xf32, #tpu.memory_space<hbm>> -> memref<10000x16xf32, #tpu.memory_space<hbm>>
    tpu.enqueue_indirect_dma source(%dma_start3A_38 : memref<10000x16xf32, #tpu.memory_space<hbm>>) target(%arg7 : memref<128x16xf32, #tpu.memory_space<vmem>>) offsets(%dma_start3A_35 : memref<128xi32, #tpu.memory_space<vmem>>) semaphore(%arg13 : memref<!tpu.dma_semaphore, #tpu.memory_space<semaphore_mem>>)
    %dma_start3A_39 = arith.constant 1 : i32
    %dma_start3A_40 = arith.constant 0 : i32
    %dma_start3A_41 = tpu.memref_slice %arg5[%dma_start3A_39, %dma_start3A_40] : memref<80x128xi32, #tpu.memory_space<vmem>> -> memref<1x128xi32, #tpu.memory_space<vmem>>
    %dma_start3A_42 = tpu.memref_squeeze %dma_start3A_41 : memref<1x128xi32, #tpu.memory_space<vmem>> -> memref<128xi32, #tpu.memory_space<vmem>>
    %dma_start3A_43 = arith.constant 0 : i32
    %dma_start3A_44 = arith.constant 0 : i32
    %dma_start3A_45 = tpu.memref_slice %arg2[%dma_start3A_43, %dma_start3A_44] : memref<10000x16xf32, #tpu.memory_space<hbm>> -> memref<10000x16xf32, #tpu.memory_space<hbm>>
    tpu.enqueue_indirect_dma source(%dma_start3A_45 : memref<10000x16xf32, #tpu.memory_space<hbm>>) target(%arg8 : memref<128x16xf32, #tpu.memory_space<vmem>>) offsets(%dma_start3A_42 : memref<128xi32, #tpu.memory_space<vmem>>) semaphore(%arg14 : memref<!tpu.dma_semaphore, #tpu.memory_space<semaphore_mem>>)
    %dma_start3A_46 = arith.constant 2 : i32
    %dma_start3A_47 = arith.constant 0 : i32
    %dma_start3A_48 = tpu.memref_slice %arg5[%dma_start3A_46, %dma_start3A_47] : memref<80x128xi32, #tpu.memory_space<vmem>> -> memref<1x128xi32, #tpu.memory_space<vmem>>
    %dma_start3A_49 = tpu.memref_squeeze %dma_start3A_48 : memref<1x128xi32, #tpu.memory_space<vmem>> -> memref<128xi32, #tpu.memory_space<vmem>>
    %dma_start3A_50 = arith.constant 0 : i32
    %dma_start3A_51 = arith.constant 0 : i32
    %dma_start3A_52 = tpu.memref_slice %arg2[%dma_start3A_50, %dma_start3A_51] : memref<10000x16xf32, #tpu.memory_space<hbm>> -> memref<10000x16xf32, #tpu.memory_space<hbm>>
    tpu.enqueue_indirect_dma source(%dma_start3A_52 : memref<10000x16xf32, #tpu.memory_space<hbm>>) target(%arg9 : memref<128x16xf32, #tpu.memory_space<vmem>>) offsets(%dma_start3A_49 : memref<128xi32, #tpu.memory_space<vmem>>) semaphore(%arg15 : memref<!tpu.dma_semaphore, #tpu.memory_space<semaphore_mem>>)
    %dma_start3A_53 = arith.constant 3 : i32
    %dma_start3A_54 = arith.constant 0 : i32
    %dma_start3A_55 = tpu.memref_slice %arg5[%dma_start3A_53, %dma_start3A_54] : memref<80x128xi32, #tpu.memory_space<vmem>> -> memref<1x128xi32, #tpu.memory_space<vmem>>
    %dma_start3A_56 = tpu.memref_squeeze %dma_start3A_55 : memref<1x128xi32, #tpu.memory_space<vmem>> -> memref<128xi32, #tpu.memory_space<vmem>>
    %dma_start3A_57 = arith.constant 0 : i32
    %dma_start3A_58 = arith.constant 0 : i32
    %dma_start3A_59 = tpu.memref_slice %arg2[%dma_start3A_57, %dma_start3A_58] : memref<10000x16xf32, #tpu.memory_space<hbm>> -> memref<10000x16xf32, #tpu.memory_space<hbm>>
    tpu.enqueue_indirect_dma source(%dma_start3A_59 : memref<10000x16xf32, #tpu.memory_space<hbm>>) target(%arg10 : memref<128x16xf32, #tpu.memory_space<vmem>>) offsets(%dma_start3A_56 : memref<128xi32, #tpu.memory_space<vmem>>) semaphore(%arg16 : memref<!tpu.dma_semaphore, #tpu.memory_space<semaphore_mem>>)
    %jit3A = arith.constant 4 : i32
    %div3A = arith.divsi %add3A_19, %jit3A : i32
    %sign3A = arith.constant 0 : i32
    %sign3A_60 = arith.cmpi sgt, %add3A_19, %sign3A : i32
    %sign3A_61 = arith.extui %sign3A_60 : i1 to i32
    %sign3A_62 = arith.constant 0 : i32
    %sign3A_63 = arith.cmpi slt, %add3A_19, %sign3A_62 : i32
    %sign3A_64 = arith.extui %sign3A_63 : i1 to i32
    %sign3A_65 = arith.subi %sign3A_61, %sign3A_64 : i32
    %sign3A_66 = arith.constant 0 : i32
    %sign3A_67 = arith.cmpi sgt, %jit3A, %sign3A_66 : i32
    %sign3A_68 = arith.extui %sign3A_67 : i1 to i32
    %sign3A_69 = arith.constant 0 : i32
    %sign3A_70 = arith.cmpi slt, %jit3A, %sign3A_69 : i32
    %sign3A_71 = arith.extui %sign3A_70 : i1 to i32
    %sign3A_72 = arith.subi %sign3A_68, %sign3A_71 : i32
    %ne3A = arith.cmpi ne, %sign3A_65, %sign3A_72 : i32
    %rem3A = arith.remsi %add3A_19, %jit3A : i32
    %ne3A_73 = arith.constant 0 : i32
    %ne3A_74 = arith.cmpi ne, %rem3A, %ne3A_73 : i32
    %and3A = arith.andi %ne3A, %ne3A_74 : i1
    %sub3A = arith.constant 1 : i32
    %sub3A_75 = arith.subi %div3A, %sub3A : i32
    %select_n3A = arith.select %and3A, %sub3A_75, %div3A : i32
    %while3A = arith.constant 0 : i32
    %while3A_76 = arith.constant 0 : i32
    %while3A_77 = arith.subi %select_n3A, %while3A_76 : i32
    %while3A_78 = arith.addi %while3A_76, %while3A_77 : i32
    %while3A_79 = arith.constant 1 : i32
    %while3A_80 = arith.divsi %while3A_77, %while3A_79 : i32
    %while3A_81 = arith.muli %while3A_80, %while3A_79 : i32
    %while3A_82 = arith.addi %while3A_76, %while3A_81 : i32
    %while3A_83 = arith.constant 1 : i32
    scf.for %while3A_90 = %while3A_76 to %while3A_82 step %while3A_83  : i32 {
      %mul3A_91 = arith.constant 4 : i32
      %mul3A_92 = arith.muli %while3A_90, %mul3A_91 : i32
      %add3A_93 = arith.constant 0 : i32
      %add3A_94 = arith.addi %mul3A_92, %add3A_93 : i32
      %dma_wait3A = arith.constant 0 : i32
      %dma_wait3A_95 = tpu.memref_slice %arg5[%add3A_94, %dma_wait3A] : memref<80x128xi32, #tpu.memory_space<vmem>> -> memref<1x128xi32, #tpu.memory_space<vmem>>
      %dma_wait3A_96 = tpu.memref_squeeze %dma_wait3A_95 : memref<1x128xi32, #tpu.memory_space<vmem>> -> memref<128xi32, #tpu.memory_space<vmem>>
      %dma_wait3A_97 = arith.constant 0 : i32
      %dma_wait3A_98 = arith.constant 0 : i32
      %dma_wait3A_99 = tpu.memref_slice %arg2[%dma_wait3A_97, %dma_wait3A_98] : memref<10000x16xf32, #tpu.memory_space<hbm>> -> memref<10000x16xf32, #tpu.memory_space<hbm>>
      tpu.wait_indirect_dma semaphore(%arg13 : memref<!tpu.dma_semaphore, #tpu.memory_space<semaphore_mem>>) src(%dma_wait3A_99 : memref<10000x16xf32, #tpu.memory_space<hbm>>) dst(%arg7 : memref<128x16xf32, #tpu.memory_space<vmem>>)
      "tpu.region"() ({
        %run_scoped3A = tpu.sem_alloc : memref<!tpu.dma_semaphore, #tpu.memory_space<semaphore_mem>>
        %dma_start3A_148 = arith.constant 0 : i32
        %dma_start3A_149 = tpu.memref_slice %arg6[%add3A_94, %dma_start3A_148] : memref<80x128xi32, #tpu.memory_space<vmem>> -> memref<1x128xi32, #tpu.memory_space<vmem>>
        %dma_start3A_150 = tpu.memref_squeeze %dma_start3A_149 : memref<1x128xi32, #tpu.memory_space<vmem>> -> memref<128xi32, #tpu.memory_space<vmem>>
        %dma_start3A_151 = arith.constant 0 : i32
        %dma_start3A_152 = arith.constant 0 : i32
        %dma_start3A_153 = tpu.memref_slice %arg12[%dma_start3A_151, %dma_start3A_152] : memref<10000x16xf32, #tpu.memory_space<vmem_shared>> -> memref<10000x16xf32, #tpu.memory_space<vmem_shared>>
        tpu.enqueue_indirect_dma source(%arg7 : memref<128x16xf32, #tpu.memory_space<vmem>>) target(%dma_start3A_153 : memref<10000x16xf32, #tpu.memory_space<vmem_shared>>) offsets(%dma_start3A_150 : memref<128xi32, #tpu.memory_space<vmem>>) semaphore(%run_scoped3A : memref<!tpu.dma_semaphore, #tpu.memory_space<semaphore_mem>>) {add = true}
        %dma_wait3A_154 = arith.constant 0 : i32
        %dma_wait3A_155 = tpu.memref_slice %arg6[%add3A_94, %dma_wait3A_154] : memref<80x128xi32, #tpu.memory_space<vmem>> -> memref<1x128xi32, #tpu.memory_space<vmem>>
        %dma_wait3A_156 = tpu.memref_squeeze %dma_wait3A_155 : memref<1x128xi32, #tpu.memory_space<vmem>> -> memref<128xi32, #tpu.memory_space<vmem>>
        %dma_wait3A_157 = arith.constant 0 : i32
        %dma_wait3A_158 = arith.constant 0 : i32
        %dma_wait3A_159 = tpu.memref_slice %arg12[%dma_wait3A_157, %dma_wait3A_158] : memref<10000x16xf32, #tpu.memory_space<vmem_shared>> -> memref<10000x16xf32, #tpu.memory_space<vmem_shared>>
        tpu.wait_indirect_dma semaphore(%run_scoped3A : memref<!tpu.dma_semaphore, #tpu.memory_space<semaphore_mem>>) src(%arg7 : memref<128x16xf32, #tpu.memory_space<vmem>>) dst(%dma_wait3A_159 : memref<10000x16xf32, #tpu.memory_space<vmem_shared>>)
        tpu.yield
      }) : () -> ()
      %add3A_100 = arith.constant 4 : i32
      %add3A_101 = arith.addi %add3A_94, %add3A_100 : i32
      %lt3A_102 = arith.cmpi slt, %add3A_101, %add3A_19 : i32
      %convert_element_type3A_103 = arith.extui %lt3A_102 : i1 to i32
      %cond3A_104 = arith.constant 0 : i32
      %cond3A_105 = arith.cmpi ne, %convert_element_type3A_103, %cond3A_104 : i32
      scf.if %cond3A_105 {
        %add3A_148 = arith.constant 4 : i32
        %add3A_149 = arith.addi %add3A_94, %add3A_148 : i32
        %dma_start3A_150 = arith.constant 0 : i32
        %dma_start3A_151 = tpu.memref_slice %arg5[%add3A_149, %dma_start3A_150] : memref<80x128xi32, #tpu.memory_space<vmem>> -> memref<1x128xi32, #tpu.memory_space<vmem>>
        %dma_start3A_152 = tpu.memref_squeeze %dma_start3A_151 : memref<1x128xi32, #tpu.memory_space<vmem>> -> memref<128xi32, #tpu.memory_space<vmem>>
        %dma_start3A_153 = arith.constant 0 : i32
        %dma_start3A_154 = arith.constant 0 : i32
        %dma_start3A_155 = tpu.memref_slice %arg2[%dma_start3A_153, %dma_start3A_154] : memref<10000x16xf32, #tpu.memory_space<hbm>> -> memref<10000x16xf32, #tpu.memory_space<hbm>>
        tpu.enqueue_indirect_dma source(%dma_start3A_155 : memref<10000x16xf32, #tpu.memory_space<hbm>>) target(%arg7 : memref<128x16xf32, #tpu.memory_space<vmem>>) offsets(%dma_start3A_152 : memref<128xi32, #tpu.memory_space<vmem>>) semaphore(%arg13 : memref<!tpu.dma_semaphore, #tpu.memory_space<semaphore_mem>>)
      } else {
      }
      %add3A_106 = arith.constant 1 : i32
      %add3A_107 = arith.addi %mul3A_92, %add3A_106 : i32
      %dma_wait3A_108 = arith.constant 0 : i32
      %dma_wait3A_109 = tpu.memref_slice %arg5[%add3A_107, %dma_wait3A_108] : memref<80x128xi32, #tpu.memory_space<vmem>> -> memref<1x128xi32, #tpu.memory_space<vmem>>
      %dma_wait3A_110 = tpu.memref_squeeze %dma_wait3A_109 : memref<1x128xi32, #tpu.memory_space<vmem>> -> memref<128xi32, #tpu.memory_space<vmem>>
      %dma_wait3A_111 = arith.constant 0 : i32
      %dma_wait3A_112 = arith.constant 0 : i32
      %dma_wait3A_113 = tpu.memref_slice %arg2[%dma_wait3A_111, %dma_wait3A_112] : memref<10000x16xf32, #tpu.memory_space<hbm>> -> memref<10000x16xf32, #tpu.memory_space<hbm>>
      tpu.wait_indirect_dma semaphore(%arg14 : memref<!tpu.dma_semaphore, #tpu.memory_space<semaphore_mem>>) src(%dma_wait3A_113 : memref<10000x16xf32, #tpu.memory_space<hbm>>) dst(%arg8 : memref<128x16xf32, #tpu.memory_space<vmem>>)
      "tpu.region"() ({
        %run_scoped3A = tpu.sem_alloc : memref<!tpu.dma_semaphore, #tpu.memory_space<semaphore_mem>>
        %dma_start3A_148 = arith.constant 0 : i32
        %dma_start3A_149 = tpu.memref_slice %arg6[%add3A_107, %dma_start3A_148] : memref<80x128xi32, #tpu.memory_space<vmem>> -> memref<1x128xi32, #tpu.memory_space<vmem>>
        %dma_start3A_150 = tpu.memref_squeeze %dma_start3A_149 : memref<1x128xi32, #tpu.memory_space<vmem>> -> memref<128xi32, #tpu.memory_space<vmem>>
        %dma_start3A_151 = arith.constant 0 : i32
        %dma_start3A_152 = arith.constant 0 : i32
        %dma_start3A_153 = tpu.memref_slice %arg12[%dma_start3A_151, %dma_start3A_152] : memref<10000x16xf32, #tpu.memory_space<vmem_shared>> -> memref<10000x16xf32, #tpu.memory_space<vmem_shared>>
        tpu.enqueue_indirect_dma source(%arg8 : memref<128x16xf32, #tpu.memory_space<vmem>>) target(%dma_start3A_153 : memref<10000x16xf32, #tpu.memory_space<vmem_shared>>) offsets(%dma_start3A_150 : memref<128xi32, #tpu.memory_space<vmem>>) semaphore(%run_scoped3A : memref<!tpu.dma_semaphore, #tpu.memory_space<semaphore_mem>>) {add = true}
        %dma_wait3A_154 = arith.constant 0 : i32
        %dma_wait3A_155 = tpu.memref_slice %arg6[%add3A_107, %dma_wait3A_154] : memref<80x128xi32, #tpu.memory_space<vmem>> -> memref<1x128xi32, #tpu.memory_space<vmem>>
        %dma_wait3A_156 = tpu.memref_squeeze %dma_wait3A_155 : memref<1x128xi32, #tpu.memory_space<vmem>> -> memref<128xi32, #tpu.memory_space<vmem>>
        %dma_wait3A_157 = arith.constant 0 : i32
        %dma_wait3A_158 = arith.constant 0 : i32
        %dma_wait3A_159 = tpu.memref_slice %arg12[%dma_wait3A_157, %dma_wait3A_158] : memref<10000x16xf32, #tpu.memory_space<vmem_shared>> -> memref<10000x16xf32, #tpu.memory_space<vmem_shared>>
        tpu.wait_indirect_dma semaphore(%run_scoped3A : memref<!tpu.dma_semaphore, #tpu.memory_space<semaphore_mem>>) src(%arg8 : memref<128x16xf32, #tpu.memory_space<vmem>>) dst(%dma_wait3A_159 : memref<10000x16xf32, #tpu.memory_space<vmem_shared>>)
        tpu.yield
      }) : () -> ()
      %add3A_114 = arith.constant 4 : i32
      %add3A_115 = arith.addi %add3A_107, %add3A_114 : i32
      %lt3A_116 = arith.cmpi slt, %add3A_115, %add3A_19 : i32
      %convert_element_type3A_117 = arith.extui %lt3A_116 : i1 to i32
      %cond3A_118 = arith.constant 0 : i32
      %cond3A_119 = arith.cmpi ne, %convert_element_type3A_117, %cond3A_118 : i32
      scf.if %cond3A_119 {
        %add3A_148 = arith.constant 4 : i32
        %add3A_149 = arith.addi %add3A_107, %add3A_148 : i32
        %dma_start3A_150 = arith.constant 0 : i32
        %dma_start3A_151 = tpu.memref_slice %arg5[%add3A_149, %dma_start3A_150] : memref<80x128xi32, #tpu.memory_space<vmem>> -> memref<1x128xi32, #tpu.memory_space<vmem>>
        %dma_start3A_152 = tpu.memref_squeeze %dma_start3A_151 : memref<1x128xi32, #tpu.memory_space<vmem>> -> memref<128xi32, #tpu.memory_space<vmem>>
        %dma_start3A_153 = arith.constant 0 : i32
        %dma_start3A_154 = arith.constant 0 : i32
        %dma_start3A_155 = tpu.memref_slice %arg2[%dma_start3A_153, %dma_start3A_154] : memref<10000x16xf32, #tpu.memory_space<hbm>> -> memref<10000x16xf32, #tpu.memory_space<hbm>>
        tpu.enqueue_indirect_dma source(%dma_start3A_155 : memref<10000x16xf32, #tpu.memory_space<hbm>>) target(%arg8 : memref<128x16xf32, #tpu.memory_space<vmem>>) offsets(%dma_start3A_152 : memref<128xi32, #tpu.memory_space<vmem>>) semaphore(%arg14 : memref<!tpu.dma_semaphore, #tpu.memory_space<semaphore_mem>>)
      } else {
      }
      %add3A_120 = arith.constant 2 : i32
      %add3A_121 = arith.addi %mul3A_92, %add3A_120 : i32
      %dma_wait3A_122 = arith.constant 0 : i32
      %dma_wait3A_123 = tpu.memref_slice %arg5[%add3A_121, %dma_wait3A_122] : memref<80x128xi32, #tpu.memory_space<vmem>> -> memref<1x128xi32, #tpu.memory_space<vmem>>
      %dma_wait3A_124 = tpu.memref_squeeze %dma_wait3A_123 : memref<1x128xi32, #tpu.memory_space<vmem>> -> memref<128xi32, #tpu.memory_space<vmem>>
      %dma_wait3A_125 = arith.constant 0 : i32
      %dma_wait3A_126 = arith.constant 0 : i32
      %dma_wait3A_127 = tpu.memref_slice %arg2[%dma_wait3A_125, %dma_wait3A_126] : memref<10000x16xf32, #tpu.memory_space<hbm>> -> memref<10000x16xf32, #tpu.memory_space<hbm>>
      tpu.wait_indirect_dma semaphore(%arg15 : memref<!tpu.dma_semaphore, #tpu.memory_space<semaphore_mem>>) src(%dma_wait3A_127 : memref<10000x16xf32, #tpu.memory_space<hbm>>) dst(%arg9 : memref<128x16xf32, #tpu.memory_space<vmem>>)
      "tpu.region"() ({
        %run_scoped3A = tpu.sem_alloc : memref<!tpu.dma_semaphore, #tpu.memory_space<semaphore_mem>>
        %dma_start3A_148 = arith.constant 0 : i32
        %dma_start3A_149 = tpu.memref_slice %arg6[%add3A_121, %dma_start3A_148] : memref<80x128xi32, #tpu.memory_space<vmem>> -> memref<1x128xi32, #tpu.memory_space<vmem>>
        %dma_start3A_150 = tpu.memref_squeeze %dma_start3A_149 : memref<1x128xi32, #tpu.memory_space<vmem>> -> memref<128xi32, #tpu.memory_space<vmem>>
        %dma_start3A_151 = arith.constant 0 : i32
        %dma_start3A_152 = arith.constant 0 : i32
        %dma_start3A_153 = tpu.memref_slice %arg12[%dma_start3A_151, %dma_start3A_152] : memref<10000x16xf32, #tpu.memory_space<vmem_shared>> -> memref<10000x16xf32, #tpu.memory_space<vmem_shared>>
        tpu.enqueue_indirect_dma source(%arg9 : memref<128x16xf32, #tpu.memory_space<vmem>>) target(%dma_start3A_153 : memref<10000x16xf32, #tpu.memory_space<vmem_shared>>) offsets(%dma_start3A_150 : memref<128xi32, #tpu.memory_space<vmem>>) semaphore(%run_scoped3A : memref<!tpu.dma_semaphore, #tpu.memory_space<semaphore_mem>>) {add = true}
        %dma_wait3A_154 = arith.constant 0 : i32
        %dma_wait3A_155 = tpu.memref_slice %arg6[%add3A_121, %dma_wait3A_154] : memref<80x128xi32, #tpu.memory_space<vmem>> -> memref<1x128xi32, #tpu.memory_space<vmem>>
        %dma_wait3A_156 = tpu.memref_squeeze %dma_wait3A_155 : memref<1x128xi32, #tpu.memory_space<vmem>> -> memref<128xi32, #tpu.memory_space<vmem>>
        %dma_wait3A_157 = arith.constant 0 : i32
        %dma_wait3A_158 = arith.constant 0 : i32
        %dma_wait3A_159 = tpu.memref_slice %arg12[%dma_wait3A_157, %dma_wait3A_158] : memref<10000x16xf32, #tpu.memory_space<vmem_shared>> -> memref<10000x16xf32, #tpu.memory_space<vmem_shared>>
        tpu.wait_indirect_dma semaphore(%run_scoped3A : memref<!tpu.dma_semaphore, #tpu.memory_space<semaphore_mem>>) src(%arg9 : memref<128x16xf32, #tpu.memory_space<vmem>>) dst(%dma_wait3A_159 : memref<10000x16xf32, #tpu.memory_space<vmem_shared>>)
        tpu.yield
      }) : () -> ()
      %add3A_128 = arith.constant 4 : i32
      %add3A_129 = arith.addi %add3A_121, %add3A_128 : i32
      %lt3A_130 = arith.cmpi slt, %add3A_129, %add3A_19 : i32
      %convert_element_type3A_131 = arith.extui %lt3A_130 : i1 to i32
      %cond3A_132 = arith.constant 0 : i32
      %cond3A_133 = arith.cmpi ne, %convert_element_type3A_131, %cond3A_132 : i32
      scf.if %cond3A_133 {
        %add3A_148 = arith.constant 4 : i32
        %add3A_149 = arith.addi %add3A_121, %add3A_148 : i32
        %dma_start3A_150 = arith.constant 0 : i32
        %dma_start3A_151 = tpu.memref_slice %arg5[%add3A_149, %dma_start3A_150] : memref<80x128xi32, #tpu.memory_space<vmem>> -> memref<1x128xi32, #tpu.memory_space<vmem>>
        %dma_start3A_152 = tpu.memref_squeeze %dma_start3A_151 : memref<1x128xi32, #tpu.memory_space<vmem>> -> memref<128xi32, #tpu.memory_space<vmem>>
        %dma_start3A_153 = arith.constant 0 : i32
        %dma_start3A_154 = arith.constant 0 : i32
        %dma_start3A_155 = tpu.memref_slice %arg2[%dma_start3A_153, %dma_start3A_154] : memref<10000x16xf32, #tpu.memory_space<hbm>> -> memref<10000x16xf32, #tpu.memory_space<hbm>>
        tpu.enqueue_indirect_dma source(%dma_start3A_155 : memref<10000x16xf32, #tpu.memory_space<hbm>>) target(%arg9 : memref<128x16xf32, #tpu.memory_space<vmem>>) offsets(%dma_start3A_152 : memref<128xi32, #tpu.memory_space<vmem>>) semaphore(%arg15 : memref<!tpu.dma_semaphore, #tpu.memory_space<semaphore_mem>>)
      } else {
      }
      %add3A_134 = arith.constant 3 : i32
      %add3A_135 = arith.addi %mul3A_92, %add3A_134 : i32
      %dma_wait3A_136 = arith.constant 0 : i32
      %dma_wait3A_137 = tpu.memref_slice %arg5[%add3A_135, %dma_wait3A_136] : memref<80x128xi32, #tpu.memory_space<vmem>> -> memref<1x128xi32, #tpu.memory_space<vmem>>
      %dma_wait3A_138 = tpu.memref_squeeze %dma_wait3A_137 : memref<1x128xi32, #tpu.memory_space<vmem>> -> memref<128xi32, #tpu.memory_space<vmem>>
      %dma_wait3A_139 = arith.constant 0 : i32
      %dma_wait3A_140 = arith.constant 0 : i32
      %dma_wait3A_141 = tpu.memref_slice %arg2[%dma_wait3A_139, %dma_wait3A_140] : memref<10000x16xf32, #tpu.memory_space<hbm>> -> memref<10000x16xf32, #tpu.memory_space<hbm>>
      tpu.wait_indirect_dma semaphore(%arg16 : memref<!tpu.dma_semaphore, #tpu.memory_space<semaphore_mem>>) src(%dma_wait3A_141 : memref<10000x16xf32, #tpu.memory_space<hbm>>) dst(%arg10 : memref<128x16xf32, #tpu.memory_space<vmem>>)
      "tpu.region"() ({
        %run_scoped3A = tpu.sem_alloc : memref<!tpu.dma_semaphore, #tpu.memory_space<semaphore_mem>>
        %dma_start3A_148 = arith.constant 0 : i32
        %dma_start3A_149 = tpu.memref_slice %arg6[%add3A_135, %dma_start3A_148] : memref<80x128xi32, #tpu.memory_space<vmem>> -> memref<1x128xi32, #tpu.memory_space<vmem>>
        %dma_start3A_150 = tpu.memref_squeeze %dma_start3A_149 : memref<1x128xi32, #tpu.memory_space<vmem>> -> memref<128xi32, #tpu.memory_space<vmem>>
        %dma_start3A_151 = arith.constant 0 : i32
        %dma_start3A_152 = arith.constant 0 : i32
        %dma_start3A_153 = tpu.memref_slice %arg12[%dma_start3A_151, %dma_start3A_152] : memref<10000x16xf32, #tpu.memory_space<vmem_shared>> -> memref<10000x16xf32, #tpu.memory_space<vmem_shared>>
        tpu.enqueue_indirect_dma source(%arg10 : memref<128x16xf32, #tpu.memory_space<vmem>>) target(%dma_start3A_153 : memref<10000x16xf32, #tpu.memory_space<vmem_shared>>) offsets(%dma_start3A_150 : memref<128xi32, #tpu.memory_space<vmem>>) semaphore(%run_scoped3A : memref<!tpu.dma_semaphore, #tpu.memory_space<semaphore_mem>>) {add = true}
        %dma_wait3A_154 = arith.constant 0 : i32
        %dma_wait3A_155 = tpu.memref_slice %arg6[%add3A_135, %dma_wait3A_154] : memref<80x128xi32, #tpu.memory_space<vmem>> -> memref<1x128xi32, #tpu.memory_space<vmem>>
        %dma_wait3A_156 = tpu.memref_squeeze %dma_wait3A_155 : memref<1x128xi32, #tpu.memory_space<vmem>> -> memref<128xi32, #tpu.memory_space<vmem>>
        %dma_wait3A_157 = arith.constant 0 : i32
        %dma_wait3A_158 = arith.constant 0 : i32
        %dma_wait3A_159 = tpu.memref_slice %arg12[%dma_wait3A_157, %dma_wait3A_158] : memref<10000x16xf32, #tpu.memory_space<vmem_shared>> -> memref<10000x16xf32, #tpu.memory_space<vmem_shared>>
        tpu.wait_indirect_dma semaphore(%run_scoped3A : memref<!tpu.dma_semaphore, #tpu.memory_space<semaphore_mem>>) src(%arg10 : memref<128x16xf32, #tpu.memory_space<vmem>>) dst(%dma_wait3A_159 : memref<10000x16xf32, #tpu.memory_space<vmem_shared>>)
        tpu.yield
      }) : () -> ()
      %add3A_142 = arith.constant 4 : i32
      %add3A_143 = arith.addi %add3A_135, %add3A_142 : i32
      %lt3A_144 = arith.cmpi slt, %add3A_143, %add3A_19 : i32
      %convert_element_type3A_145 = arith.extui %lt3A_144 : i1 to i32
      %cond3A_146 = arith.constant 0 : i32
      %cond3A_147 = arith.cmpi ne, %convert_element_type3A_145, %cond3A_146 : i32
      scf.if %cond3A_147 {
        %add3A_148 = arith.constant 4 : i32
        %add3A_149 = arith.addi %add3A_135, %add3A_148 : i32
        %dma_start3A_150 = arith.constant 0 : i32
        %dma_start3A_151 = tpu.memref_slice %arg5[%add3A_149, %dma_start3A_150] : memref<80x128xi32, #tpu.memory_space<vmem>> -> memref<1x128xi32, #tpu.memory_space<vmem>>
        %dma_start3A_152 = tpu.memref_squeeze %dma_start3A_151 : memref<1x128xi32, #tpu.memory_space<vmem>> -> memref<128xi32, #tpu.memory_space<vmem>>
        %dma_start3A_153 = arith.constant 0 : i32
        %dma_start3A_154 = arith.constant 0 : i32
        %dma_start3A_155 = tpu.memref_slice %arg2[%dma_start3A_153, %dma_start3A_154] : memref<10000x16xf32, #tpu.memory_space<hbm>> -> memref<10000x16xf32, #tpu.memory_space<hbm>>
        tpu.enqueue_indirect_dma source(%dma_start3A_155 : memref<10000x16xf32, #tpu.memory_space<hbm>>) target(%arg10 : memref<128x16xf32, #tpu.memory_space<vmem>>) offsets(%dma_start3A_152 : memref<128xi32, #tpu.memory_space<vmem>>) semaphore(%arg16 : memref<!tpu.dma_semaphore, #tpu.memory_space<semaphore_mem>>)
      } else {
      }
    }
    %while3A_84 = arith.constant 1 : i32
    scf.for %while3A_90 = %while3A_82 to %while3A_78 step %while3A_84  : i32 {
      %mul3A_91 = arith.constant 4 : i32
      %mul3A_92 = arith.muli %while3A_90, %mul3A_91 : i32
      %add3A_93 = arith.constant 0 : i32
      %add3A_94 = arith.addi %mul3A_92, %add3A_93 : i32
      %dma_wait3A = arith.constant 0 : i32
      %dma_wait3A_95 = tpu.memref_slice %arg5[%add3A_94, %dma_wait3A] : memref<80x128xi32, #tpu.memory_space<vmem>> -> memref<1x128xi32, #tpu.memory_space<vmem>>
      %dma_wait3A_96 = tpu.memref_squeeze %dma_wait3A_95 : memref<1x128xi32, #tpu.memory_space<vmem>> -> memref<128xi32, #tpu.memory_space<vmem>>
      %dma_wait3A_97 = arith.constant 0 : i32
      %dma_wait3A_98 = arith.constant 0 : i32
      %dma_wait3A_99 = tpu.memref_slice %arg2[%dma_wait3A_97, %dma_wait3A_98] : memref<10000x16xf32, #tpu.memory_space<hbm>> -> memref<10000x16xf32, #tpu.memory_space<hbm>>
      tpu.wait_indirect_dma semaphore(%arg13 : memref<!tpu.dma_semaphore, #tpu.memory_space<semaphore_mem>>) src(%dma_wait3A_99 : memref<10000x16xf32, #tpu.memory_space<hbm>>) dst(%arg7 : memref<128x16xf32, #tpu.memory_space<vmem>>)
      "tpu.region"() ({
        %run_scoped3A = tpu.sem_alloc : memref<!tpu.dma_semaphore, #tpu.memory_space<semaphore_mem>>
        %dma_start3A_148 = arith.constant 0 : i32
        %dma_start3A_149 = tpu.memref_slice %arg6[%add3A_94, %dma_start3A_148] : memref<80x128xi32, #tpu.memory_space<vmem>> -> memref<1x128xi32, #tpu.memory_space<vmem>>
        %dma_start3A_150 = tpu.memref_squeeze %dma_start3A_149 : memref<1x128xi32, #tpu.memory_space<vmem>> -> memref<128xi32, #tpu.memory_space<vmem>>
        %dma_start3A_151 = arith.constant 0 : i32
        %dma_start3A_152 = arith.constant 0 : i32
        %dma_start3A_153 = tpu.memref_slice %arg12[%dma_start3A_151, %dma_start3A_152] : memref<10000x16xf32, #tpu.memory_space<vmem_shared>> -> memref<10000x16xf32, #tpu.memory_space<vmem_shared>>
        tpu.enqueue_indirect_dma source(%arg7 : memref<128x16xf32, #tpu.memory_space<vmem>>) target(%dma_start3A_153 : memref<10000x16xf32, #tpu.memory_space<vmem_shared>>) offsets(%dma_start3A_150 : memref<128xi32, #tpu.memory_space<vmem>>) semaphore(%run_scoped3A : memref<!tpu.dma_semaphore, #tpu.memory_space<semaphore_mem>>) {add = true}
        %dma_wait3A_154 = arith.constant 0 : i32
        %dma_wait3A_155 = tpu.memref_slice %arg6[%add3A_94, %dma_wait3A_154] : memref<80x128xi32, #tpu.memory_space<vmem>> -> memref<1x128xi32, #tpu.memory_space<vmem>>
        %dma_wait3A_156 = tpu.memref_squeeze %dma_wait3A_155 : memref<1x128xi32, #tpu.memory_space<vmem>> -> memref<128xi32, #tpu.memory_space<vmem>>
        %dma_wait3A_157 = arith.constant 0 : i32
        %dma_wait3A_158 = arith.constant 0 : i32
        %dma_wait3A_159 = tpu.memref_slice %arg12[%dma_wait3A_157, %dma_wait3A_158] : memref<10000x16xf32, #tpu.memory_space<vmem_shared>> -> memref<10000x16xf32, #tpu.memory_space<vmem_shared>>
        tpu.wait_indirect_dma semaphore(%run_scoped3A : memref<!tpu.dma_semaphore, #tpu.memory_space<semaphore_mem>>) src(%arg7 : memref<128x16xf32, #tpu.memory_space<vmem>>) dst(%dma_wait3A_159 : memref<10000x16xf32, #tpu.memory_space<vmem_shared>>)
        tpu.yield
      }) : () -> ()
      %add3A_100 = arith.constant 4 : i32
      %add3A_101 = arith.addi %add3A_94, %add3A_100 : i32
      %lt3A_102 = arith.cmpi slt, %add3A_101, %add3A_19 : i32
      %convert_element_type3A_103 = arith.extui %lt3A_102 : i1 to i32
      %cond3A_104 = arith.constant 0 : i32
      %cond3A_105 = arith.cmpi ne, %convert_element_type3A_103, %cond3A_104 : i32
      scf.if %cond3A_105 {
        %add3A_148 = arith.constant 4 : i32
        %add3A_149 = arith.addi %add3A_94, %add3A_148 : i32
        %dma_start3A_150 = arith.constant 0 : i32
        %dma_start3A_151 = tpu.memref_slice %arg5[%add3A_149, %dma_start3A_150] : memref<80x128xi32, #tpu.memory_space<vmem>> -> memref<1x128xi32, #tpu.memory_space<vmem>>
        %dma_start3A_152 = tpu.memref_squeeze %dma_start3A_151 : memref<1x128xi32, #tpu.memory_space<vmem>> -> memref<128xi32, #tpu.memory_space<vmem>>
        %dma_start3A_153 = arith.constant 0 : i32
        %dma_start3A_154 = arith.constant 0 : i32
        %dma_start3A_155 = tpu.memref_slice %arg2[%dma_start3A_153, %dma_start3A_154] : memref<10000x16xf32, #tpu.memory_space<hbm>> -> memref<10000x16xf32, #tpu.memory_space<hbm>>
        tpu.enqueue_indirect_dma source(%dma_start3A_155 : memref<10000x16xf32, #tpu.memory_space<hbm>>) target(%arg7 : memref<128x16xf32, #tpu.memory_space<vmem>>) offsets(%dma_start3A_152 : memref<128xi32, #tpu.memory_space<vmem>>) semaphore(%arg13 : memref<!tpu.dma_semaphore, #tpu.memory_space<semaphore_mem>>)
      } else {
      }
      %add3A_106 = arith.constant 1 : i32
      %add3A_107 = arith.addi %mul3A_92, %add3A_106 : i32
      %dma_wait3A_108 = arith.constant 0 : i32
      %dma_wait3A_109 = tpu.memref_slice %arg5[%add3A_107, %dma_wait3A_108] : memref<80x128xi32, #tpu.memory_space<vmem>> -> memref<1x128xi32, #tpu.memory_space<vmem>>
      %dma_wait3A_110 = tpu.memref_squeeze %dma_wait3A_109 : memref<1x128xi32, #tpu.memory_space<vmem>> -> memref<128xi32, #tpu.memory_space<vmem>>
      %dma_wait3A_111 = arith.constant 0 : i32
      %dma_wait3A_112 = arith.constant 0 : i32
      %dma_wait3A_113 = tpu.memref_slice %arg2[%dma_wait3A_111, %dma_wait3A_112] : memref<10000x16xf32, #tpu.memory_space<hbm>> -> memref<10000x16xf32, #tpu.memory_space<hbm>>
      tpu.wait_indirect_dma semaphore(%arg14 : memref<!tpu.dma_semaphore, #tpu.memory_space<semaphore_mem>>) src(%dma_wait3A_113 : memref<10000x16xf32, #tpu.memory_space<hbm>>) dst(%arg8 : memref<128x16xf32, #tpu.memory_space<vmem>>)
      "tpu.region"() ({
        %run_scoped3A = tpu.sem_alloc : memref<!tpu.dma_semaphore, #tpu.memory_space<semaphore_mem>>
        %dma_start3A_148 = arith.constant 0 : i32
        %dma_start3A_149 = tpu.memref_slice %arg6[%add3A_107, %dma_start3A_148] : memref<80x128xi32, #tpu.memory_space<vmem>> -> memref<1x128xi32, #tpu.memory_space<vmem>>
        %dma_start3A_150 = tpu.memref_squeeze %dma_start3A_149 : memref<1x128xi32, #tpu.memory_space<vmem>> -> memref<128xi32, #tpu.memory_space<vmem>>
        %dma_start3A_151 = arith.constant 0 : i32
        %dma_start3A_152 = arith.constant 0 : i32
        %dma_start3A_153 = tpu.memref_slice %arg12[%dma_start3A_151, %dma_start3A_152] : memref<10000x16xf32, #tpu.memory_space<vmem_shared>> -> memref<10000x16xf32, #tpu.memory_space<vmem_shared>>
        tpu.enqueue_indirect_dma source(%arg8 : memref<128x16xf32, #tpu.memory_space<vmem>>) target(%dma_start3A_153 : memref<10000x16xf32, #tpu.memory_space<vmem_shared>>) offsets(%dma_start3A_150 : memref<128xi32, #tpu.memory_space<vmem>>) semaphore(%run_scoped3A : memref<!tpu.dma_semaphore, #tpu.memory_space<semaphore_mem>>) {add = true}
        %dma_wait3A_154 = arith.constant 0 : i32
        %dma_wait3A_155 = tpu.memref_slice %arg6[%add3A_107, %dma_wait3A_154] : memref<80x128xi32, #tpu.memory_space<vmem>> -> memref<1x128xi32, #tpu.memory_space<vmem>>
        %dma_wait3A_156 = tpu.memref_squeeze %dma_wait3A_155 : memref<1x128xi32, #tpu.memory_space<vmem>> -> memref<128xi32, #tpu.memory_space<vmem>>
        %dma_wait3A_157 = arith.constant 0 : i32
        %dma_wait3A_158 = arith.constant 0 : i32
        %dma_wait3A_159 = tpu.memref_slice %arg12[%dma_wait3A_157, %dma_wait3A_158] : memref<10000x16xf32, #tpu.memory_space<vmem_shared>> -> memref<10000x16xf32, #tpu.memory_space<vmem_shared>>
        tpu.wait_indirect_dma semaphore(%run_scoped3A : memref<!tpu.dma_semaphore, #tpu.memory_space<semaphore_mem>>) src(%arg8 : memref<128x16xf32, #tpu.memory_space<vmem>>) dst(%dma_wait3A_159 : memref<10000x16xf32, #tpu.memory_space<vmem_shared>>)
        tpu.yield
      }) : () -> ()
      %add3A_114 = arith.constant 4 : i32
      %add3A_115 = arith.addi %add3A_107, %add3A_114 : i32
      %lt3A_116 = arith.cmpi slt, %add3A_115, %add3A_19 : i32
      %convert_element_type3A_117 = arith.extui %lt3A_116 : i1 to i32
      %cond3A_118 = arith.constant 0 : i32
      %cond3A_119 = arith.cmpi ne, %convert_element_type3A_117, %cond3A_118 : i32
      scf.if %cond3A_119 {
        %add3A_148 = arith.constant 4 : i32
        %add3A_149 = arith.addi %add3A_107, %add3A_148 : i32
        %dma_start3A_150 = arith.constant 0 : i32
        %dma_start3A_151 = tpu.memref_slice %arg5[%add3A_149, %dma_start3A_150] : memref<80x128xi32, #tpu.memory_space<vmem>> -> memref<1x128xi32, #tpu.memory_space<vmem>>
        %dma_start3A_152 = tpu.memref_squeeze %dma_start3A_151 : memref<1x128xi32, #tpu.memory_space<vmem>> -> memref<128xi32, #tpu.memory_space<vmem>>
        %dma_start3A_153 = arith.constant 0 : i32
        %dma_start3A_154 = arith.constant 0 : i32
        %dma_start3A_155 = tpu.memref_slice %arg2[%dma_start3A_153, %dma_start3A_154] : memref<10000x16xf32, #tpu.memory_space<hbm>> -> memref<10000x16xf32, #tpu.memory_space<hbm>>
        tpu.enqueue_indirect_dma source(%dma_start3A_155 : memref<10000x16xf32, #tpu.memory_space<hbm>>) target(%arg8 : memref<128x16xf32, #tpu.memory_space<vmem>>) offsets(%dma_start3A_152 : memref<128xi32, #tpu.memory_space<vmem>>) semaphore(%arg14 : memref<!tpu.dma_semaphore, #tpu.memory_space<semaphore_mem>>)
      } else {
      }
      %add3A_120 = arith.constant 2 : i32
      %add3A_121 = arith.addi %mul3A_92, %add3A_120 : i32
      %dma_wait3A_122 = arith.constant 0 : i32
      %dma_wait3A_123 = tpu.memref_slice %arg5[%add3A_121, %dma_wait3A_122] : memref<80x128xi32, #tpu.memory_space<vmem>> -> memref<1x128xi32, #tpu.memory_space<vmem>>
      %dma_wait3A_124 = tpu.memref_squeeze %dma_wait3A_123 : memref<1x128xi32, #tpu.memory_space<vmem>> -> memref<128xi32, #tpu.memory_space<vmem>>
      %dma_wait3A_125 = arith.constant 0 : i32
      %dma_wait3A_126 = arith.constant 0 : i32
      %dma_wait3A_127 = tpu.memref_slice %arg2[%dma_wait3A_125, %dma_wait3A_126] : memref<10000x16xf32, #tpu.memory_space<hbm>> -> memref<10000x16xf32, #tpu.memory_space<hbm>>
      tpu.wait_indirect_dma semaphore(%arg15 : memref<!tpu.dma_semaphore, #tpu.memory_space<semaphore_mem>>) src(%dma_wait3A_127 : memref<10000x16xf32, #tpu.memory_space<hbm>>) dst(%arg9 : memref<128x16xf32, #tpu.memory_space<vmem>>)
      "tpu.region"() ({
        %run_scoped3A = tpu.sem_alloc : memref<!tpu.dma_semaphore, #tpu.memory_space<semaphore_mem>>
        %dma_start3A_148 = arith.constant 0 : i32
        %dma_start3A_149 = tpu.memref_slice %arg6[%add3A_121, %dma_start3A_148] : memref<80x128xi32, #tpu.memory_space<vmem>> -> memref<1x128xi32, #tpu.memory_space<vmem>>
        %dma_start3A_150 = tpu.memref_squeeze %dma_start3A_149 : memref<1x128xi32, #tpu.memory_space<vmem>> -> memref<128xi32, #tpu.memory_space<vmem>>
        %dma_start3A_151 = arith.constant 0 : i32
        %dma_start3A_152 = arith.constant 0 : i32
        %dma_start3A_153 = tpu.memref_slice %arg12[%dma_start3A_151, %dma_start3A_152] : memref<10000x16xf32, #tpu.memory_space<vmem_shared>> -> memref<10000x16xf32, #tpu.memory_space<vmem_shared>>
        tpu.enqueue_indirect_dma source(%arg9 : memref<128x16xf32, #tpu.memory_space<vmem>>) target(%dma_start3A_153 : memref<10000x16xf32, #tpu.memory_space<vmem_shared>>) offsets(%dma_start3A_150 : memref<128xi32, #tpu.memory_space<vmem>>) semaphore(%run_scoped3A : memref<!tpu.dma_semaphore, #tpu.memory_space<semaphore_mem>>) {add = true}
        %dma_wait3A_154 = arith.constant 0 : i32
        %dma_wait3A_155 = tpu.memref_slice %arg6[%add3A_121, %dma_wait3A_154] : memref<80x128xi32, #tpu.memory_space<vmem>> -> memref<1x128xi32, #tpu.memory_space<vmem>>
        %dma_wait3A_156 = tpu.memref_squeeze %dma_wait3A_155 : memref<1x128xi32, #tpu.memory_space<vmem>> -> memref<128xi32, #tpu.memory_space<vmem>>
        %dma_wait3A_157 = arith.constant 0 : i32
        %dma_wait3A_158 = arith.constant 0 : i32
        %dma_wait3A_159 = tpu.memref_slice %arg12[%dma_wait3A_157, %dma_wait3A_158] : memref<10000x16xf32, #tpu.memory_space<vmem_shared>> -> memref<10000x16xf32, #tpu.memory_space<vmem_shared>>
        tpu.wait_indirect_dma semaphore(%run_scoped3A : memref<!tpu.dma_semaphore, #tpu.memory_space<semaphore_mem>>) src(%arg9 : memref<128x16xf32, #tpu.memory_space<vmem>>) dst(%dma_wait3A_159 : memref<10000x16xf32, #tpu.memory_space<vmem_shared>>)
        tpu.yield
      }) : () -> ()
      %add3A_128 = arith.constant 4 : i32
      %add3A_129 = arith.addi %add3A_121, %add3A_128 : i32
      %lt3A_130 = arith.cmpi slt, %add3A_129, %add3A_19 : i32
      %convert_element_type3A_131 = arith.extui %lt3A_130 : i1 to i32
      %cond3A_132 = arith.constant 0 : i32
      %cond3A_133 = arith.cmpi ne, %convert_element_type3A_131, %cond3A_132 : i32
      scf.if %cond3A_133 {
        %add3A_148 = arith.constant 4 : i32
        %add3A_149 = arith.addi %add3A_121, %add3A_148 : i32
        %dma_start3A_150 = arith.constant 0 : i32
        %dma_start3A_151 = tpu.memref_slice %arg5[%add3A_149, %dma_start3A_150] : memref<80x128xi32, #tpu.memory_space<vmem>> -> memref<1x128xi32, #tpu.memory_space<vmem>>
        %dma_start3A_152 = tpu.memref_squeeze %dma_start3A_151 : memref<1x128xi32, #tpu.memory_space<vmem>> -> memref<128xi32, #tpu.memory_space<vmem>>
        %dma_start3A_153 = arith.constant 0 : i32
        %dma_start3A_154 = arith.constant 0 : i32
        %dma_start3A_155 = tpu.memref_slice %arg2[%dma_start3A_153, %dma_start3A_154] : memref<10000x16xf32, #tpu.memory_space<hbm>> -> memref<10000x16xf32, #tpu.memory_space<hbm>>
        tpu.enqueue_indirect_dma source(%dma_start3A_155 : memref<10000x16xf32, #tpu.memory_space<hbm>>) target(%arg9 : memref<128x16xf32, #tpu.memory_space<vmem>>) offsets(%dma_start3A_152 : memref<128xi32, #tpu.memory_space<vmem>>) semaphore(%arg15 : memref<!tpu.dma_semaphore, #tpu.memory_space<semaphore_mem>>)
      } else {
      }
      %add3A_134 = arith.constant 3 : i32
      %add3A_135 = arith.addi %mul3A_92, %add3A_134 : i32
      %dma_wait3A_136 = arith.constant 0 : i32
      %dma_wait3A_137 = tpu.memref_slice %arg5[%add3A_135, %dma_wait3A_136] : memref<80x128xi32, #tpu.memory_space<vmem>> -> memref<1x128xi32, #tpu.memory_space<vmem>>
      %dma_wait3A_138 = tpu.memref_squeeze %dma_wait3A_137 : memref<1x128xi32, #tpu.memory_space<vmem>> -> memref<128xi32, #tpu.memory_space<vmem>>
      %dma_wait3A_139 = arith.constant 0 : i32
      %dma_wait3A_140 = arith.constant 0 : i32
      %dma_wait3A_141 = tpu.memref_slice %arg2[%dma_wait3A_139, %dma_wait3A_140] : memref<10000x16xf32, #tpu.memory_space<hbm>> -> memref<10000x16xf32, #tpu.memory_space<hbm>>
      tpu.wait_indirect_dma semaphore(%arg16 : memref<!tpu.dma_semaphore, #tpu.memory_space<semaphore_mem>>) src(%dma_wait3A_141 : memref<10000x16xf32, #tpu.memory_space<hbm>>) dst(%arg10 : memref<128x16xf32, #tpu.memory_space<vmem>>)
      "tpu.region"() ({
        %run_scoped3A = tpu.sem_alloc : memref<!tpu.dma_semaphore, #tpu.memory_space<semaphore_mem>>
        %dma_start3A_148 = arith.constant 0 : i32
        %dma_start3A_149 = tpu.memref_slice %arg6[%add3A_135, %dma_start3A_148] : memref<80x128xi32, #tpu.memory_space<vmem>> -> memref<1x128xi32, #tpu.memory_space<vmem>>
        %dma_start3A_150 = tpu.memref_squeeze %dma_start3A_149 : memref<1x128xi32, #tpu.memory_space<vmem>> -> memref<128xi32, #tpu.memory_space<vmem>>
        %dma_start3A_151 = arith.constant 0 : i32
        %dma_start3A_152 = arith.constant 0 : i32
        %dma_start3A_153 = tpu.memref_slice %arg12[%dma_start3A_151, %dma_start3A_152] : memref<10000x16xf32, #tpu.memory_space<vmem_shared>> -> memref<10000x16xf32, #tpu.memory_space<vmem_shared>>
        tpu.enqueue_indirect_dma source(%arg10 : memref<128x16xf32, #tpu.memory_space<vmem>>) target(%dma_start3A_153 : memref<10000x16xf32, #tpu.memory_space<vmem_shared>>) offsets(%dma_start3A_150 : memref<128xi32, #tpu.memory_space<vmem>>) semaphore(%run_scoped3A : memref<!tpu.dma_semaphore, #tpu.memory_space<semaphore_mem>>) {add = true}
        %dma_wait3A_154 = arith.constant 0 : i32
        %dma_wait3A_155 = tpu.memref_slice %arg6[%add3A_135, %dma_wait3A_154] : memref<80x128xi32, #tpu.memory_space<vmem>> -> memref<1x128xi32, #tpu.memory_space<vmem>>
        %dma_wait3A_156 = tpu.memref_squeeze %dma_wait3A_155 : memref<1x128xi32, #tpu.memory_space<vmem>> -> memref<128xi32, #tpu.memory_space<vmem>>
        %dma_wait3A_157 = arith.constant 0 : i32
        %dma_wait3A_158 = arith.constant 0 : i32
        %dma_wait3A_159 = tpu.memref_slice %arg12[%dma_wait3A_157, %dma_wait3A_158] : memref<10000x16xf32, #tpu.memory_space<vmem_shared>> -> memref<10000x16xf32, #tpu.memory_space<vmem_shared>>
        tpu.wait_indirect_dma semaphore(%run_scoped3A : memref<!tpu.dma_semaphore, #tpu.memory_space<semaphore_mem>>) src(%arg10 : memref<128x16xf32, #tpu.memory_space<vmem>>) dst(%dma_wait3A_159 : memref<10000x16xf32, #tpu.memory_space<vmem_shared>>)
        tpu.yield
      }) : () -> ()
      %add3A_142 = arith.constant 4 : i32
      %add3A_143 = arith.addi %add3A_135, %add3A_142 : i32
      %lt3A_144 = arith.cmpi slt, %add3A_143, %add3A_19 : i32
      %convert_element_type3A_145 = arith.extui %lt3A_144 : i1 to i32
      %cond3A_146 = arith.constant 0 : i32
      %cond3A_147 = arith.cmpi ne, %convert_element_type3A_145, %cond3A_146 : i32
      scf.if %cond3A_147 {
        %add3A_148 = arith.constant 4 : i32
        %add3A_149 = arith.addi %add3A_135, %add3A_148 : i32
        %dma_start3A_150 = arith.constant 0 : i32
        %dma_start3A_151 = tpu.memref_slice %arg5[%add3A_149, %dma_start3A_150] : memref<80x128xi32, #tpu.memory_space<vmem>> -> memref<1x128xi32, #tpu.memory_space<vmem>>
        %dma_start3A_152 = tpu.memref_squeeze %dma_start3A_151 : memref<1x128xi32, #tpu.memory_space<vmem>> -> memref<128xi32, #tpu.memory_space<vmem>>
        %dma_start3A_153 = arith.constant 0 : i32
        %dma_start3A_154 = arith.constant 0 : i32
        %dma_start3A_155 = tpu.memref_slice %arg2[%dma_start3A_153, %dma_start3A_154] : memref<10000x16xf32, #tpu.memory_space<hbm>> -> memref<10000x16xf32, #tpu.memory_space<hbm>>
        tpu.enqueue_indirect_dma source(%dma_start3A_155 : memref<10000x16xf32, #tpu.memory_space<hbm>>) target(%arg10 : memref<128x16xf32, #tpu.memory_space<vmem>>) offsets(%dma_start3A_152 : memref<128xi32, #tpu.memory_space<vmem>>) semaphore(%arg16 : memref<!tpu.dma_semaphore, #tpu.memory_space<semaphore_mem>>)
      } else {
      }
    }
    %barrier3A_85 = arith.constant 0 : index
    tpu.barrier barrier_id(%barrier3A_85)
    %eq3A = arith.constant 0 : i32
    %eq3A_86 = arith.cmpi eq, %arg1, %eq3A : i32
    %convert_element_type3A_87 = arith.extui %eq3A_86 : i1 to i32
    %cond3A_88 = arith.constant 0 : i32
    %cond3A_89 = arith.cmpi ne, %convert_element_type3A_87, %cond3A_88 : i32
    scf.if %cond3A_89 {
      "tpu.region"() ({
        %run_scoped3A = tpu.sem_alloc : memref<!tpu.dma_semaphore, #tpu.memory_space<semaphore_mem>>
        %dma_start3A_90 = arith.constant 0 : i32
        %dma_start3A_91 = arith.constant 0 : i32
        %dma_start3A_92 = tpu.memref_slice %arg4[%arg0, %dma_start3A_90, %dma_start3A_91] : memref<2x10000x16xf32, #tpu.memory_space<hbm>> -> memref<1x10000x16xf32, #tpu.memory_space<hbm>>
        %dma_start3A_93 = tpu.memref_squeeze %dma_start3A_92 : memref<1x10000x16xf32, #tpu.memory_space<hbm>> -> memref<10000x16xf32, #tpu.memory_space<hbm>>
        tpu.enqueue_dma source(%arg12 : memref<10000x16xf32, #tpu.memory_space<vmem_shared>>) target(%dma_start3A_93 : memref<10000x16xf32, #tpu.memory_space<hbm>>) target_semaphore(%run_scoped3A : memref<!tpu.dma_semaphore, #tpu.memory_space<semaphore_mem>>)
        %dma_wait3A = arith.constant 0 : i32
        %dma_wait3A_94 = arith.constant 0 : i32
        %dma_wait3A_95 = tpu.memref_slice %arg4[%arg0, %dma_wait3A, %dma_wait3A_94] : memref<2x10000x16xf32, #tpu.memory_space<hbm>> -> memref<1x10000x16xf32, #tpu.memory_space<hbm>>
        %dma_wait3A_96 = tpu.memref_squeeze %dma_wait3A_95 : memref<1x10000x16xf32, #tpu.memory_space<hbm>> -> memref<10000x16xf32, #tpu.memory_space<hbm>>
        tpu.wait_dma2 semaphore(%run_scoped3A : memref<!tpu.dma_semaphore, #tpu.memory_space<semaphore_mem>>) src(%arg12 : memref<10000x16xf32, #tpu.memory_space<vmem_shared>>) dst(%dma_wait3A_96 : memref<10000x16xf32, #tpu.memory_space<hbm>>)
        tpu.yield
      }) : () -> ()
    } else {
    }
    return
  }
}

#map = affine_map<(d0, d1) -> (0, 0)>
#map1 = affine_map<(d0, d1) -> (0, 0, 0)>
module attributes {stable_mosaic.version = 14 : i64} {
  func.func @k(%arg0: i32, %arg1: i32, %arg2: memref<10000x16xf32, #tpu.memory_space<hbm>>, %arg3: memref<5000x128xi32, #tpu.memory_space<hbm>>, %arg4: memref<2x10000x16xf32, #tpu.memory_space<hbm>>, %arg5: memref<80x128xi32, #tpu.memory_space<vmem>>, %arg6: memref<80x128xi32, #tpu.memory_space<vmem>>, %arg7: memref<128x16xf32, #tpu.memory_space<vmem>>, %arg8: memref<128x16xf32, #tpu.memory_space<vmem>>, %arg9: memref<128x16xf32, #tpu.memory_space<vmem>>, %arg10: memref<128x16xf32, #tpu.memory_space<vmem>>, %arg11: memref<625x16xf32, #tpu.memory_space<vmem>>, %arg12: memref<10000x16xf32, #tpu.memory_space<vmem_shared>>, %arg13: memref<!tpu.dma_semaphore, #tpu.memory_space<semaphore_mem>>, %arg14: memref<!tpu.dma_semaphore, #tpu.memory_space<semaphore_mem>>, %arg15: memref<!tpu.dma_semaphore, #tpu.memory_space<semaphore_mem>>, %arg16: memref<!tpu.dma_semaphore, #tpu.memory_space<semaphore_mem>>) attributes {dimension_semantics = [#tpu.dimension_semantics<core_parallel>, #tpu.dimension_semantics<subcore_parallel>], iteration_bounds = array<i64: 2, 16>, scalar_prefetch = 0 : i64, scratch_operands = 12 : i64, tpu.core_type = #tpu.core_type<sc_vector_subcore>, window_params = [{transform_indices = #map}, {transform_indices = #map}, {transform_indices = #map1}]} {
    %mul3A = arith.constant 16 : i32
    %mul3A_0 = arith.muli %arg0, %mul3A : i32
    %add3A = arith.addi %mul3A_0, %arg1 : i32
    %broadcast_in_dim3A = arith.constant 0.000000e+00 : f32
    %broadcast_in_dim3A_1 = vector.broadcast %broadcast_in_dim3A : f32 to vector<16xf32>
    %scan3A = arith.constant 0 : i32
    %scan3A_2 = arith.constant 0 : i32
    %scan3A_3 = arith.constant 625 : i32
    %scan3A_4 = arith.addi %scan3A_2, %scan3A_3 : i32
    %scan3A_5 = arith.constant 1 : i32
    scf.for %scan3A_90 = %scan3A_2 to %scan3A_4 step %scan3A_5  : i32 {
      %swap3A = arith.index_cast %scan3A_90 : i32 to index
      %swap3A_91 = arith.constant 0 : index
      %swap3A_92 = tpu.vector_load %arg11[%swap3A, %swap3A_91] {strides = array<i32>} : memref<625x16xf32, #tpu.memory_space<vmem>>, vector<1x16xf32>,
      %swap3A_93 = vector.shape_cast %swap3A_92 : vector<1x16xf32> to vector<16xf32>
      %swap3A_94 = vector.shape_cast %broadcast_in_dim3A_1 : vector<16xf32> to vector<1x16xf32>
      tpu.vector_store %arg11[%swap3A, %swap3A_91], %swap3A_94 {strides = array<i32>} : memref<625x16xf32, #tpu.memory_space<vmem>>, vector<1x16xf32>,
    }
    %scan3A_6 = arith.constant 625 : i32
    %mul3A_7 = arith.constant 625 : i32
    %mul3A_8 = arith.muli %arg1, %mul3A_7 : i32
    "tpu.region"() ({
      %run_scoped3A = tpu.sem_alloc : memref<!tpu.dma_semaphore, #tpu.memory_space<semaphore_mem>>
      %dma_start3A_90 = arith.constant 0 : i32
      %dma_start3A_91 = tpu.memref_slice %arg12[%mul3A_8, %dma_start3A_90] : memref<10000x16xf32, #tpu.memory_space<vmem_shared>> -> memref<625x16xf32, #tpu.memory_space<vmem_shared>>
      %dma_start3A_92 = arith.constant 0 : i32
      %dma_start3A_93 = tpu.memref_slice %arg12[%mul3A_8, %dma_start3A_92] : memref<10000x16xf32, #tpu.memory_space<vmem_shared>> -> memref<625x16xf32, #tpu.memory_space<vmem_shared>>
      tpu.enqueue_dma source(%arg11 : memref<625x16xf32, #tpu.memory_space<vmem>>) target(%dma_start3A_93 : memref<625x16xf32, #tpu.memory_space<vmem_shared>>) target_semaphore(%run_scoped3A : memref<!tpu.dma_semaphore, #tpu.memory_space<semaphore_mem>>)
      %dma_wait3A = arith.constant 0 : i32
      %dma_wait3A_94 = tpu.memref_slice %arg12[%mul3A_8, %dma_wait3A] : memref<10000x16xf32, #tpu.memory_space<vmem_shared>> -> memref<625x16xf32, #tpu.memory_space<vmem_shared>>
      %dma_wait3A_95 = arith.constant 0 : i32
      %dma_wait3A_96 = tpu.memref_slice %arg12[%mul3A_8, %dma_wait3A_95] : memref<10000x16xf32, #tpu.memory_space<vmem_shared>> -> memref<625x16xf32, #tpu.memory_space<vmem_shared>>
      tpu.wait_dma2 semaphore(%run_scoped3A : memref<!tpu.dma_semaphore, #tpu.memory_space<semaphore_mem>>) src(%arg11 : memref<625x16xf32, #tpu.memory_space<vmem>>) dst(%dma_wait3A_96 : memref<625x16xf32, #tpu.memory_space<vmem_shared>>)
      tpu.yield
    }) : () -> ()
    %barrier3A = arith.constant 0 : index
    tpu.barrier barrier_id(%barrier3A)
    %lt3A = arith.constant 17 : i32
    %lt3A_9 = arith.cmpi slt, %add3A, %lt3A : i32
    %convert_element_type3A = arith.extui %lt3A_9 : i1 to i32
    %mul3A_10 = arith.constant 76 : i32
    %mul3A_11 = arith.muli %mul3A_10, %add3A : i32
    %min3A = arith.constant 17 : i32
    %min3A_12 = arith.minsi %add3A, %min3A : i32
    %mul3A_13 = arith.constant 4 : i32
    %mul3A_14 = arith.muli %mul3A_13, %min3A_12 : i32
    %add3A_15 = arith.addi %mul3A_11, %mul3A_14 : i32
    %mul3A_16 = arith.constant 4 : i32
    %mul3A_17 = arith.muli %mul3A_16, %convert_element_type3A : i32
    %add3A_18 = arith.constant 76 : i32
    %add3A_19 = arith.addi %add3A_18, %mul3A_17 : i32
    %add3A_20 = arith.constant 0 : i32
    %add3A_21 = arith.addi %add3A_20, %add3A_15 : i32
    "tpu.region"() ({
      %run_scoped3A = tpu.sem_alloc : memref<!tpu.dma_semaphore, #tpu.memory_space<semaphore_mem>>
      %dma_start3A_90 = arith.constant 0 : i32
      %dma_start3A_91 = arith.constant 0 : i32
      %dma_start3A_92 = tpu.memref_slice %arg5[%dma_start3A_90, %dma_start3A_91] : memref<80x128xi32, #tpu.memory_space<vmem>> -> memref<76x128xi32, #tpu.memory_space<vmem>>
      %dma_start3A_93 = arith.constant 0 : i32
      %dma_start3A_94 = tpu.memref_slice %arg3[%add3A_21, %dma_start3A_93] : memref<5000x128xi32, #tpu.memory_space<hbm>> -> memref<76x128xi32, #tpu.memory_space<hbm>>
      %dma_start3A_95 = arith.constant 0 : i32
      %dma_start3A_96 = arith.constant 0 : i32
      %dma_start3A_97 = tpu.memref_slice %arg5[%dma_start3A_95, %dma_start3A_96] : memref<80x128xi32, #tpu.memory_space<vmem>> -> memref<76x128xi32, #tpu.memory_space<vmem>>
      %dma_start3A_98 = arith.constant 0 : i32
      %dma_start3A_99 = tpu.memref_slice %arg3[%add3A_21, %dma_start3A_98] : memref<5000x128xi32, #tpu.memory_space<hbm>> -> memref<76x128xi32, #tpu.memory_space<hbm>>
      tpu.enqueue_dma source(%dma_start3A_99 : memref<76x128xi32, #tpu.memory_space<hbm>>) target(%dma_start3A_97 : memref<76x128xi32, #tpu.memory_space<vmem>>) target_semaphore(%run_scoped3A : memref<!tpu.dma_semaphore, #tpu.memory_space<semaphore_mem>>)
      %dma_wait3A = arith.constant 0 : i32
      %dma_wait3A_100 = arith.constant 0 : i32
      %dma_wait3A_101 = tpu.memref_slice %arg5[%dma_wait3A, %dma_wait3A_100] : memref<80x128xi32, #tpu.memory_space<vmem>> -> memref<76x128xi32, #tpu.memory_space<vmem>>
      %dma_wait3A_102 = arith.constant 0 : i32
      %dma_wait3A_103 = tpu.memref_slice %arg3[%add3A_21, %dma_wait3A_102] : memref<5000x128xi32, #tpu.memory_space<hbm>> -> memref<76x128xi32, #tpu.memory_space<hbm>>
      %dma_wait3A_104 = arith.constant 0 : i32
      %dma_wait3A_105 = arith.constant 0 : i32
      %dma_wait3A_106 = tpu.memref_slice %arg5[%dma_wait3A_104, %dma_wait3A_105] : memref<80x128xi32, #tpu.memory_space<vmem>> -> memref<76x128xi32, #tpu.memory_space<vmem>>
      %dma_wait3A_107 = arith.constant 0 : i32
      %dma_wait3A_108 = tpu.memref_slice %arg3[%add3A_21, %dma_wait3A_107] : memref<5000x128xi32, #tpu.memory_space<hbm>> -> memref<76x128xi32, #tpu.memory_space<hbm>>
      tpu.wait_dma2 semaphore(%run_scoped3A : memref<!tpu.dma_semaphore, #tpu.memory_space<semaphore_mem>>) src(%dma_wait3A_108 : memref<76x128xi32, #tpu.memory_space<hbm>>) dst(%dma_wait3A_106 : memref<76x128xi32, #tpu.memory_space<vmem>>)
      tpu.yield
    }) : () -> ()
    %lt3A_22 = arith.constant 17 : i32
    %lt3A_23 = arith.cmpi slt, %add3A, %lt3A_22 : i32
    %convert_element_type3A_24 = arith.extui %lt3A_23 : i1 to i32
    %cond3A = arith.constant 0 : i32
    %cond3A_25 = arith.cmpi ne, %convert_element_type3A_24, %cond3A : i32
    scf.if %cond3A_25 {
      %add3A_90 = arith.constant 76 : i32
      %add3A_91 = arith.addi %add3A_21, %add3A_90 : i32
      "tpu.region"() ({
        %run_scoped3A = tpu.sem_alloc : memref<!tpu.dma_semaphore, #tpu.memory_space<semaphore_mem>>
        %dma_start3A_92 = arith.constant 76 : i32
        %dma_start3A_93 = arith.constant 0 : i32
        %dma_start3A_94 = tpu.memref_slice %arg5[%dma_start3A_92, %dma_start3A_93] : memref<80x128xi32, #tpu.memory_space<vmem>> -> memref<4x128xi32, #tpu.memory_space<vmem>>
        %dma_start3A_95 = arith.constant 0 : i32
        %dma_start3A_96 = tpu.memref_slice %arg3[%add3A_91, %dma_start3A_95] : memref<5000x128xi32, #tpu.memory_space<hbm>> -> memref<4x128xi32, #tpu.memory_space<hbm>>
        %dma_start3A_97 = arith.constant 76 : i32
        %dma_start3A_98 = arith.constant 0 : i32
        %dma_start3A_99 = tpu.memref_slice %arg5[%dma_start3A_97, %dma_start3A_98] : memref<80x128xi32, #tpu.memory_space<vmem>> -> memref<4x128xi32, #tpu.memory_space<vmem>>
        %dma_start3A_100 = arith.constant 0 : i32
        %dma_start3A_101 = tpu.memref_slice %arg3[%add3A_91, %dma_start3A_100] : memref<5000x128xi32, #tpu.memory_space<hbm>> -> memref<4x128xi32, #tpu.memory_space<hbm>>
        tpu.enqueue_dma source(%dma_start3A_101 : memref<4x128xi32, #tpu.memory_space<hbm>>) target(%dma_start3A_99 : memref<4x128xi32, #tpu.memory_space<vmem>>) target_semaphore(%run_scoped3A : memref<!tpu.dma_semaphore, #tpu.memory_space<semaphore_mem>>)
        %dma_wait3A = arith.constant 76 : i32
        %dma_wait3A_102 = arith.constant 0 : i32
        %dma_wait3A_103 = tpu.memref_slice %arg5[%dma_wait3A, %dma_wait3A_102] : memref<80x128xi32, #tpu.memory_space<vmem>> -> memref<4x128xi32, #tpu.memory_space<vmem>>
        %dma_wait3A_104 = arith.constant 0 : i32
        %dma_wait3A_105 = tpu.memref_slice %arg3[%add3A_91, %dma_wait3A_104] : memref<5000x128xi32, #tpu.memory_space<hbm>> -> memref<4x128xi32, #tpu.memory_space<hbm>>
        %dma_wait3A_106 = arith.constant 76 : i32
        %dma_wait3A_107 = arith.constant 0 : i32
        %dma_wait3A_108 = tpu.memref_slice %arg5[%dma_wait3A_106, %dma_wait3A_107] : memref<80x128xi32, #tpu.memory_space<vmem>> -> memref<4x128xi32, #tpu.memory_space<vmem>>
        %dma_wait3A_109 = arith.constant 0 : i32
        %dma_wait3A_110 = tpu.memref_slice %arg3[%add3A_91, %dma_wait3A_109] : memref<5000x128xi32, #tpu.memory_space<hbm>> -> memref<4x128xi32, #tpu.memory_space<hbm>>
        tpu.wait_dma2 semaphore(%run_scoped3A : memref<!tpu.dma_semaphore, #tpu.memory_space<semaphore_mem>>) src(%dma_wait3A_110 : memref<4x128xi32, #tpu.memory_space<hbm>>) dst(%dma_wait3A_108 : memref<4x128xi32, #tpu.memory_space<vmem>>)
        tpu.yield
      }) : () -> ()
    } else {
    }
    %add3A_26 = arith.constant 2500 : i32
    %add3A_27 = arith.addi %add3A_26, %add3A_15 : i32
    "tpu.region"() ({
      %run_scoped3A = tpu.sem_alloc : memref<!tpu.dma_semaphore, #tpu.memory_space<semaphore_mem>>
      %dma_start3A_90 = arith.constant 0 : i32
      %dma_start3A_91 = arith.constant 0 : i32
      %dma_start3A_92 = tpu.memref_slice %arg6[%dma_start3A_90, %dma_start3A_91] : memref<80x128xi32, #tpu.memory_space<vmem>> -> memref<76x128xi32, #tpu.memory_space<vmem>>
      %dma_start3A_93 = arith.constant 0 : i32
      %dma_start3A_94 = tpu.memref_slice %arg3[%add3A_27, %dma_start3A_93] : memref<5000x128xi32, #tpu.memory_space<hbm>> -> memref<76x128xi32, #tpu.memory_space<hbm>>
      %dma_start3A_95 = arith.constant 0 : i32
      %dma_start3A_96 = arith.constant 0 : i32
      %dma_start3A_97 = tpu.memref_slice %arg6[%dma_start3A_95, %dma_start3A_96] : memref<80x128xi32, #tpu.memory_space<vmem>> -> memref<76x128xi32, #tpu.memory_space<vmem>>
      %dma_start3A_98 = arith.constant 0 : i32
      %dma_start3A_99 = tpu.memref_slice %arg3[%add3A_27, %dma_start3A_98] : memref<5000x128xi32, #tpu.memory_space<hbm>> -> memref<76x128xi32, #tpu.memory_space<hbm>>
      tpu.enqueue_dma source(%dma_start3A_99 : memref<76x128xi32, #tpu.memory_space<hbm>>) target(%dma_start3A_97 : memref<76x128xi32, #tpu.memory_space<vmem>>) target_semaphore(%run_scoped3A : memref<!tpu.dma_semaphore, #tpu.memory_space<semaphore_mem>>)
      %dma_wait3A = arith.constant 0 : i32
      %dma_wait3A_100 = arith.constant 0 : i32
      %dma_wait3A_101 = tpu.memref_slice %arg6[%dma_wait3A, %dma_wait3A_100] : memref<80x128xi32, #tpu.memory_space<vmem>> -> memref<76x128xi32, #tpu.memory_space<vmem>>
      %dma_wait3A_102 = arith.constant 0 : i32
      %dma_wait3A_103 = tpu.memref_slice %arg3[%add3A_27, %dma_wait3A_102] : memref<5000x128xi32, #tpu.memory_space<hbm>> -> memref<76x128xi32, #tpu.memory_space<hbm>>
      %dma_wait3A_104 = arith.constant 0 : i32
      %dma_wait3A_105 = arith.constant 0 : i32
      %dma_wait3A_106 = tpu.memref_slice %arg6[%dma_wait3A_104, %dma_wait3A_105] : memref<80x128xi32, #tpu.memory_space<vmem>> -> memref<76x128xi32, #tpu.memory_space<vmem>>
      %dma_wait3A_107 = arith.constant 0 : i32
      %dma_wait3A_108 = tpu.memref_slice %arg3[%add3A_27, %dma_wait3A_107] : memref<5000x128xi32, #tpu.memory_space<hbm>> -> memref<76x128xi32, #tpu.memory_space<hbm>>
      tpu.wait_dma2 semaphore(%run_scoped3A : memref<!tpu.dma_semaphore, #tpu.memory_space<semaphore_mem>>) src(%dma_wait3A_108 : memref<76x128xi32, #tpu.memory_space<hbm>>) dst(%dma_wait3A_106 : memref<76x128xi32, #tpu.memory_space<vmem>>)
      tpu.yield
    }) : () -> ()
    %lt3A_28 = arith.constant 17 : i32
    %lt3A_29 = arith.cmpi slt, %add3A, %lt3A_28 : i32
    %convert_element_type3A_30 = arith.extui %lt3A_29 : i1 to i32
    %cond3A_31 = arith.constant 0 : i32
    %cond3A_32 = arith.cmpi ne, %convert_element_type3A_30, %cond3A_31 : i32
    scf.if %cond3A_32 {
      %add3A_90 = arith.constant 76 : i32
      %add3A_91 = arith.addi %add3A_27, %add3A_90 : i32
      "tpu.region"() ({
        %run_scoped3A = tpu.sem_alloc : memref<!tpu.dma_semaphore, #tpu.memory_space<semaphore_mem>>
        %dma_start3A_92 = arith.constant 76 : i32
        %dma_start3A_93 = arith.constant 0 : i32
        %dma_start3A_94 = tpu.memref_slice %arg6[%dma_start3A_92, %dma_start3A_93] : memref<80x128xi32, #tpu.memory_space<vmem>> -> memref<4x128xi32, #tpu.memory_space<vmem>>
        %dma_start3A_95 = arith.constant 0 : i32
        %dma_start3A_96 = tpu.memref_slice %arg3[%add3A_91, %dma_start3A_95] : memref<5000x128xi32, #tpu.memory_space<hbm>> -> memref<4x128xi32, #tpu.memory_space<hbm>>
        %dma_start3A_97 = arith.constant 76 : i32
        %dma_start3A_98 = arith.constant 0 : i32
        %dma_start3A_99 = tpu.memref_slice %arg6[%dma_start3A_97, %dma_start3A_98] : memref<80x128xi32, #tpu.memory_space<vmem>> -> memref<4x128xi32, #tpu.memory_space<vmem>>
        %dma_start3A_100 = arith.constant 0 : i32
        %dma_start3A_101 = tpu.memref_slice %arg3[%add3A_91, %dma_start3A_100] : memref<5000x128xi32, #tpu.memory_space<hbm>> -> memref<4x128xi32, #tpu.memory_space<hbm>>
        tpu.enqueue_dma source(%dma_start3A_101 : memref<4x128xi32, #tpu.memory_space<hbm>>) target(%dma_start3A_99 : memref<4x128xi32, #tpu.memory_space<vmem>>) target_semaphore(%run_scoped3A : memref<!tpu.dma_semaphore, #tpu.memory_space<semaphore_mem>>)
        %dma_wait3A = arith.constant 76 : i32
        %dma_wait3A_102 = arith.constant 0 : i32
        %dma_wait3A_103 = tpu.memref_slice %arg6[%dma_wait3A, %dma_wait3A_102] : memref<80x128xi32, #tpu.memory_space<vmem>> -> memref<4x128xi32, #tpu.memory_space<vmem>>
        %dma_wait3A_104 = arith.constant 0 : i32
        %dma_wait3A_105 = tpu.memref_slice %arg3[%add3A_91, %dma_wait3A_104] : memref<5000x128xi32, #tpu.memory_space<hbm>> -> memref<4x128xi32, #tpu.memory_space<hbm>>
        %dma_wait3A_106 = arith.constant 76 : i32
        %dma_wait3A_107 = arith.constant 0 : i32
        %dma_wait3A_108 = tpu.memref_slice %arg6[%dma_wait3A_106, %dma_wait3A_107] : memref<80x128xi32, #tpu.memory_space<vmem>> -> memref<4x128xi32, #tpu.memory_space<vmem>>
        %dma_wait3A_109 = arith.constant 0 : i32
        %dma_wait3A_110 = tpu.memref_slice %arg3[%add3A_91, %dma_wait3A_109] : memref<5000x128xi32, #tpu.memory_space<hbm>> -> memref<4x128xi32, #tpu.memory_space<hbm>>
        tpu.wait_dma2 semaphore(%run_scoped3A : memref<!tpu.dma_semaphore, #tpu.memory_space<semaphore_mem>>) src(%dma_wait3A_110 : memref<4x128xi32, #tpu.memory_space<hbm>>) dst(%dma_wait3A_108 : memref<4x128xi32, #tpu.memory_space<vmem>>)
        tpu.yield
      }) : () -> ()
    } else {
    }
    %dma_start3A = arith.constant 0 : i32
    %dma_start3A_33 = arith.constant 0 : i32
    %dma_start3A_34 = tpu.memref_slice %arg5[%dma_start3A, %dma_start3A_33] : memref<80x128xi32, #tpu.memory_space<vmem>> -> memref<1x128xi32, #tpu.memory_space<vmem>>
    %dma_start3A_35 = tpu.memref_squeeze %dma_start3A_34 : memref<1x128xi32, #tpu.memory_space<vmem>> -> memref<128xi32, #tpu.memory_space<vmem>>
    %dma_start3A_36 = arith.constant 0 : i32
    %dma_start3A_37 = arith.constant 0 : i32
    %dma_start3A_38 = tpu.memref_slice %arg2[%dma_start3A_36, %dma_start3A_37] : memref<10000x16xf32, #tpu.memory_space<hbm>> -> memref<10000x16xf32, #tpu.memory_space<hbm>>
    tpu.enqueue_indirect_dma source(%dma_start3A_38 : memref<10000x16xf32, #tpu.memory_space<hbm>>) target(%arg7 : memref<128x16xf32, #tpu.memory_space<vmem>>) offsets(%dma_start3A_35 : memref<128xi32, #tpu.memory_space<vmem>>) semaphore(%arg13 : memref<!tpu.dma_semaphore, #tpu.memory_space<semaphore_mem>>)
    %dma_start3A_39 = arith.constant 1 : i32
    %dma_start3A_40 = arith.constant 0 : i32
    %dma_start3A_41 = tpu.memref_slice %arg5[%dma_start3A_39, %dma_start3A_40] : memref<80x128xi32, #tpu.memory_space<vmem>> -> memref<1x128xi32, #tpu.memory_space<vmem>>
    %dma_start3A_42 = tpu.memref_squeeze %dma_start3A_41 : memref<1x128xi32, #tpu.memory_space<vmem>> -> memref<128xi32, #tpu.memory_space<vmem>>
    %dma_start3A_43 = arith.constant 0 : i32
    %dma_start3A_44 = arith.constant 0 : i32
    %dma_start3A_45 = tpu.memref_slice %arg2[%dma_start3A_43, %dma_start3A_44] : memref<10000x16xf32, #tpu.memory_space<hbm>> -> memref<10000x16xf32, #tpu.memory_space<hbm>>
    tpu.enqueue_indirect_dma source(%dma_start3A_45 : memref<10000x16xf32, #tpu.memory_space<hbm>>) target(%arg8 : memref<128x16xf32, #tpu.memory_space<vmem>>) offsets(%dma_start3A_42 : memref<128xi32, #tpu.memory_space<vmem>>) semaphore(%arg14 : memref<!tpu.dma_semaphore, #tpu.memory_space<semaphore_mem>>)
    %dma_start3A_46 = arith.constant 2 : i32
    %dma_start3A_47 = arith.constant 0 : i32
    %dma_start3A_48 = tpu.memref_slice %arg5[%dma_start3A_46, %dma_start3A_47] : memref<80x128xi32, #tpu.memory_space<vmem>> -> memref<1x128xi32, #tpu.memory_space<vmem>>
    %dma_start3A_49 = tpu.memref_squeeze %dma_start3A_48 : memref<1x128xi32, #tpu.memory_space<vmem>> -> memref<128xi32, #tpu.memory_space<vmem>>
    %dma_start3A_50 = arith.constant 0 : i32
    %dma_start3A_51 = arith.constant 0 : i32
    %dma_start3A_52 = tpu.memref_slice %arg2[%dma_start3A_50, %dma_start3A_51] : memref<10000x16xf32, #tpu.memory_space<hbm>> -> memref<10000x16xf32, #tpu.memory_space<hbm>>
    tpu.enqueue_indirect_dma source(%dma_start3A_52 : memref<10000x16xf32, #tpu.memory_space<hbm>>) target(%arg9 : memref<128x16xf32, #tpu.memory_space<vmem>>) offsets(%dma_start3A_49 : memref<128xi32, #tpu.memory_space<vmem>>) semaphore(%arg15 : memref<!tpu.dma_semaphore, #tpu.memory_space<semaphore_mem>>)
    %dma_start3A_53 = arith.constant 3 : i32
    %dma_start3A_54 = arith.constant 0 : i32
    %dma_start3A_55 = tpu.memref_slice %arg5[%dma_start3A_53, %dma_start3A_54] : memref<80x128xi32, #tpu.memory_space<vmem>> -> memref<1x128xi32, #tpu.memory_space<vmem>>
    %dma_start3A_56 = tpu.memref_squeeze %dma_start3A_55 : memref<1x128xi32, #tpu.memory_space<vmem>> -> memref<128xi32, #tpu.memory_space<vmem>>
    %dma_start3A_57 = arith.constant 0 : i32
    %dma_start3A_58 = arith.constant 0 : i32
    %dma_start3A_59 = tpu.memref_slice %arg2[%dma_start3A_57, %dma_start3A_58] : memref<10000x16xf32, #tpu.memory_space<hbm>> -> memref<10000x16xf32, #tpu.memory_space<hbm>>
    tpu.enqueue_indirect_dma source(%dma_start3A_59 : memref<10000x16xf32, #tpu.memory_space<hbm>>) target(%arg10 : memref<128x16xf32, #tpu.memory_space<vmem>>) offsets(%dma_start3A_56 : memref<128xi32, #tpu.memory_space<vmem>>) semaphore(%arg16 : memref<!tpu.dma_semaphore, #tpu.memory_space<semaphore_mem>>)
    %jit3A = arith.constant 4 : i32
    %div3A = arith.divsi %add3A_19, %jit3A : i32
    %sign3A = arith.constant 0 : i32
    %sign3A_60 = arith.cmpi sgt, %add3A_19, %sign3A : i32
    %sign3A_61 = arith.extui %sign3A_60 : i1 to i32
    %sign3A_62 = arith.constant 0 : i32
    %sign3A_63 = arith.cmpi slt, %add3A_19, %sign3A_62 : i32
    %sign3A_64 = arith.extui %sign3A_63 : i1 to i32
    %sign3A_65 = arith.subi %sign3A_61, %sign3A_64 : i32
    %sign3A_66 = arith.constant 0 : i32
    %sign3A_67 = arith.cmpi sgt, %jit3A, %sign3A_66 : i32
    %sign3A_68 = arith.extui %sign3A_67 : i1 to i32
    %sign3A_69 = arith.constant 0 : i32
    %sign3A_70 = arith.cmpi slt, %jit3A, %sign3A_69 : i32
    %sign3A_71 = arith.extui %sign3A_70 : i1 to i32
    %sign3A_72 = arith.subi %sign3A_68, %sign3A_71 : i32
    %ne3A = arith.cmpi ne, %sign3A_65, %sign3A_72 : i32
    %rem3A = arith.remsi %add3A_19, %jit3A : i32
    %ne3A_73 = arith.constant 0 : i32
    %ne3A_74 = arith.cmpi ne, %rem3A, %ne3A_73 : i32
    %and3A = arith.andi %ne3A, %ne3A_74 : i1
    %sub3A = arith.constant 1 : i32
    %sub3A_75 = arith.subi %div3A, %sub3A : i32
    %select_n3A = arith.select %and3A, %sub3A_75, %div3A : i32
    %while3A = arith.constant 0 : i32
    %while3A_76 = arith.constant 0 : i32
    %while3A_77 = arith.subi %select_n3A, %while3A_76 : i32
    %while3A_78 = arith.addi %while3A_76, %while3A_77 : i32
    %while3A_79 = arith.constant 1 : i32
    %while3A_80 = arith.divsi %while3A_77, %while3A_79 : i32
    %while3A_81 = arith.muli %while3A_80, %while3A_79 : i32
    %while3A_82 = arith.addi %while3A_76, %while3A_81 : i32
    %while3A_83 = arith.constant 1 : i32
    scf.for %while3A_90 = %while3A_76 to %while3A_82 step %while3A_83  : i32 {
      %mul3A_91 = arith.constant 4 : i32
      %mul3A_92 = arith.muli %while3A_90, %mul3A_91 : i32
      %add3A_93 = arith.constant 0 : i32
      %add3A_94 = arith.addi %mul3A_92, %add3A_93 : i32
      %dma_wait3A = arith.constant 0 : i32
      %dma_wait3A_95 = tpu.memref_slice %arg5[%add3A_94, %dma_wait3A] : memref<80x128xi32, #tpu.memory_space<vmem>> -> memref<1x128xi32, #tpu.memory_space<vmem>>
      %dma_wait3A_96 = tpu.memref_squeeze %dma_wait3A_95 : memref<1x128xi32, #tpu.memory_space<vmem>> -> memref<128xi32, #tpu.memory_space<vmem>>
      %dma_wait3A_97 = arith.constant 0 : i32
      %dma_wait3A_98 = arith.constant 0 : i32
      %dma_wait3A_99 = tpu.memref_slice %arg2[%dma_wait3A_97, %dma_wait3A_98] : memref<10000x16xf32, #tpu.memory_space<hbm>> -> memref<10000x16xf32, #tpu.memory_space<hbm>>
      tpu.wait_indirect_dma semaphore(%arg13 : memref<!tpu.dma_semaphore, #tpu.memory_space<semaphore_mem>>) src(%dma_wait3A_99 : memref<10000x16xf32, #tpu.memory_space<hbm>>) dst(%arg7 : memref<128x16xf32, #tpu.memory_space<vmem>>)
      "tpu.region"() ({
        %run_scoped3A = tpu.sem_alloc : memref<!tpu.dma_semaphore, #tpu.memory_space<semaphore_mem>>
        %dma_start3A_148 = arith.constant 0 : i32
        %dma_start3A_149 = tpu.memref_slice %arg6[%add3A_94, %dma_start3A_148] : memref<80x128xi32, #tpu.memory_space<vmem>> -> memref<1x128xi32, #tpu.memory_space<vmem>>
        %dma_start3A_150 = tpu.memref_squeeze %dma_start3A_149 : memref<1x128xi32, #tpu.memory_space<vmem>> -> memref<128xi32, #tpu.memory_space<vmem>>
        %dma_start3A_151 = arith.constant 0 : i32
        %dma_start3A_152 = arith.constant 0 : i32
        %dma_start3A_153 = tpu.memref_slice %arg12[%dma_start3A_151, %dma_start3A_152] : memref<10000x16xf32, #tpu.memory_space<vmem_shared>> -> memref<10000x16xf32, #tpu.memory_space<vmem_shared>>
        tpu.enqueue_indirect_dma source(%arg7 : memref<128x16xf32, #tpu.memory_space<vmem>>) target(%dma_start3A_153 : memref<10000x16xf32, #tpu.memory_space<vmem_shared>>) offsets(%dma_start3A_150 : memref<128xi32, #tpu.memory_space<vmem>>) semaphore(%run_scoped3A : memref<!tpu.dma_semaphore, #tpu.memory_space<semaphore_mem>>) {add = true}
        %dma_wait3A_154 = arith.constant 0 : i32
        %dma_wait3A_155 = tpu.memref_slice %arg6[%add3A_94, %dma_wait3A_154] : memref<80x128xi32, #tpu.memory_space<vmem>> -> memref<1x128xi32, #tpu.memory_space<vmem>>
        %dma_wait3A_156 = tpu.memref_squeeze %dma_wait3A_155 : memref<1x128xi32, #tpu.memory_space<vmem>> -> memref<128xi32, #tpu.memory_space<vmem>>
        %dma_wait3A_157 = arith.constant 0 : i32
        %dma_wait3A_158 = arith.constant 0 : i32
        %dma_wait3A_159 = tpu.memref_slice %arg12[%dma_wait3A_157, %dma_wait3A_158] : memref<10000x16xf32, #tpu.memory_space<vmem_shared>> -> memref<10000x16xf32, #tpu.memory_space<vmem_shared>>
        tpu.wait_indirect_dma semaphore(%run_scoped3A : memref<!tpu.dma_semaphore, #tpu.memory_space<semaphore_mem>>) src(%arg7 : memref<128x16xf32, #tpu.memory_space<vmem>>) dst(%dma_wait3A_159 : memref<10000x16xf32, #tpu.memory_space<vmem_shared>>)
        tpu.yield
      }) : () -> ()
      %add3A_100 = arith.constant 4 : i32
      %add3A_101 = arith.addi %add3A_94, %add3A_100 : i32
      %lt3A_102 = arith.cmpi slt, %add3A_101, %add3A_19 : i32
      %convert_element_type3A_103 = arith.extui %lt3A_102 : i1 to i32
      %cond3A_104 = arith.constant 0 : i32
      %cond3A_105 = arith.cmpi ne, %convert_element_type3A_103, %cond3A_104 : i32
      scf.if %cond3A_105 {
        %add3A_148 = arith.constant 4 : i32
        %add3A_149 = arith.addi %add3A_94, %add3A_148 : i32
        %dma_start3A_150 = arith.constant 0 : i32
        %dma_start3A_151 = tpu.memref_slice %arg5[%add3A_149, %dma_start3A_150] : memref<80x128xi32, #tpu.memory_space<vmem>> -> memref<1x128xi32, #tpu.memory_space<vmem>>
        %dma_start3A_152 = tpu.memref_squeeze %dma_start3A_151 : memref<1x128xi32, #tpu.memory_space<vmem>> -> memref<128xi32, #tpu.memory_space<vmem>>
        %dma_start3A_153 = arith.constant 0 : i32
        %dma_start3A_154 = arith.constant 0 : i32
        %dma_start3A_155 = tpu.memref_slice %arg2[%dma_start3A_153, %dma_start3A_154] : memref<10000x16xf32, #tpu.memory_space<hbm>> -> memref<10000x16xf32, #tpu.memory_space<hbm>>
        tpu.enqueue_indirect_dma source(%dma_start3A_155 : memref<10000x16xf32, #tpu.memory_space<hbm>>) target(%arg7 : memref<128x16xf32, #tpu.memory_space<vmem>>) offsets(%dma_start3A_152 : memref<128xi32, #tpu.memory_space<vmem>>) semaphore(%arg13 : memref<!tpu.dma_semaphore, #tpu.memory_space<semaphore_mem>>)
      } else {
      }
      %add3A_106 = arith.constant 1 : i32
      %add3A_107 = arith.addi %mul3A_92, %add3A_106 : i32
      %dma_wait3A_108 = arith.constant 0 : i32
      %dma_wait3A_109 = tpu.memref_slice %arg5[%add3A_107, %dma_wait3A_108] : memref<80x128xi32, #tpu.memory_space<vmem>> -> memref<1x128xi32, #tpu.memory_space<vmem>>
      %dma_wait3A_110 = tpu.memref_squeeze %dma_wait3A_109 : memref<1x128xi32, #tpu.memory_space<vmem>> -> memref<128xi32, #tpu.memory_space<vmem>>
      %dma_wait3A_111 = arith.constant 0 : i32
      %dma_wait3A_112 = arith.constant 0 : i32
      %dma_wait3A_113 = tpu.memref_slice %arg2[%dma_wait3A_111, %dma_wait3A_112] : memref<10000x16xf32, #tpu.memory_space<hbm>> -> memref<10000x16xf32, #tpu.memory_space<hbm>>
      tpu.wait_indirect_dma semaphore(%arg14 : memref<!tpu.dma_semaphore, #tpu.memory_space<semaphore_mem>>) src(%dma_wait3A_113 : memref<10000x16xf32, #tpu.memory_space<hbm>>) dst(%arg8 : memref<128x16xf32, #tpu.memory_space<vmem>>)
      "tpu.region"() ({
        %run_scoped3A = tpu.sem_alloc : memref<!tpu.dma_semaphore, #tpu.memory_space<semaphore_mem>>
        %dma_start3A_148 = arith.constant 0 : i32
        %dma_start3A_149 = tpu.memref_slice %arg6[%add3A_107, %dma_start3A_148] : memref<80x128xi32, #tpu.memory_space<vmem>> -> memref<1x128xi32, #tpu.memory_space<vmem>>
        %dma_start3A_150 = tpu.memref_squeeze %dma_start3A_149 : memref<1x128xi32, #tpu.memory_space<vmem>> -> memref<128xi32, #tpu.memory_space<vmem>>
        %dma_start3A_151 = arith.constant 0 : i32
        %dma_start3A_152 = arith.constant 0 : i32
        %dma_start3A_153 = tpu.memref_slice %arg12[%dma_start3A_151, %dma_start3A_152] : memref<10000x16xf32, #tpu.memory_space<vmem_shared>> -> memref<10000x16xf32, #tpu.memory_space<vmem_shared>>
        tpu.enqueue_indirect_dma source(%arg8 : memref<128x16xf32, #tpu.memory_space<vmem>>) target(%dma_start3A_153 : memref<10000x16xf32, #tpu.memory_space<vmem_shared>>) offsets(%dma_start3A_150 : memref<128xi32, #tpu.memory_space<vmem>>) semaphore(%run_scoped3A : memref<!tpu.dma_semaphore, #tpu.memory_space<semaphore_mem>>) {add = true}
        %dma_wait3A_154 = arith.constant 0 : i32
        %dma_wait3A_155 = tpu.memref_slice %arg6[%add3A_107, %dma_wait3A_154] : memref<80x128xi32, #tpu.memory_space<vmem>> -> memref<1x128xi32, #tpu.memory_space<vmem>>
        %dma_wait3A_156 = tpu.memref_squeeze %dma_wait3A_155 : memref<1x128xi32, #tpu.memory_space<vmem>> -> memref<128xi32, #tpu.memory_space<vmem>>
        %dma_wait3A_157 = arith.constant 0 : i32
        %dma_wait3A_158 = arith.constant 0 : i32
        %dma_wait3A_159 = tpu.memref_slice %arg12[%dma_wait3A_157, %dma_wait3A_158] : memref<10000x16xf32, #tpu.memory_space<vmem_shared>> -> memref<10000x16xf32, #tpu.memory_space<vmem_shared>>
        tpu.wait_indirect_dma semaphore(%run_scoped3A : memref<!tpu.dma_semaphore, #tpu.memory_space<semaphore_mem>>) src(%arg8 : memref<128x16xf32, #tpu.memory_space<vmem>>) dst(%dma_wait3A_159 : memref<10000x16xf32, #tpu.memory_space<vmem_shared>>)
        tpu.yield
      }) : () -> ()
      %add3A_114 = arith.constant 4 : i32
      %add3A_115 = arith.addi %add3A_107, %add3A_114 : i32
      %lt3A_116 = arith.cmpi slt, %add3A_115, %add3A_19 : i32
      %convert_element_type3A_117 = arith.extui %lt3A_116 : i1 to i32
      %cond3A_118 = arith.constant 0 : i32
      %cond3A_119 = arith.cmpi ne, %convert_element_type3A_117, %cond3A_118 : i32
      scf.if %cond3A_119 {
        %add3A_148 = arith.constant 4 : i32
        %add3A_149 = arith.addi %add3A_107, %add3A_148 : i32
        %dma_start3A_150 = arith.constant 0 : i32
        %dma_start3A_151 = tpu.memref_slice %arg5[%add3A_149, %dma_start3A_150] : memref<80x128xi32, #tpu.memory_space<vmem>> -> memref<1x128xi32, #tpu.memory_space<vmem>>
        %dma_start3A_152 = tpu.memref_squeeze %dma_start3A_151 : memref<1x128xi32, #tpu.memory_space<vmem>> -> memref<128xi32, #tpu.memory_space<vmem>>
        %dma_start3A_153 = arith.constant 0 : i32
        %dma_start3A_154 = arith.constant 0 : i32
        %dma_start3A_155 = tpu.memref_slice %arg2[%dma_start3A_153, %dma_start3A_154] : memref<10000x16xf32, #tpu.memory_space<hbm>> -> memref<10000x16xf32, #tpu.memory_space<hbm>>
        tpu.enqueue_indirect_dma source(%dma_start3A_155 : memref<10000x16xf32, #tpu.memory_space<hbm>>) target(%arg8 : memref<128x16xf32, #tpu.memory_space<vmem>>) offsets(%dma_start3A_152 : memref<128xi32, #tpu.memory_space<vmem>>) semaphore(%arg14 : memref<!tpu.dma_semaphore, #tpu.memory_space<semaphore_mem>>)
      } else {
      }
      %add3A_120 = arith.constant 2 : i32
      %add3A_121 = arith.addi %mul3A_92, %add3A_120 : i32
      %dma_wait3A_122 = arith.constant 0 : i32
      %dma_wait3A_123 = tpu.memref_slice %arg5[%add3A_121, %dma_wait3A_122] : memref<80x128xi32, #tpu.memory_space<vmem>> -> memref<1x128xi32, #tpu.memory_space<vmem>>
      %dma_wait3A_124 = tpu.memref_squeeze %dma_wait3A_123 : memref<1x128xi32, #tpu.memory_space<vmem>> -> memref<128xi32, #tpu.memory_space<vmem>>
      %dma_wait3A_125 = arith.constant 0 : i32
      %dma_wait3A_126 = arith.constant 0 : i32
      %dma_wait3A_127 = tpu.memref_slice %arg2[%dma_wait3A_125, %dma_wait3A_126] : memref<10000x16xf32, #tpu.memory_space<hbm>> -> memref<10000x16xf32, #tpu.memory_space<hbm>>
      tpu.wait_indirect_dma semaphore(%arg15 : memref<!tpu.dma_semaphore, #tpu.memory_space<semaphore_mem>>) src(%dma_wait3A_127 : memref<10000x16xf32, #tpu.memory_space<hbm>>) dst(%arg9 : memref<128x16xf32, #tpu.memory_space<vmem>>)
      "tpu.region"() ({
        %run_scoped3A = tpu.sem_alloc : memref<!tpu.dma_semaphore, #tpu.memory_space<semaphore_mem>>
        %dma_start3A_148 = arith.constant 0 : i32
        %dma_start3A_149 = tpu.memref_slice %arg6[%add3A_121, %dma_start3A_148] : memref<80x128xi32, #tpu.memory_space<vmem>> -> memref<1x128xi32, #tpu.memory_space<vmem>>
        %dma_start3A_150 = tpu.memref_squeeze %dma_start3A_149 : memref<1x128xi32, #tpu.memory_space<vmem>> -> memref<128xi32, #tpu.memory_space<vmem>>
        %dma_start3A_151 = arith.constant 0 : i32
        %dma_start3A_152 = arith.constant 0 : i32
        %dma_start3A_153 = tpu.memref_slice %arg12[%dma_start3A_151, %dma_start3A_152] : memref<10000x16xf32, #tpu.memory_space<vmem_shared>> -> memref<10000x16xf32, #tpu.memory_space<vmem_shared>>
        tpu.enqueue_indirect_dma source(%arg9 : memref<128x16xf32, #tpu.memory_space<vmem>>) target(%dma_start3A_153 : memref<10000x16xf32, #tpu.memory_space<vmem_shared>>) offsets(%dma_start3A_150 : memref<128xi32, #tpu.memory_space<vmem>>) semaphore(%run_scoped3A : memref<!tpu.dma_semaphore, #tpu.memory_space<semaphore_mem>>) {add = true}
        %dma_wait3A_154 = arith.constant 0 : i32
        %dma_wait3A_155 = tpu.memref_slice %arg6[%add3A_121, %dma_wait3A_154] : memref<80x128xi32, #tpu.memory_space<vmem>> -> memref<1x128xi32, #tpu.memory_space<vmem>>
        %dma_wait3A_156 = tpu.memref_squeeze %dma_wait3A_155 : memref<1x128xi32, #tpu.memory_space<vmem>> -> memref<128xi32, #tpu.memory_space<vmem>>
        %dma_wait3A_157 = arith.constant 0 : i32
        %dma_wait3A_158 = arith.constant 0 : i32
        %dma_wait3A_159 = tpu.memref_slice %arg12[%dma_wait3A_157, %dma_wait3A_158] : memref<10000x16xf32, #tpu.memory_space<vmem_shared>> -> memref<10000x16xf32, #tpu.memory_space<vmem_shared>>
        tpu.wait_indirect_dma semaphore(%run_scoped3A : memref<!tpu.dma_semaphore, #tpu.memory_space<semaphore_mem>>) src(%arg9 : memref<128x16xf32, #tpu.memory_space<vmem>>) dst(%dma_wait3A_159 : memref<10000x16xf32, #tpu.memory_space<vmem_shared>>)
        tpu.yield
      }) : () -> ()
      %add3A_128 = arith.constant 4 : i32
      %add3A_129 = arith.addi %add3A_121, %add3A_128 : i32
      %lt3A_130 = arith.cmpi slt, %add3A_129, %add3A_19 : i32
      %convert_element_type3A_131 = arith.extui %lt3A_130 : i1 to i32
      %cond3A_132 = arith.constant 0 : i32
      %cond3A_133 = arith.cmpi ne, %convert_element_type3A_131, %cond3A_132 : i32
      scf.if %cond3A_133 {
        %add3A_148 = arith.constant 4 : i32
        %add3A_149 = arith.addi %add3A_121, %add3A_148 : i32
        %dma_start3A_150 = arith.constant 0 : i32
        %dma_start3A_151 = tpu.memref_slice %arg5[%add3A_149, %dma_start3A_150] : memref<80x128xi32, #tpu.memory_space<vmem>> -> memref<1x128xi32, #tpu.memory_space<vmem>>
        %dma_start3A_152 = tpu.memref_squeeze %dma_start3A_151 : memref<1x128xi32, #tpu.memory_space<vmem>> -> memref<128xi32, #tpu.memory_space<vmem>>
        %dma_start3A_153 = arith.constant 0 : i32
        %dma_start3A_154 = arith.constant 0 : i32
        %dma_start3A_155 = tpu.memref_slice %arg2[%dma_start3A_153, %dma_start3A_154] : memref<10000x16xf32, #tpu.memory_space<hbm>> -> memref<10000x16xf32, #tpu.memory_space<hbm>>
        tpu.enqueue_indirect_dma source(%dma_start3A_155 : memref<10000x16xf32, #tpu.memory_space<hbm>>) target(%arg9 : memref<128x16xf32, #tpu.memory_space<vmem>>) offsets(%dma_start3A_152 : memref<128xi32, #tpu.memory_space<vmem>>) semaphore(%arg15 : memref<!tpu.dma_semaphore, #tpu.memory_space<semaphore_mem>>)
      } else {
      }
      %add3A_134 = arith.constant 3 : i32
      %add3A_135 = arith.addi %mul3A_92, %add3A_134 : i32
      %dma_wait3A_136 = arith.constant 0 : i32
      %dma_wait3A_137 = tpu.memref_slice %arg5[%add3A_135, %dma_wait3A_136] : memref<80x128xi32, #tpu.memory_space<vmem>> -> memref<1x128xi32, #tpu.memory_space<vmem>>
      %dma_wait3A_138 = tpu.memref_squeeze %dma_wait3A_137 : memref<1x128xi32, #tpu.memory_space<vmem>> -> memref<128xi32, #tpu.memory_space<vmem>>
      %dma_wait3A_139 = arith.constant 0 : i32
      %dma_wait3A_140 = arith.constant 0 : i32
      %dma_wait3A_141 = tpu.memref_slice %arg2[%dma_wait3A_139, %dma_wait3A_140] : memref<10000x16xf32, #tpu.memory_space<hbm>> -> memref<10000x16xf32, #tpu.memory_space<hbm>>
      tpu.wait_indirect_dma semaphore(%arg16 : memref<!tpu.dma_semaphore, #tpu.memory_space<semaphore_mem>>) src(%dma_wait3A_141 : memref<10000x16xf32, #tpu.memory_space<hbm>>) dst(%arg10 : memref<128x16xf32, #tpu.memory_space<vmem>>)
      "tpu.region"() ({
        %run_scoped3A = tpu.sem_alloc : memref<!tpu.dma_semaphore, #tpu.memory_space<semaphore_mem>>
        %dma_start3A_148 = arith.constant 0 : i32
        %dma_start3A_149 = tpu.memref_slice %arg6[%add3A_135, %dma_start3A_148] : memref<80x128xi32, #tpu.memory_space<vmem>> -> memref<1x128xi32, #tpu.memory_space<vmem>>
        %dma_start3A_150 = tpu.memref_squeeze %dma_start3A_149 : memref<1x128xi32, #tpu.memory_space<vmem>> -> memref<128xi32, #tpu.memory_space<vmem>>
        %dma_start3A_151 = arith.constant 0 : i32
        %dma_start3A_152 = arith.constant 0 : i32
        %dma_start3A_153 = tpu.memref_slice %arg12[%dma_start3A_151, %dma_start3A_152] : memref<10000x16xf32, #tpu.memory_space<vmem_shared>> -> memref<10000x16xf32, #tpu.memory_space<vmem_shared>>
        tpu.enqueue_indirect_dma source(%arg10 : memref<128x16xf32, #tpu.memory_space<vmem>>) target(%dma_start3A_153 : memref<10000x16xf32, #tpu.memory_space<vmem_shared>>) offsets(%dma_start3A_150 : memref<128xi32, #tpu.memory_space<vmem>>) semaphore(%run_scoped3A : memref<!tpu.dma_semaphore, #tpu.memory_space<semaphore_mem>>) {add = true}
        %dma_wait3A_154 = arith.constant 0 : i32
        %dma_wait3A_155 = tpu.memref_slice %arg6[%add3A_135, %dma_wait3A_154] : memref<80x128xi32, #tpu.memory_space<vmem>> -> memref<1x128xi32, #tpu.memory_space<vmem>>
        %dma_wait3A_156 = tpu.memref_squeeze %dma_wait3A_155 : memref<1x128xi32, #tpu.memory_space<vmem>> -> memref<128xi32, #tpu.memory_space<vmem>>
        %dma_wait3A_157 = arith.constant 0 : i32
        %dma_wait3A_158 = arith.constant 0 : i32
        %dma_wait3A_159 = tpu.memref_slice %arg12[%dma_wait3A_157, %dma_wait3A_158] : memref<10000x16xf32, #tpu.memory_space<vmem_shared>> -> memref<10000x16xf32, #tpu.memory_space<vmem_shared>>
        tpu.wait_indirect_dma semaphore(%run_scoped3A : memref<!tpu.dma_semaphore, #tpu.memory_space<semaphore_mem>>) src(%arg10 : memref<128x16xf32, #tpu.memory_space<vmem>>) dst(%dma_wait3A_159 : memref<10000x16xf32, #tpu.memory_space<vmem_shared>>)
        tpu.yield
      }) : () -> ()
      %add3A_142 = arith.constant 4 : i32
      %add3A_143 = arith.addi %add3A_135, %add3A_142 : i32
      %lt3A_144 = arith.cmpi slt, %add3A_143, %add3A_19 : i32
      %convert_element_type3A_145 = arith.extui %lt3A_144 : i1 to i32
      %cond3A_146 = arith.constant 0 : i32
      %cond3A_147 = arith.cmpi ne, %convert_element_type3A_145, %cond3A_146 : i32
      scf.if %cond3A_147 {
        %add3A_148 = arith.constant 4 : i32
        %add3A_149 = arith.addi %add3A_135, %add3A_148 : i32
        %dma_start3A_150 = arith.constant 0 : i32
        %dma_start3A_151 = tpu.memref_slice %arg5[%add3A_149, %dma_start3A_150] : memref<80x128xi32, #tpu.memory_space<vmem>> -> memref<1x128xi32, #tpu.memory_space<vmem>>
        %dma_start3A_152 = tpu.memref_squeeze %dma_start3A_151 : memref<1x128xi32, #tpu.memory_space<vmem>> -> memref<128xi32, #tpu.memory_space<vmem>>
        %dma_start3A_153 = arith.constant 0 : i32
        %dma_start3A_154 = arith.constant 0 : i32
        %dma_start3A_155 = tpu.memref_slice %arg2[%dma_start3A_153, %dma_start3A_154] : memref<10000x16xf32, #tpu.memory_space<hbm>> -> memref<10000x16xf32, #tpu.memory_space<hbm>>
        tpu.enqueue_indirect_dma source(%dma_start3A_155 : memref<10000x16xf32, #tpu.memory_space<hbm>>) target(%arg10 : memref<128x16xf32, #tpu.memory_space<vmem>>) offsets(%dma_start3A_152 : memref<128xi32, #tpu.memory_space<vmem>>) semaphore(%arg16 : memref<!tpu.dma_semaphore, #tpu.memory_space<semaphore_mem>>)
      } else {
      }
    }
    %while3A_84 = arith.constant 1 : i32
    scf.for %while3A_90 = %while3A_82 to %while3A_78 step %while3A_84  : i32 {
      %mul3A_91 = arith.constant 4 : i32
      %mul3A_92 = arith.muli %while3A_90, %mul3A_91 : i32
      %add3A_93 = arith.constant 0 : i32
      %add3A_94 = arith.addi %mul3A_92, %add3A_93 : i32
      %dma_wait3A = arith.constant 0 : i32
      %dma_wait3A_95 = tpu.memref_slice %arg5[%add3A_94, %dma_wait3A] : memref<80x128xi32, #tpu.memory_space<vmem>> -> memref<1x128xi32, #tpu.memory_space<vmem>>
      %dma_wait3A_96 = tpu.memref_squeeze %dma_wait3A_95 : memref<1x128xi32, #tpu.memory_space<vmem>> -> memref<128xi32, #tpu.memory_space<vmem>>
      %dma_wait3A_97 = arith.constant 0 : i32
      %dma_wait3A_98 = arith.constant 0 : i32
      %dma_wait3A_99 = tpu.memref_slice %arg2[%dma_wait3A_97, %dma_wait3A_98] : memref<10000x16xf32, #tpu.memory_space<hbm>> -> memref<10000x16xf32, #tpu.memory_space<hbm>>
      tpu.wait_indirect_dma semaphore(%arg13 : memref<!tpu.dma_semaphore, #tpu.memory_space<semaphore_mem>>) src(%dma_wait3A_99 : memref<10000x16xf32, #tpu.memory_space<hbm>>) dst(%arg7 : memref<128x16xf32, #tpu.memory_space<vmem>>)
      "tpu.region"() ({
        %run_scoped3A = tpu.sem_alloc : memref<!tpu.dma_semaphore, #tpu.memory_space<semaphore_mem>>
        %dma_start3A_148 = arith.constant 0 : i32
        %dma_start3A_149 = tpu.memref_slice %arg6[%add3A_94, %dma_start3A_148] : memref<80x128xi32, #tpu.memory_space<vmem>> -> memref<1x128xi32, #tpu.memory_space<vmem>>
        %dma_start3A_150 = tpu.memref_squeeze %dma_start3A_149 : memref<1x128xi32, #tpu.memory_space<vmem>> -> memref<128xi32, #tpu.memory_space<vmem>>
        %dma_start3A_151 = arith.constant 0 : i32
        %dma_start3A_152 = arith.constant 0 : i32
        %dma_start3A_153 = tpu.memref_slice %arg12[%dma_start3A_151, %dma_start3A_152] : memref<10000x16xf32, #tpu.memory_space<vmem_shared>> -> memref<10000x16xf32, #tpu.memory_space<vmem_shared>>
        tpu.enqueue_indirect_dma source(%arg7 : memref<128x16xf32, #tpu.memory_space<vmem>>) target(%dma_start3A_153 : memref<10000x16xf32, #tpu.memory_space<vmem_shared>>) offsets(%dma_start3A_150 : memref<128xi32, #tpu.memory_space<vmem>>) semaphore(%run_scoped3A : memref<!tpu.dma_semaphore, #tpu.memory_space<semaphore_mem>>) {add = true}
        %dma_wait3A_154 = arith.constant 0 : i32
        %dma_wait3A_155 = tpu.memref_slice %arg6[%add3A_94, %dma_wait3A_154] : memref<80x128xi32, #tpu.memory_space<vmem>> -> memref<1x128xi32, #tpu.memory_space<vmem>>
        %dma_wait3A_156 = tpu.memref_squeeze %dma_wait3A_155 : memref<1x128xi32, #tpu.memory_space<vmem>> -> memref<128xi32, #tpu.memory_space<vmem>>
        %dma_wait3A_157 = arith.constant 0 : i32
        %dma_wait3A_158 = arith.constant 0 : i32
        %dma_wait3A_159 = tpu.memref_slice %arg12[%dma_wait3A_157, %dma_wait3A_158] : memref<10000x16xf32, #tpu.memory_space<vmem_shared>> -> memref<10000x16xf32, #tpu.memory_space<vmem_shared>>
        tpu.wait_indirect_dma semaphore(%run_scoped3A : memref<!tpu.dma_semaphore, #tpu.memory_space<semaphore_mem>>) src(%arg7 : memref<128x16xf32, #tpu.memory_space<vmem>>) dst(%dma_wait3A_159 : memref<10000x16xf32, #tpu.memory_space<vmem_shared>>)
        tpu.yield
      }) : () -> ()
      %add3A_100 = arith.constant 4 : i32
      %add3A_101 = arith.addi %add3A_94, %add3A_100 : i32
      %lt3A_102 = arith.cmpi slt, %add3A_101, %add3A_19 : i32
      %convert_element_type3A_103 = arith.extui %lt3A_102 : i1 to i32
      %cond3A_104 = arith.constant 0 : i32
      %cond3A_105 = arith.cmpi ne, %convert_element_type3A_103, %cond3A_104 : i32
      scf.if %cond3A_105 {
        %add3A_148 = arith.constant 4 : i32
        %add3A_149 = arith.addi %add3A_94, %add3A_148 : i32
        %dma_start3A_150 = arith.constant 0 : i32
        %dma_start3A_151 = tpu.memref_slice %arg5[%add3A_149, %dma_start3A_150] : memref<80x128xi32, #tpu.memory_space<vmem>> -> memref<1x128xi32, #tpu.memory_space<vmem>>
        %dma_start3A_152 = tpu.memref_squeeze %dma_start3A_151 : memref<1x128xi32, #tpu.memory_space<vmem>> -> memref<128xi32, #tpu.memory_space<vmem>>
        %dma_start3A_153 = arith.constant 0 : i32
        %dma_start3A_154 = arith.constant 0 : i32
        %dma_start3A_155 = tpu.memref_slice %arg2[%dma_start3A_153, %dma_start3A_154] : memref<10000x16xf32, #tpu.memory_space<hbm>> -> memref<10000x16xf32, #tpu.memory_space<hbm>>
        tpu.enqueue_indirect_dma source(%dma_start3A_155 : memref<10000x16xf32, #tpu.memory_space<hbm>>) target(%arg7 : memref<128x16xf32, #tpu.memory_space<vmem>>) offsets(%dma_start3A_152 : memref<128xi32, #tpu.memory_space<vmem>>) semaphore(%arg13 : memref<!tpu.dma_semaphore, #tpu.memory_space<semaphore_mem>>)
      } else {
      }
      %add3A_106 = arith.constant 1 : i32
      %add3A_107 = arith.addi %mul3A_92, %add3A_106 : i32
      %dma_wait3A_108 = arith.constant 0 : i32
      %dma_wait3A_109 = tpu.memref_slice %arg5[%add3A_107, %dma_wait3A_108] : memref<80x128xi32, #tpu.memory_space<vmem>> -> memref<1x128xi32, #tpu.memory_space<vmem>>
      %dma_wait3A_110 = tpu.memref_squeeze %dma_wait3A_109 : memref<1x128xi32, #tpu.memory_space<vmem>> -> memref<128xi32, #tpu.memory_space<vmem>>
      %dma_wait3A_111 = arith.constant 0 : i32
      %dma_wait3A_112 = arith.constant 0 : i32
      %dma_wait3A_113 = tpu.memref_slice %arg2[%dma_wait3A_111, %dma_wait3A_112] : memref<10000x16xf32, #tpu.memory_space<hbm>> -> memref<10000x16xf32, #tpu.memory_space<hbm>>
      tpu.wait_indirect_dma semaphore(%arg14 : memref<!tpu.dma_semaphore, #tpu.memory_space<semaphore_mem>>) src(%dma_wait3A_113 : memref<10000x16xf32, #tpu.memory_space<hbm>>) dst(%arg8 : memref<128x16xf32, #tpu.memory_space<vmem>>)
      "tpu.region"() ({
        %run_scoped3A = tpu.sem_alloc : memref<!tpu.dma_semaphore, #tpu.memory_space<semaphore_mem>>
        %dma_start3A_148 = arith.constant 0 : i32
        %dma_start3A_149 = tpu.memref_slice %arg6[%add3A_107, %dma_start3A_148] : memref<80x128xi32, #tpu.memory_space<vmem>> -> memref<1x128xi32, #tpu.memory_space<vmem>>
        %dma_start3A_150 = tpu.memref_squeeze %dma_start3A_149 : memref<1x128xi32, #tpu.memory_space<vmem>> -> memref<128xi32, #tpu.memory_space<vmem>>
        %dma_start3A_151 = arith.constant 0 : i32
        %dma_start3A_152 = arith.constant 0 : i32
        %dma_start3A_153 = tpu.memref_slice %arg12[%dma_start3A_151, %dma_start3A_152] : memref<10000x16xf32, #tpu.memory_space<vmem_shared>> -> memref<10000x16xf32, #tpu.memory_space<vmem_shared>>
        tpu.enqueue_indirect_dma source(%arg8 : memref<128x16xf32, #tpu.memory_space<vmem>>) target(%dma_start3A_153 : memref<10000x16xf32, #tpu.memory_space<vmem_shared>>) offsets(%dma_start3A_150 : memref<128xi32, #tpu.memory_space<vmem>>) semaphore(%run_scoped3A : memref<!tpu.dma_semaphore, #tpu.memory_space<semaphore_mem>>) {add = true}
        %dma_wait3A_154 = arith.constant 0 : i32
        %dma_wait3A_155 = tpu.memref_slice %arg6[%add3A_107, %dma_wait3A_154] : memref<80x128xi32, #tpu.memory_space<vmem>> -> memref<1x128xi32, #tpu.memory_space<vmem>>
        %dma_wait3A_156 = tpu.memref_squeeze %dma_wait3A_155 : memref<1x128xi32, #tpu.memory_space<vmem>> -> memref<128xi32, #tpu.memory_space<vmem>>
        %dma_wait3A_157 = arith.constant 0 : i32
        %dma_wait3A_158 = arith.constant 0 : i32
        %dma_wait3A_159 = tpu.memref_slice %arg12[%dma_wait3A_157, %dma_wait3A_158] : memref<10000x16xf32, #tpu.memory_space<vmem_shared>> -> memref<10000x16xf32, #tpu.memory_space<vmem_shared>>
        tpu.wait_indirect_dma semaphore(%run_scoped3A : memref<!tpu.dma_semaphore, #tpu.memory_space<semaphore_mem>>) src(%arg8 : memref<128x16xf32, #tpu.memory_space<vmem>>) dst(%dma_wait3A_159 : memref<10000x16xf32, #tpu.memory_space<vmem_shared>>)
        tpu.yield
      }) : () -> ()
      %add3A_114 = arith.constant 4 : i32
      %add3A_115 = arith.addi %add3A_107, %add3A_114 : i32
      %lt3A_116 = arith.cmpi slt, %add3A_115, %add3A_19 : i32
      %convert_element_type3A_117 = arith.extui %lt3A_116 : i1 to i32
      %cond3A_118 = arith.constant 0 : i32
      %cond3A_119 = arith.cmpi ne, %convert_element_type3A_117, %cond3A_118 : i32
      scf.if %cond3A_119 {
        %add3A_148 = arith.constant 4 : i32
        %add3A_149 = arith.addi %add3A_107, %add3A_148 : i32
        %dma_start3A_150 = arith.constant 0 : i32
        %dma_start3A_151 = tpu.memref_slice %arg5[%add3A_149, %dma_start3A_150] : memref<80x128xi32, #tpu.memory_space<vmem>> -> memref<1x128xi32, #tpu.memory_space<vmem>>
        %dma_start3A_152 = tpu.memref_squeeze %dma_start3A_151 : memref<1x128xi32, #tpu.memory_space<vmem>> -> memref<128xi32, #tpu.memory_space<vmem>>
        %dma_start3A_153 = arith.constant 0 : i32
        %dma_start3A_154 = arith.constant 0 : i32
        %dma_start3A_155 = tpu.memref_slice %arg2[%dma_start3A_153, %dma_start3A_154] : memref<10000x16xf32, #tpu.memory_space<hbm>> -> memref<10000x16xf32, #tpu.memory_space<hbm>>
        tpu.enqueue_indirect_dma source(%dma_start3A_155 : memref<10000x16xf32, #tpu.memory_space<hbm>>) target(%arg8 : memref<128x16xf32, #tpu.memory_space<vmem>>) offsets(%dma_start3A_152 : memref<128xi32, #tpu.memory_space<vmem>>) semaphore(%arg14 : memref<!tpu.dma_semaphore, #tpu.memory_space<semaphore_mem>>)
      } else {
      }
      %add3A_120 = arith.constant 2 : i32
      %add3A_121 = arith.addi %mul3A_92, %add3A_120 : i32
      %dma_wait3A_122 = arith.constant 0 : i32
      %dma_wait3A_123 = tpu.memref_slice %arg5[%add3A_121, %dma_wait3A_122] : memref<80x128xi32, #tpu.memory_space<vmem>> -> memref<1x128xi32, #tpu.memory_space<vmem>>
      %dma_wait3A_124 = tpu.memref_squeeze %dma_wait3A_123 : memref<1x128xi32, #tpu.memory_space<vmem>> -> memref<128xi32, #tpu.memory_space<vmem>>
      %dma_wait3A_125 = arith.constant 0 : i32
      %dma_wait3A_126 = arith.constant 0 : i32
      %dma_wait3A_127 = tpu.memref_slice %arg2[%dma_wait3A_125, %dma_wait3A_126] : memref<10000x16xf32, #tpu.memory_space<hbm>> -> memref<10000x16xf32, #tpu.memory_space<hbm>>
      tpu.wait_indirect_dma semaphore(%arg15 : memref<!tpu.dma_semaphore, #tpu.memory_space<semaphore_mem>>) src(%dma_wait3A_127 : memref<10000x16xf32, #tpu.memory_space<hbm>>) dst(%arg9 : memref<128x16xf32, #tpu.memory_space<vmem>>)
      "tpu.region"() ({
        %run_scoped3A = tpu.sem_alloc : memref<!tpu.dma_semaphore, #tpu.memory_space<semaphore_mem>>
        %dma_start3A_148 = arith.constant 0 : i32
        %dma_start3A_149 = tpu.memref_slice %arg6[%add3A_121, %dma_start3A_148] : memref<80x128xi32, #tpu.memory_space<vmem>> -> memref<1x128xi32, #tpu.memory_space<vmem>>
        %dma_start3A_150 = tpu.memref_squeeze %dma_start3A_149 : memref<1x128xi32, #tpu.memory_space<vmem>> -> memref<128xi32, #tpu.memory_space<vmem>>
        %dma_start3A_151 = arith.constant 0 : i32
        %dma_start3A_152 = arith.constant 0 : i32
        %dma_start3A_153 = tpu.memref_slice %arg12[%dma_start3A_151, %dma_start3A_152] : memref<10000x16xf32, #tpu.memory_space<vmem_shared>> -> memref<10000x16xf32, #tpu.memory_space<vmem_shared>>
        tpu.enqueue_indirect_dma source(%arg9 : memref<128x16xf32, #tpu.memory_space<vmem>>) target(%dma_start3A_153 : memref<10000x16xf32, #tpu.memory_space<vmem_shared>>) offsets(%dma_start3A_150 : memref<128xi32, #tpu.memory_space<vmem>>) semaphore(%run_scoped3A : memref<!tpu.dma_semaphore, #tpu.memory_space<semaphore_mem>>) {add = true}
        %dma_wait3A_154 = arith.constant 0 : i32
        %dma_wait3A_155 = tpu.memref_slice %arg6[%add3A_121, %dma_wait3A_154] : memref<80x128xi32, #tpu.memory_space<vmem>> -> memref<1x128xi32, #tpu.memory_space<vmem>>
        %dma_wait3A_156 = tpu.memref_squeeze %dma_wait3A_155 : memref<1x128xi32, #tpu.memory_space<vmem>> -> memref<128xi32, #tpu.memory_space<vmem>>
        %dma_wait3A_157 = arith.constant 0 : i32
        %dma_wait3A_158 = arith.constant 0 : i32
        %dma_wait3A_159 = tpu.memref_slice %arg12[%dma_wait3A_157, %dma_wait3A_158] : memref<10000x16xf32, #tpu.memory_space<vmem_shared>> -> memref<10000x16xf32, #tpu.memory_space<vmem_shared>>
        tpu.wait_indirect_dma semaphore(%run_scoped3A : memref<!tpu.dma_semaphore, #tpu.memory_space<semaphore_mem>>) src(%arg9 : memref<128x16xf32, #tpu.memory_space<vmem>>) dst(%dma_wait3A_159 : memref<10000x16xf32, #tpu.memory_space<vmem_shared>>)
        tpu.yield
      }) : () -> ()
      %add3A_128 = arith.constant 4 : i32
      %add3A_129 = arith.addi %add3A_121, %add3A_128 : i32
      %lt3A_130 = arith.cmpi slt, %add3A_129, %add3A_19 : i32
      %convert_element_type3A_131 = arith.extui %lt3A_130 : i1 to i32
      %cond3A_132 = arith.constant 0 : i32
      %cond3A_133 = arith.cmpi ne, %convert_element_type3A_131, %cond3A_132 : i32
      scf.if %cond3A_133 {
        %add3A_148 = arith.constant 4 : i32
        %add3A_149 = arith.addi %add3A_121, %add3A_148 : i32
        %dma_start3A_150 = arith.constant 0 : i32
        %dma_start3A_151 = tpu.memref_slice %arg5[%add3A_149, %dma_start3A_150] : memref<80x128xi32, #tpu.memory_space<vmem>> -> memref<1x128xi32, #tpu.memory_space<vmem>>
        %dma_start3A_152 = tpu.memref_squeeze %dma_start3A_151 : memref<1x128xi32, #tpu.memory_space<vmem>> -> memref<128xi32, #tpu.memory_space<vmem>>
        %dma_start3A_153 = arith.constant 0 : i32
        %dma_start3A_154 = arith.constant 0 : i32
        %dma_start3A_155 = tpu.memref_slice %arg2[%dma_start3A_153, %dma_start3A_154] : memref<10000x16xf32, #tpu.memory_space<hbm>> -> memref<10000x16xf32, #tpu.memory_space<hbm>>
        tpu.enqueue_indirect_dma source(%dma_start3A_155 : memref<10000x16xf32, #tpu.memory_space<hbm>>) target(%arg9 : memref<128x16xf32, #tpu.memory_space<vmem>>) offsets(%dma_start3A_152 : memref<128xi32, #tpu.memory_space<vmem>>) semaphore(%arg15 : memref<!tpu.dma_semaphore, #tpu.memory_space<semaphore_mem>>)
      } else {
      }
      %add3A_134 = arith.constant 3 : i32
      %add3A_135 = arith.addi %mul3A_92, %add3A_134 : i32
      %dma_wait3A_136 = arith.constant 0 : i32
      %dma_wait3A_137 = tpu.memref_slice %arg5[%add3A_135, %dma_wait3A_136] : memref<80x128xi32, #tpu.memory_space<vmem>> -> memref<1x128xi32, #tpu.memory_space<vmem>>
      %dma_wait3A_138 = tpu.memref_squeeze %dma_wait3A_137 : memref<1x128xi32, #tpu.memory_space<vmem>> -> memref<128xi32, #tpu.memory_space<vmem>>
      %dma_wait3A_139 = arith.constant 0 : i32
      %dma_wait3A_140 = arith.constant 0 : i32
      %dma_wait3A_141 = tpu.memref_slice %arg2[%dma_wait3A_139, %dma_wait3A_140] : memref<10000x16xf32, #tpu.memory_space<hbm>> -> memref<10000x16xf32, #tpu.memory_space<hbm>>
      tpu.wait_indirect_dma semaphore(%arg16 : memref<!tpu.dma_semaphore, #tpu.memory_space<semaphore_mem>>) src(%dma_wait3A_141 : memref<10000x16xf32, #tpu.memory_space<hbm>>) dst(%arg10 : memref<128x16xf32, #tpu.memory_space<vmem>>)
      "tpu.region"() ({
        %run_scoped3A = tpu.sem_alloc : memref<!tpu.dma_semaphore, #tpu.memory_space<semaphore_mem>>
        %dma_start3A_148 = arith.constant 0 : i32
        %dma_start3A_149 = tpu.memref_slice %arg6[%add3A_135, %dma_start3A_148] : memref<80x128xi32, #tpu.memory_space<vmem>> -> memref<1x128xi32, #tpu.memory_space<vmem>>
        %dma_start3A_150 = tpu.memref_squeeze %dma_start3A_149 : memref<1x128xi32, #tpu.memory_space<vmem>> -> memref<128xi32, #tpu.memory_space<vmem>>
        %dma_start3A_151 = arith.constant 0 : i32
        %dma_start3A_152 = arith.constant 0 : i32
        %dma_start3A_153 = tpu.memref_slice %arg12[%dma_start3A_151, %dma_start3A_152] : memref<10000x16xf32, #tpu.memory_space<vmem_shared>> -> memref<10000x16xf32, #tpu.memory_space<vmem_shared>>
        tpu.enqueue_indirect_dma source(%arg10 : memref<128x16xf32, #tpu.memory_space<vmem>>) target(%dma_start3A_153 : memref<10000x16xf32, #tpu.memory_space<vmem_shared>>) offsets(%dma_start3A_150 : memref<128xi32, #tpu.memory_space<vmem>>) semaphore(%run_scoped3A : memref<!tpu.dma_semaphore, #tpu.memory_space<semaphore_mem>>) {add = true}
        %dma_wait3A_154 = arith.constant 0 : i32
        %dma_wait3A_155 = tpu.memref_slice %arg6[%add3A_135, %dma_wait3A_154] : memref<80x128xi32, #tpu.memory_space<vmem>> -> memref<1x128xi32, #tpu.memory_space<vmem>>
        %dma_wait3A_156 = tpu.memref_squeeze %dma_wait3A_155 : memref<1x128xi32, #tpu.memory_space<vmem>> -> memref<128xi32, #tpu.memory_space<vmem>>
        %dma_wait3A_157 = arith.constant 0 : i32
        %dma_wait3A_158 = arith.constant 0 : i32
        %dma_wait3A_159 = tpu.memref_slice %arg12[%dma_wait3A_157, %dma_wait3A_158] : memref<10000x16xf32, #tpu.memory_space<vmem_shared>> -> memref<10000x16xf32, #tpu.memory_space<vmem_shared>>
        tpu.wait_indirect_dma semaphore(%run_scoped3A : memref<!tpu.dma_semaphore, #tpu.memory_space<semaphore_mem>>) src(%arg10 : memref<128x16xf32, #tpu.memory_space<vmem>>) dst(%dma_wait3A_159 : memref<10000x16xf32, #tpu.memory_space<vmem_shared>>)
        tpu.yield
      }) : () -> ()
      %add3A_142 = arith.constant 4 : i32
      %add3A_143 = arith.addi %add3A_135, %add3A_142 : i32
      %lt3A_144 = arith.cmpi slt, %add3A_143, %add3A_19 : i32
      %convert_element_type3A_145 = arith.extui %lt3A_144 : i1 to i32
      %cond3A_146 = arith.constant 0 : i32
      %cond3A_147 = arith.cmpi ne, %convert_element_type3A_145, %cond3A_146 : i32
      scf.if %cond3A_147 {
        %add3A_148 = arith.constant 4 : i32
        %add3A_149 = arith.addi %add3A_135, %add3A_148 : i32
        %dma_start3A_150 = arith.constant 0 : i32
        %dma_start3A_151 = tpu.memref_slice %arg5[%add3A_149, %dma_start3A_150] : memref<80x128xi32, #tpu.memory_space<vmem>> -> memref<1x128xi32, #tpu.memory_space<vmem>>
        %dma_start3A_152 = tpu.memref_squeeze %dma_start3A_151 : memref<1x128xi32, #tpu.memory_space<vmem>> -> memref<128xi32, #tpu.memory_space<vmem>>
        %dma_start3A_153 = arith.constant 0 : i32
        %dma_start3A_154 = arith.constant 0 : i32
        %dma_start3A_155 = tpu.memref_slice %arg2[%dma_start3A_153, %dma_start3A_154] : memref<10000x16xf32, #tpu.memory_space<hbm>> -> memref<10000x16xf32, #tpu.memory_space<hbm>>
        tpu.enqueue_indirect_dma source(%dma_start3A_155 : memref<10000x16xf32, #tpu.memory_space<hbm>>) target(%arg10 : memref<128x16xf32, #tpu.memory_space<vmem>>) offsets(%dma_start3A_152 : memref<128xi32, #tpu.memory_space<vmem>>) semaphore(%arg16 : memref<!tpu.dma_semaphore, #tpu.memory_space<semaphore_mem>>)
      } else {
      }
    }
    %barrier3A_85 = arith.constant 0 : index
    tpu.barrier barrier_id(%barrier3A_85)
    %eq3A = arith.constant 0 : i32
    %eq3A_86 = arith.cmpi eq, %arg1, %eq3A : i32
    %convert_element_type3A_87 = arith.extui %eq3A_86 : i1 to i32
    %cond3A_88 = arith.constant 0 : i32
    %cond3A_89 = arith.cmpi ne, %convert_element_type3A_87, %cond3A_88 : i32
    scf.if %cond3A_89 {
      "tpu.region"() ({
        %run_scoped3A = tpu.sem_alloc : memref<!tpu.dma_semaphore, #tpu.memory_space<semaphore_mem>>
        %dma_start3A_90 = arith.constant 0 : i32
        %dma_start3A_91 = arith.constant 0 : i32
        %dma_start3A_92 = tpu.memref_slice %arg4[%arg0, %dma_start3A_90, %dma_start3A_91] : memref<2x10000x16xf32, #tpu.memory_space<hbm>> -> memref<1x10000x16xf32, #tpu.memory_space<hbm>>
        %dma_start3A_93 = tpu.memref_squeeze %dma_start3A_92 : memref<1x10000x16xf32, #tpu.memory_space<hbm>> -> memref<10000x16xf32, #tpu.memory_space<hbm>>
        tpu.enqueue_dma source(%arg12 : memref<10000x16xf32, #tpu.memory_space<vmem_shared>>) target(%dma_start3A_93 : memref<10000x16xf32, #tpu.memory_space<hbm>>) target_semaphore(%run_scoped3A : memref<!tpu.dma_semaphore, #tpu.memory_space<semaphore_mem>>)
        %dma_wait3A = arith.constant 0 : i32
        %dma_wait3A_94 = arith.constant 0 : i32
        %dma_wait3A_95 = tpu.memref_slice %arg4[%arg0, %dma_wait3A, %dma_wait3A_94] : memref<2x10000x16xf32, #tpu.memory_space<hbm>> -> memref<1x10000x16xf32, #tpu.memory_space<hbm>>
        %dma_wait3A_96 = tpu.memref_squeeze %dma_wait3A_95 : memref<1x10000x16xf32, #tpu.memory_space<hbm>> -> memref<10000x16xf32, #tpu.memory_space<hbm>>
        tpu.wait_dma2 semaphore(%run_scoped3A : memref<!tpu.dma_semaphore, #tpu.memory_space<semaphore_mem>>) src(%arg12 : memref<10000x16xf32, #tpu.memory_space<vmem_shared>>) dst(%dma_wait3A_96 : memref<10000x16xf32, #tpu.memory_space<hbm>>)
        tpu.yield
      }) : () -> ()
    } else {
    }
    return
  }
}

#map = affine_map<(d0, d1) -> (0, 0)>
#map1 = affine_map<(d0, d1) -> (0, 0, 0)>
module attributes {stable_mosaic.version = 14 : i64} {
  func.func @k(%arg0: i32, %arg1: i32, %arg2: memref<5000x128xi32, #tpu.memory_space<hbm>>, %arg3: memref<2x10240x16xf32, #tpu.memory_space<hbm>>, %arg4: memref<80x128xi32, #tpu.memory_space<vmem>>, %arg5: memref<128x16xf32, #tpu.memory_space<vmem>>, %arg6: memref<640x16xf32, #tpu.memory_space<vmem>>, %arg7: memref<10240x16xf32, #tpu.memory_space<vmem_shared>>) attributes {dimension_semantics = [#tpu.dimension_semantics<core_parallel>, #tpu.dimension_semantics<subcore_parallel>], iteration_bounds = array<i64: 2, 16>, scalar_prefetch = 0 : i64, scratch_operands = 4 : i64, tpu.core_type = #tpu.core_type<sc_vector_subcore>, window_params = [{transform_indices = #map}, {transform_indices = #map1}]} {
    %mul3A = arith.constant 16 : i32
    %mul3A_0 = arith.muli %arg0, %mul3A : i32
    %add3A = arith.addi %mul3A_0, %arg1 : i32
    %broadcast_in_dim3A = arith.constant 0.000000e+00 : f32
    %broadcast_in_dim3A_1 = vector.broadcast %broadcast_in_dim3A : f32 to vector<16xf32>
    %broadcast_in_dim3A_2 = arith.constant 1.000000e+00 : f32
    %broadcast_in_dim3A_3 = vector.broadcast %broadcast_in_dim3A_2 : f32 to vector<16xf32>
    %scan3A = arith.constant 0 : i32
    %scan3A_4 = arith.constant 0 : i32
    %scan3A_5 = arith.constant 640 : i32
    %scan3A_6 = arith.addi %scan3A_4, %scan3A_5 : i32
    %scan3A_7 = arith.constant 1 : i32
    scf.for %scan3A_48 = %scan3A_4 to %scan3A_6 step %scan3A_7  : i32 {
      %swap3A = arith.index_cast %scan3A_48 : i32 to index
      %swap3A_49 = arith.constant 0 : index
      %swap3A_50 = tpu.vector_load %arg6[%swap3A, %swap3A_49] {strides = array<i32>} : memref<640x16xf32, #tpu.memory_space<vmem>>, vector<1x16xf32>,
      %swap3A_51 = vector.shape_cast %swap3A_50 : vector<1x16xf32> to vector<16xf32>
      %swap3A_52 = vector.shape_cast %broadcast_in_dim3A_1 : vector<16xf32> to vector<1x16xf32>
      tpu.vector_store %arg6[%swap3A, %swap3A_49], %swap3A_52 {strides = array<i32>} : memref<640x16xf32, #tpu.memory_space<vmem>>, vector<1x16xf32>,
    }
    %scan3A_8 = arith.constant 640 : i32
    %scan3A_9 = arith.constant 0 : i32
    %scan3A_10 = arith.constant 0 : i32
    %scan3A_11 = arith.constant 128 : i32
    %scan3A_12 = arith.addi %scan3A_10, %scan3A_11 : i32
    %scan3A_13 = arith.constant 1 : i32
    scf.for %scan3A_48 = %scan3A_10 to %scan3A_12 step %scan3A_13  : i32 {
      %swap3A = arith.index_cast %scan3A_48 : i32 to index
      %swap3A_49 = arith.constant 0 : index
      %swap3A_50 = tpu.vector_load %arg5[%swap3A, %swap3A_49] {strides = array<i32>} : memref<128x16xf32, #tpu.memory_space<vmem>>, vector<1x16xf32>,
      %swap3A_51 = vector.shape_cast %swap3A_50 : vector<1x16xf32> to vector<16xf32>
      %swap3A_52 = vector.shape_cast %broadcast_in_dim3A_3 : vector<16xf32> to vector<1x16xf32>
      tpu.vector_store %arg5[%swap3A, %swap3A_49], %swap3A_52 {strides = array<i32>} : memref<128x16xf32, #tpu.memory_space<vmem>>, vector<1x16xf32>,
    }
    %scan3A_14 = arith.constant 128 : i32
    %mul3A_15 = arith.constant 640 : i32
    %mul3A_16 = arith.muli %arg1, %mul3A_15 : i32
    "tpu.region"() ({
      %run_scoped3A = tpu.sem_alloc : memref<!tpu.dma_semaphore, #tpu.memory_space<semaphore_mem>>
      %dma_start3A = arith.constant 0 : i32
      %dma_start3A_48 = tpu.memref_slice %arg7[%mul3A_16, %dma_start3A] : memref<10240x16xf32, #tpu.memory_space<vmem_shared>> -> memref<640x16xf32, #tpu.memory_space<vmem_shared>>
      %dma_start3A_49 = arith.constant 0 : i32
      %dma_start3A_50 = tpu.memref_slice %arg7[%mul3A_16, %dma_start3A_49] : memref<10240x16xf32, #tpu.memory_space<vmem_shared>> -> memref<640x16xf32, #tpu.memory_space<vmem_shared>>
      tpu.enqueue_dma source(%arg6 : memref<640x16xf32, #tpu.memory_space<vmem>>) target(%dma_start3A_50 : memref<640x16xf32, #tpu.memory_space<vmem_shared>>) target_semaphore(%run_scoped3A : memref<!tpu.dma_semaphore, #tpu.memory_space<semaphore_mem>>)
      %dma_wait3A = arith.constant 0 : i32
      %dma_wait3A_51 = tpu.memref_slice %arg7[%mul3A_16, %dma_wait3A] : memref<10240x16xf32, #tpu.memory_space<vmem_shared>> -> memref<640x16xf32, #tpu.memory_space<vmem_shared>>
      %dma_wait3A_52 = arith.constant 0 : i32
      %dma_wait3A_53 = tpu.memref_slice %arg7[%mul3A_16, %dma_wait3A_52] : memref<10240x16xf32, #tpu.memory_space<vmem_shared>> -> memref<640x16xf32, #tpu.memory_space<vmem_shared>>
      tpu.wait_dma2 semaphore(%run_scoped3A : memref<!tpu.dma_semaphore, #tpu.memory_space<semaphore_mem>>) src(%arg6 : memref<640x16xf32, #tpu.memory_space<vmem>>) dst(%dma_wait3A_53 : memref<640x16xf32, #tpu.memory_space<vmem_shared>>)
      tpu.yield
    }) : () -> ()
    %barrier3A = arith.constant 0 : index
    tpu.barrier barrier_id(%barrier3A)
    %lt3A = arith.constant 17 : i32
    %lt3A_17 = arith.cmpi slt, %add3A, %lt3A : i32
    %convert_element_type3A = arith.extui %lt3A_17 : i1 to i32
    %mul3A_18 = arith.constant 76 : i32
    %mul3A_19 = arith.muli %mul3A_18, %add3A : i32
    %min3A = arith.constant 17 : i32
    %min3A_20 = arith.minsi %add3A, %min3A : i32
    %mul3A_21 = arith.constant 4 : i32
    %mul3A_22 = arith.muli %mul3A_21, %min3A_20 : i32
    %add3A_23 = arith.addi %mul3A_19, %mul3A_22 : i32
    %mul3A_24 = arith.constant 4 : i32
    %mul3A_25 = arith.muli %mul3A_24, %convert_element_type3A : i32
    %add3A_26 = arith.constant 76 : i32
    %add3A_27 = arith.addi %add3A_26, %mul3A_25 : i32
    %add3A_28 = arith.constant 2500 : i32
    %add3A_29 = arith.addi %add3A_28, %add3A_23 : i32
    "tpu.region"() ({
      %run_scoped3A = tpu.sem_alloc : memref<!tpu.dma_semaphore, #tpu.memory_space<semaphore_mem>>
      %dma_start3A = arith.constant 0 : i32
      %dma_start3A_48 = arith.constant 0 : i32
      %dma_start3A_49 = tpu.memref_slice %arg4[%dma_start3A, %dma_start3A_48] : memref<80x128xi32, #tpu.memory_space<vmem>> -> memref<76x128xi32, #tpu.memory_space<vmem>>
      %dma_start3A_50 = arith.constant 0 : i32
      %dma_start3A_51 = tpu.memref_slice %arg2[%add3A_29, %dma_start3A_50] : memref<5000x128xi32, #tpu.memory_space<hbm>> -> memref<76x128xi32, #tpu.memory_space<hbm>>
      %dma_start3A_52 = arith.constant 0 : i32
      %dma_start3A_53 = arith.constant 0 : i32
      %dma_start3A_54 = tpu.memref_slice %arg4[%dma_start3A_52, %dma_start3A_53] : memref<80x128xi32, #tpu.memory_space<vmem>> -> memref<76x128xi32, #tpu.memory_space<vmem>>
      %dma_start3A_55 = arith.constant 0 : i32
      %dma_start3A_56 = tpu.memref_slice %arg2[%add3A_29, %dma_start3A_55] : memref<5000x128xi32, #tpu.memory_space<hbm>> -> memref<76x128xi32, #tpu.memory_space<hbm>>
      tpu.enqueue_dma source(%dma_start3A_56 : memref<76x128xi32, #tpu.memory_space<hbm>>) target(%dma_start3A_54 : memref<76x128xi32, #tpu.memory_space<vmem>>) target_semaphore(%run_scoped3A : memref<!tpu.dma_semaphore, #tpu.memory_space<semaphore_mem>>)
      %dma_wait3A = arith.constant 0 : i32
      %dma_wait3A_57 = arith.constant 0 : i32
      %dma_wait3A_58 = tpu.memref_slice %arg4[%dma_wait3A, %dma_wait3A_57] : memref<80x128xi32, #tpu.memory_space<vmem>> -> memref<76x128xi32, #tpu.memory_space<vmem>>
      %dma_wait3A_59 = arith.constant 0 : i32
      %dma_wait3A_60 = tpu.memref_slice %arg2[%add3A_29, %dma_wait3A_59] : memref<5000x128xi32, #tpu.memory_space<hbm>> -> memref<76x128xi32, #tpu.memory_space<hbm>>
      %dma_wait3A_61 = arith.constant 0 : i32
      %dma_wait3A_62 = arith.constant 0 : i32
      %dma_wait3A_63 = tpu.memref_slice %arg4[%dma_wait3A_61, %dma_wait3A_62] : memref<80x128xi32, #tpu.memory_space<vmem>> -> memref<76x128xi32, #tpu.memory_space<vmem>>
      %dma_wait3A_64 = arith.constant 0 : i32
      %dma_wait3A_65 = tpu.memref_slice %arg2[%add3A_29, %dma_wait3A_64] : memref<5000x128xi32, #tpu.memory_space<hbm>> -> memref<76x128xi32, #tpu.memory_space<hbm>>
      tpu.wait_dma2 semaphore(%run_scoped3A : memref<!tpu.dma_semaphore, #tpu.memory_space<semaphore_mem>>) src(%dma_wait3A_65 : memref<76x128xi32, #tpu.memory_space<hbm>>) dst(%dma_wait3A_63 : memref<76x128xi32, #tpu.memory_space<vmem>>)
      tpu.yield
    }) : () -> ()
    %lt3A_30 = arith.constant 17 : i32
    %lt3A_31 = arith.cmpi slt, %add3A, %lt3A_30 : i32
    %convert_element_type3A_32 = arith.extui %lt3A_31 : i1 to i32
    %cond3A = arith.constant 0 : i32
    %cond3A_33 = arith.cmpi ne, %convert_element_type3A_32, %cond3A : i32
    scf.if %cond3A_33 {
      %add3A_48 = arith.constant 76 : i32
      %add3A_49 = arith.addi %add3A_29, %add3A_48 : i32
      "tpu.region"() ({
        %run_scoped3A = tpu.sem_alloc : memref<!tpu.dma_semaphore, #tpu.memory_space<semaphore_mem>>
        %dma_start3A = arith.constant 76 : i32
        %dma_start3A_50 = arith.constant 0 : i32
        %dma_start3A_51 = tpu.memref_slice %arg4[%dma_start3A, %dma_start3A_50] : memref<80x128xi32, #tpu.memory_space<vmem>> -> memref<4x128xi32, #tpu.memory_space<vmem>>
        %dma_start3A_52 = arith.constant 0 : i32
        %dma_start3A_53 = tpu.memref_slice %arg2[%add3A_49, %dma_start3A_52] : memref<5000x128xi32, #tpu.memory_space<hbm>> -> memref<4x128xi32, #tpu.memory_space<hbm>>
        %dma_start3A_54 = arith.constant 76 : i32
        %dma_start3A_55 = arith.constant 0 : i32
        %dma_start3A_56 = tpu.memref_slice %arg4[%dma_start3A_54, %dma_start3A_55] : memref<80x128xi32, #tpu.memory_space<vmem>> -> memref<4x128xi32, #tpu.memory_space<vmem>>
        %dma_start3A_57 = arith.constant 0 : i32
        %dma_start3A_58 = tpu.memref_slice %arg2[%add3A_49, %dma_start3A_57] : memref<5000x128xi32, #tpu.memory_space<hbm>> -> memref<4x128xi32, #tpu.memory_space<hbm>>
        tpu.enqueue_dma source(%dma_start3A_58 : memref<4x128xi32, #tpu.memory_space<hbm>>) target(%dma_start3A_56 : memref<4x128xi32, #tpu.memory_space<vmem>>) target_semaphore(%run_scoped3A : memref<!tpu.dma_semaphore, #tpu.memory_space<semaphore_mem>>)
        %dma_wait3A = arith.constant 76 : i32
        %dma_wait3A_59 = arith.constant 0 : i32
        %dma_wait3A_60 = tpu.memref_slice %arg4[%dma_wait3A, %dma_wait3A_59] : memref<80x128xi32, #tpu.memory_space<vmem>> -> memref<4x128xi32, #tpu.memory_space<vmem>>
        %dma_wait3A_61 = arith.constant 0 : i32
        %dma_wait3A_62 = tpu.memref_slice %arg2[%add3A_49, %dma_wait3A_61] : memref<5000x128xi32, #tpu.memory_space<hbm>> -> memref<4x128xi32, #tpu.memory_space<hbm>>
        %dma_wait3A_63 = arith.constant 76 : i32
        %dma_wait3A_64 = arith.constant 0 : i32
        %dma_wait3A_65 = tpu.memref_slice %arg4[%dma_wait3A_63, %dma_wait3A_64] : memref<80x128xi32, #tpu.memory_space<vmem>> -> memref<4x128xi32, #tpu.memory_space<vmem>>
        %dma_wait3A_66 = arith.constant 0 : i32
        %dma_wait3A_67 = tpu.memref_slice %arg2[%add3A_49, %dma_wait3A_66] : memref<5000x128xi32, #tpu.memory_space<hbm>> -> memref<4x128xi32, #tpu.memory_space<hbm>>
        tpu.wait_dma2 semaphore(%run_scoped3A : memref<!tpu.dma_semaphore, #tpu.memory_space<semaphore_mem>>) src(%dma_wait3A_67 : memref<4x128xi32, #tpu.memory_space<hbm>>) dst(%dma_wait3A_65 : memref<4x128xi32, #tpu.memory_space<vmem>>)
        tpu.yield
      }) : () -> ()
    } else {
    }
    %while3A = arith.constant 0 : i32
    %while3A_34 = arith.constant 0 : i32
    %while3A_35 = arith.subi %add3A_27, %while3A_34 : i32
    %while3A_36 = arith.addi %while3A_34, %while3A_35 : i32
    %while3A_37 = arith.constant 1 : i32
    %while3A_38 = arith.divsi %while3A_35, %while3A_37 : i32
    %while3A_39 = arith.muli %while3A_38, %while3A_37 : i32
    %while3A_40 = arith.addi %while3A_34, %while3A_39 : i32
    %while3A_41 = arith.constant 1 : i32
    scf.for %while3A_48 = %while3A_34 to %while3A_40 step %while3A_41  : i32 {
      "tpu.region"() ({
        %run_scoped3A = tpu.sem_alloc : memref<!tpu.dma_semaphore, #tpu.memory_space<semaphore_mem>>
        %dma_start3A = arith.constant 0 : i32
        %dma_start3A_49 = tpu.memref_slice %arg4[%while3A_48, %dma_start3A] : memref<80x128xi32, #tpu.memory_space<vmem>> -> memref<1x128xi32, #tpu.memory_space<vmem>>
        %dma_start3A_50 = tpu.memref_squeeze %dma_start3A_49 : memref<1x128xi32, #tpu.memory_space<vmem>> -> memref<128xi32, #tpu.memory_space<vmem>>
        %dma_start3A_51 = arith.constant 0 : i32
        %dma_start3A_52 = arith.constant 0 : i32
        %dma_start3A_53 = tpu.memref_slice %arg7[%dma_start3A_51, %dma_start3A_52] : memref<10240x16xf32, #tpu.memory_space<vmem_shared>> -> memref<10240x16xf32, #tpu.memory_space<vmem_shared>>
        tpu.enqueue_indirect_dma source(%arg5 : memref<128x16xf32, #tpu.memory_space<vmem>>) target(%dma_start3A_53 : memref<10240x16xf32, #tpu.memory_space<vmem_shared>>) offsets(%dma_start3A_50 : memref<128xi32, #tpu.memory_space<vmem>>) semaphore(%run_scoped3A : memref<!tpu.dma_semaphore, #tpu.memory_space<semaphore_mem>>) {add = true}
        %dma_wait3A = arith.constant 0 : i32
        %dma_wait3A_54 = tpu.memref_slice %arg4[%while3A_48, %dma_wait3A] : memref<80x128xi32, #tpu.memory_space<vmem>> -> memref<1x128xi32, #tpu.memory_space<vmem>>
        %dma_wait3A_55 = tpu.memref_squeeze %dma_wait3A_54 : memref<1x128xi32, #tpu.memory_space<vmem>> -> memref<128xi32, #tpu.memory_space<vmem>>
        %dma_wait3A_56 = arith.constant 0 : i32
        %dma_wait3A_57 = arith.constant 0 : i32
        %dma_wait3A_58 = tpu.memref_slice %arg7[%dma_wait3A_56, %dma_wait3A_57] : memref<10240x16xf32, #tpu.memory_space<vmem_shared>> -> memref<10240x16xf32, #tpu.memory_space<vmem_shared>>
        tpu.wait_indirect_dma semaphore(%run_scoped3A : memref<!tpu.dma_semaphore, #tpu.memory_space<semaphore_mem>>) src(%arg5 : memref<128x16xf32, #tpu.memory_space<vmem>>) dst(%dma_wait3A_58 : memref<10240x16xf32, #tpu.memory_space<vmem_shared>>)
        tpu.yield
      }) : () -> ()
    }
    %while3A_42 = arith.constant 1 : i32
    scf.for %while3A_48 = %while3A_40 to %while3A_36 step %while3A_42  : i32 {
      "tpu.region"() ({
        %run_scoped3A = tpu.sem_alloc : memref<!tpu.dma_semaphore, #tpu.memory_space<semaphore_mem>>
        %dma_start3A = arith.constant 0 : i32
        %dma_start3A_49 = tpu.memref_slice %arg4[%while3A_48, %dma_start3A] : memref<80x128xi32, #tpu.memory_space<vmem>> -> memref<1x128xi32, #tpu.memory_space<vmem>>
        %dma_start3A_50 = tpu.memref_squeeze %dma_start3A_49 : memref<1x128xi32, #tpu.memory_space<vmem>> -> memref<128xi32, #tpu.memory_space<vmem>>
        %dma_start3A_51 = arith.constant 0 : i32
        %dma_start3A_52 = arith.constant 0 : i32
        %dma_start3A_53 = tpu.memref_slice %arg7[%dma_start3A_51, %dma_start3A_52] : memref<10240x16xf32, #tpu.memory_space<vmem_shared>> -> memref<10240x16xf32, #tpu.memory_space<vmem_shared>>
        tpu.enqueue_indirect_dma source(%arg5 : memref<128x16xf32, #tpu.memory_space<vmem>>) target(%dma_start3A_53 : memref<10240x16xf32, #tpu.memory_space<vmem_shared>>) offsets(%dma_start3A_50 : memref<128xi32, #tpu.memory_space<vmem>>) semaphore(%run_scoped3A : memref<!tpu.dma_semaphore, #tpu.memory_space<semaphore_mem>>) {add = true}
        %dma_wait3A = arith.constant 0 : i32
        %dma_wait3A_54 = tpu.memref_slice %arg4[%while3A_48, %dma_wait3A] : memref<80x128xi32, #tpu.memory_space<vmem>> -> memref<1x128xi32, #tpu.memory_space<vmem>>
        %dma_wait3A_55 = tpu.memref_squeeze %dma_wait3A_54 : memref<1x128xi32, #tpu.memory_space<vmem>> -> memref<128xi32, #tpu.memory_space<vmem>>
        %dma_wait3A_56 = arith.constant 0 : i32
        %dma_wait3A_57 = arith.constant 0 : i32
        %dma_wait3A_58 = tpu.memref_slice %arg7[%dma_wait3A_56, %dma_wait3A_57] : memref<10240x16xf32, #tpu.memory_space<vmem_shared>> -> memref<10240x16xf32, #tpu.memory_space<vmem_shared>>
        tpu.wait_indirect_dma semaphore(%run_scoped3A : memref<!tpu.dma_semaphore, #tpu.memory_space<semaphore_mem>>) src(%arg5 : memref<128x16xf32, #tpu.memory_space<vmem>>) dst(%dma_wait3A_58 : memref<10240x16xf32, #tpu.memory_space<vmem_shared>>)
        tpu.yield
      }) : () -> ()
    }
    %barrier3A_43 = arith.constant 0 : index
    tpu.barrier barrier_id(%barrier3A_43)
    %eq3A = arith.constant 0 : i32
    %eq3A_44 = arith.cmpi eq, %arg1, %eq3A : i32
    %convert_element_type3A_45 = arith.extui %eq3A_44 : i1 to i32
    %cond3A_46 = arith.constant 0 : i32
    %cond3A_47 = arith.cmpi ne, %convert_element_type3A_45, %cond3A_46 : i32
    scf.if %cond3A_47 {
      "tpu.region"() ({
        %run_scoped3A = tpu.sem_alloc : memref<!tpu.dma_semaphore, #tpu.memory_space<semaphore_mem>>
        %dma_start3A = arith.constant 0 : i32
        %dma_start3A_48 = arith.constant 0 : i32
        %dma_start3A_49 = tpu.memref_slice %arg3[%arg0, %dma_start3A, %dma_start3A_48] : memref<2x10240x16xf32, #tpu.memory_space<hbm>> -> memref<1x10240x16xf32, #tpu.memory_space<hbm>>
        %dma_start3A_50 = tpu.memref_squeeze %dma_start3A_49 : memref<1x10240x16xf32, #tpu.memory_space<hbm>> -> memref<10240x16xf32, #tpu.memory_space<hbm>>
        tpu.enqueue_dma source(%arg7 : memref<10240x16xf32, #tpu.memory_space<vmem_shared>>) target(%dma_start3A_50 : memref<10240x16xf32, #tpu.memory_space<hbm>>) target_semaphore(%run_scoped3A : memref<!tpu.dma_semaphore, #tpu.memory_space<semaphore_mem>>)
        %dma_wait3A = arith.constant 0 : i32
        %dma_wait3A_51 = arith.constant 0 : i32
        %dma_wait3A_52 = tpu.memref_slice %arg3[%arg0, %dma_wait3A, %dma_wait3A_51] : memref<2x10240x16xf32, #tpu.memory_space<hbm>> -> memref<1x10240x16xf32, #tpu.memory_space<hbm>>
        %dma_wait3A_53 = tpu.memref_squeeze %dma_wait3A_52 : memref<1x10240x16xf32, #tpu.memory_space<hbm>> -> memref<10240x16xf32, #tpu.memory_space<hbm>>
        tpu.wait_dma2 semaphore(%run_scoped3A : memref<!tpu.dma_semaphore, #tpu.memory_space<semaphore_mem>>) src(%arg7 : memref<10240x16xf32, #tpu.memory_space<vmem_shared>>) dst(%dma_wait3A_53 : memref<10240x16xf32, #tpu.memory_space<hbm>>)
        tpu.yield
      }) : () -> ()
    } else {
    }
    return
  }
}

module attributes {stable_mosaic.version = 14 : i64} {
  func.func @body(%arg0: memref<10000x128xf32, #tpu.memory_space<vmem>>, %arg1: memref<128x16xf32, #tpu.memory_space<vmem>>, %arg2: memref<1250x128xf32, #tpu.memory_space<vmem>>) attributes {dimension_semantics = [], scalar_prefetch = 0 : i64, scratch_operands = 0 : i64, tpu.core_type = #tpu.core_type<tc>} {
    %get3A = arith.constant 0 : index
    %get3A_0 = arith.constant 0 : index
    %get3A_1 = vector.load %arg0[%get3A, %get3A_0] : memref<10000x128xf32, #tpu.memory_space<vmem>>, vector<1250x128xf32>
    %get3A_2 = arith.constant 0 : index
    %get3A_3 = arith.constant 0 : index
    %get3A_4 = vector.load %arg1[%get3A_2, %get3A_3] : memref<128x16xf32, #tpu.memory_space<vmem>>, vector<128x16xf32>
    %dot_general3A = arith.constant dense<0.000000e+00> : vector<1250x16xf32>
    %dot_general3A_5 = tpu.matmul %get3A_1, %get3A_4, %dot_general3A {dimension_numbers = #tpu.dot_dimension_numbers<[1], [0], [0], [1], [0, 0, 1, 1], [], []>, transpose_lhs_hint = false} : vector<1250x128xf32>, vector<128x16xf32>, vector<1250x16xf32> -> vector<1250x16xf32>
    %get3A_6 = arith.constant 1250 : index
    %get3A_7 = arith.constant 0 : index
    %get3A_8 = vector.load %arg0[%get3A_6, %get3A_7] : memref<10000x128xf32, #tpu.memory_space<vmem>>, vector<1250x128xf32>
    %get3A_9 = arith.constant 0 : index
    %get3A_10 = arith.constant 0 : index
    %get3A_11 = vector.load %arg1[%get3A_9, %get3A_10] : memref<128x16xf32, #tpu.memory_space<vmem>>, vector<128x16xf32>
    %dot_general3A_12 = arith.constant dense<0.000000e+00> : vector<1250x16xf32>
    %dot_general3A_13 = tpu.matmul %get3A_8, %get3A_11, %dot_general3A_12 {dimension_numbers = #tpu.dot_dimension_numbers<[1], [0], [0], [1], [0, 0, 1, 1], [], []>, transpose_lhs_hint = false} : vector<1250x128xf32>, vector<128x16xf32>, vector<1250x16xf32> -> vector<1250x16xf32>
    %get3A_14 = arith.constant 2500 : index
    %get3A_15 = arith.constant 0 : index
    %get3A_16 = vector.load %arg0[%get3A_14, %get3A_15] : memref<10000x128xf32, #tpu.memory_space<vmem>>, vector<1250x128xf32>
    %get3A_17 = arith.constant 0 : index
    %get3A_18 = arith.constant 0 : index
    %get3A_19 = vector.load %arg1[%get3A_17, %get3A_18] : memref<128x16xf32, #tpu.memory_space<vmem>>, vector<128x16xf32>
    %dot_general3A_20 = arith.constant dense<0.000000e+00> : vector<1250x16xf32>
    %dot_general3A_21 = tpu.matmul %get3A_16, %get3A_19, %dot_general3A_20 {dimension_numbers = #tpu.dot_dimension_numbers<[1], [0], [0], [1], [0, 0, 1, 1], [], []>, transpose_lhs_hint = false} : vector<1250x128xf32>, vector<128x16xf32>, vector<1250x16xf32> -> vector<1250x16xf32>
    %get3A_22 = arith.constant 3750 : index
    %get3A_23 = arith.constant 0 : index
    %get3A_24 = vector.load %arg0[%get3A_22, %get3A_23] : memref<10000x128xf32, #tpu.memory_space<vmem>>, vector<1250x128xf32>
    %get3A_25 = arith.constant 0 : index
    %get3A_26 = arith.constant 0 : index
    %get3A_27 = vector.load %arg1[%get3A_25, %get3A_26] : memref<128x16xf32, #tpu.memory_space<vmem>>, vector<128x16xf32>
    %dot_general3A_28 = arith.constant dense<0.000000e+00> : vector<1250x16xf32>
    %dot_general3A_29 = tpu.matmul %get3A_24, %get3A_27, %dot_general3A_28 {dimension_numbers = #tpu.dot_dimension_numbers<[1], [0], [0], [1], [0, 0, 1, 1], [], []>, transpose_lhs_hint = false} : vector<1250x128xf32>, vector<128x16xf32>, vector<1250x16xf32> -> vector<1250x16xf32>
    %get3A_30 = arith.constant 5000 : index
    %get3A_31 = arith.constant 0 : index
    %get3A_32 = vector.load %arg0[%get3A_30, %get3A_31] : memref<10000x128xf32, #tpu.memory_space<vmem>>, vector<1250x128xf32>
    %get3A_33 = arith.constant 0 : index
    %get3A_34 = arith.constant 0 : index
    %get3A_35 = vector.load %arg1[%get3A_33, %get3A_34] : memref<128x16xf32, #tpu.memory_space<vmem>>, vector<128x16xf32>
    %dot_general3A_36 = arith.constant dense<0.000000e+00> : vector<1250x16xf32>
    %dot_general3A_37 = tpu.matmul %get3A_32, %get3A_35, %dot_general3A_36 {dimension_numbers = #tpu.dot_dimension_numbers<[1], [0], [0], [1], [0, 0, 1, 1], [], []>, transpose_lhs_hint = false} : vector<1250x128xf32>, vector<128x16xf32>, vector<1250x16xf32> -> vector<1250x16xf32>
    %get3A_38 = arith.constant 6250 : index
    %get3A_39 = arith.constant 0 : index
    %get3A_40 = vector.load %arg0[%get3A_38, %get3A_39] : memref<10000x128xf32, #tpu.memory_space<vmem>>, vector<1250x128xf32>
    %get3A_41 = arith.constant 0 : index
    %get3A_42 = arith.constant 0 : index
    %get3A_43 = vector.load %arg1[%get3A_41, %get3A_42] : memref<128x16xf32, #tpu.memory_space<vmem>>, vector<128x16xf32>
    %dot_general3A_44 = arith.constant dense<0.000000e+00> : vector<1250x16xf32>
    %dot_general3A_45 = tpu.matmul %get3A_40, %get3A_43, %dot_general3A_44 {dimension_numbers = #tpu.dot_dimension_numbers<[1], [0], [0], [1], [0, 0, 1, 1], [], []>, transpose_lhs_hint = false} : vector<1250x128xf32>, vector<128x16xf32>, vector<1250x16xf32> -> vector<1250x16xf32>
    %get3A_46 = arith.constant 7500 : index
    %get3A_47 = arith.constant 0 : index
    %get3A_48 = vector.load %arg0[%get3A_46, %get3A_47] : memref<10000x128xf32, #tpu.memory_space<vmem>>, vector<1250x128xf32>
    %get3A_49 = arith.constant 0 : index
    %get3A_50 = arith.constant 0 : index
    %get3A_51 = vector.load %arg1[%get3A_49, %get3A_50] : memref<128x16xf32, #tpu.memory_space<vmem>>, vector<128x16xf32>
    %dot_general3A_52 = arith.constant dense<0.000000e+00> : vector<1250x16xf32>
    %dot_general3A_53 = tpu.matmul %get3A_48, %get3A_51, %dot_general3A_52 {dimension_numbers = #tpu.dot_dimension_numbers<[1], [0], [0], [1], [0, 0, 1, 1], [], []>, transpose_lhs_hint = false} : vector<1250x128xf32>, vector<128x16xf32>, vector<1250x16xf32> -> vector<1250x16xf32>
    %get3A_54 = arith.constant 8750 : index
    %get3A_55 = arith.constant 0 : index
    %get3A_56 = vector.load %arg0[%get3A_54, %get3A_55] : memref<10000x128xf32, #tpu.memory_space<vmem>>, vector<1250x128xf32>
    %get3A_57 = arith.constant 0 : index
    %get3A_58 = arith.constant 0 : index
    %get3A_59 = vector.load %arg1[%get3A_57, %get3A_58] : memref<128x16xf32, #tpu.memory_space<vmem>>, vector<128x16xf32>
    %dot_general3A_60 = arith.constant dense<0.000000e+00> : vector<1250x16xf32>
    %dot_general3A_61 = tpu.matmul %get3A_56, %get3A_59, %dot_general3A_60 {dimension_numbers = #tpu.dot_dimension_numbers<[1], [0], [0], [1], [0, 0, 1, 1], [], []>, transpose_lhs_hint = false} : vector<1250x128xf32>, vector<128x16xf32>, vector<1250x16xf32> -> vector<1250x16xf32>
    %concatenate3A = tpu.concatenate %dot_general3A_5, %dot_general3A_13, %dot_general3A_21, %dot_general3A_29, %dot_general3A_37, %dot_general3A_45, %dot_general3A_53, %dot_general3A_61 in 1 : vector<1250x16xf32>, vector<1250x16xf32>, vector<1250x16xf32>, vector<1250x16xf32>, vector<1250x16xf32>, vector<1250x16xf32>, vector<1250x16xf32>, vector<1250x16xf32> -> vector<1250x128xf32>
    %swap3A = arith.constant 0 : index
    %swap3A_62 = arith.constant 0 : index
    %swap3A_63 = vector.load %arg2[%swap3A, %swap3A_62] : memref<1250x128xf32, #tpu.memory_space<vmem>>, vector<1250x128xf32>
    tpu.vector_store %arg2[%swap3A, %swap3A_62], %concatenate3A {strides = array<i32>} : memref<1250x128xf32, #tpu.memory_space<vmem>>, vector<1250x128xf32>,
    return
  }
}

module attributes {stable_mosaic.version = 14 : i64} {
  func.func @body(%arg0: memref<2x320000xi32, #tpu.memory_space<vmem>>, %arg1: memref<5000x128xi32, #tpu.memory_space<vmem>>) attributes {dimension_semantics = [], scalar_prefetch = 0 : i64, scratch_operands = 0 : i64, tpu.core_type = #tpu.core_type<tc>} {
    %get3A = arith.constant 0 : index
    %get3A_0 = arith.constant 0 : index
    %get3A_1 = vector.load %arg0[%get3A, %get3A_0] : memref<2x320000xi32, #tpu.memory_space<vmem>>, vector<2x320000xi32>
    %rem3A = arith.constant 1250 : i32
    %rem3A_2 = vector.broadcast %rem3A : i32 to vector<2x320000xi32>
    %rem3A_3 = arith.remsi %get3A_1, %rem3A_2 : vector<2x320000xi32>
    %mul3A = arith.constant 8 : i32
    %mul3A_4 = vector.broadcast %mul3A : i32 to vector<2x320000xi32>
    %mul3A_5 = arith.muli %mul3A_4, %rem3A_3 : vector<2x320000xi32>
    %div3A = arith.constant 1250 : i32
    %div3A_6 = vector.broadcast %div3A : i32 to vector<2x320000xi32>
    %div3A_7 = arith.divsi %get3A_1, %div3A_6 : vector<2x320000xi32>
    %add3A = arith.addi %mul3A_5, %div3A_7 : vector<2x320000xi32>
    %reshape3A = vector.shape_cast %add3A : vector<2x320000xi32> to vector<5000x128xi32>
    %swap3A = arith.constant 0 : index
    %swap3A_8 = arith.constant 0 : index
    %swap3A_9 = vector.load %arg1[%swap3A, %swap3A_8] : memref<5000x128xi32, #tpu.memory_space<vmem>>, vector<5000x128xi32>
    tpu.vector_store %arg1[%swap3A, %swap3A_8], %reshape3A {strides = array<i32>} : memref<5000x128xi32, #tpu.memory_space<vmem>>, vector<5000x128xi32>,
    return
  }
}

module attributes {stable_mosaic.version = 14 : i64} {
  func.func @body(%arg0: memref<2x1280x128xf32, #tpu.memory_space<vmem>>, %arg1: memref<1250x128xf32, #tpu.memory_space<vmem>>, %arg2: memref<1250x128xf32, #tpu.memory_space<vmem>>, %arg3: memref<1250x128xf32, #tpu.memory_space<vmem>>) attributes {dimension_semantics = [], scalar_prefetch = 0 : i64, scratch_operands = 0 : i64, tpu.core_type = #tpu.core_type<tc>} {
    %get3A = arith.constant 0 : index
    %get3A_0 = arith.constant 0 : index
    %get3A_1 = arith.constant 0 : index
    %get3A_2 = vector.load %arg0[%get3A, %get3A_0, %get3A_1] : memref<2x1280x128xf32, #tpu.memory_space<vmem>>, vector<1x1250x128xf32>
    %get3A_3 = vector.shape_cast %get3A_2 : vector<1x1250x128xf32> to vector<1250x128xf32>
    %get3A_4 = arith.constant 1 : index
    %get3A_5 = arith.constant 0 : index
    %get3A_6 = arith.constant 0 : index
    %get3A_7 = vector.load %arg0[%get3A_4, %get3A_5, %get3A_6] : memref<2x1280x128xf32, #tpu.memory_space<vmem>>, vector<1x1250x128xf32>
    %get3A_8 = vector.shape_cast %get3A_7 : vector<1x1250x128xf32> to vector<1250x128xf32>
    %add3A = arith.addf %get3A_3, %get3A_8 : vector<1250x128xf32>
    %add3A_9 = arith.constant 1.000000e+00 : f32
    %add3A_10 = vector.broadcast %add3A_9 : f32 to vector<1250x128xf32>
    %add3A_11 = arith.addf %add3A, %add3A_10 : vector<1250x128xf32>
    %rsqrt3A = math.rsqrt %add3A_11 : vector<1250x128xf32>
    %swap3A = arith.constant 0 : index
    %swap3A_12 = arith.constant 0 : index
    %swap3A_13 = vector.load %arg2[%swap3A, %swap3A_12] : memref<1250x128xf32, #tpu.memory_space<vmem>>, vector<1250x128xf32>
    tpu.vector_store %arg2[%swap3A, %swap3A_12], %rsqrt3A {strides = array<i32>} : memref<1250x128xf32, #tpu.memory_space<vmem>>, vector<1250x128xf32>,
    %get3A_14 = arith.constant 0 : index
    %get3A_15 = arith.constant 0 : index
    %get3A_16 = vector.load %arg1[%get3A_14, %get3A_15] : memref<1250x128xf32, #tpu.memory_space<vmem>>, vector<1250x128xf32>
    %mul3A = arith.mulf %get3A_16, %rsqrt3A : vector<1250x128xf32>
    %swap3A_17 = arith.constant 0 : index
    %swap3A_18 = arith.constant 0 : index
    %swap3A_19 = vector.load %arg3[%swap3A_17, %swap3A_18] : memref<1250x128xf32, #tpu.memory_space<vmem>>, vector<1250x128xf32>
    tpu.vector_store %arg3[%swap3A_17, %swap3A_18], %mul3A {strides = array<i32>} : memref<1250x128xf32, #tpu.memory_space<vmem>>, vector<1250x128xf32>,
    return
  }
}

module attributes {stable_mosaic.version = 14 : i64} {
  func.func @body(%arg0: memref<2x1250x128xf32, #tpu.memory_space<vmem>>, %arg1: memref<1250x128xf32, #tpu.memory_space<vmem>>, %arg2: memref<1250x128xf32, #tpu.memory_space<vmem>>, %arg3: memref<1x128xf32, #tpu.memory_space<vmem>>, %arg4: memref<128x128xf32, #tpu.memory_space<vmem>>, %arg5: memref<1250x128xf32, #tpu.memory_space<vmem>>) attributes {dimension_semantics = [], scalar_prefetch = 0 : i64, scratch_operands = 0 : i64, tpu.core_type = #tpu.core_type<tc>} {
    %get3A = arith.constant 0 : index
    %get3A_0 = arith.constant 0 : index
    %get3A_1 = arith.constant 0 : index
    %get3A_2 = vector.load %arg0[%get3A, %get3A_0, %get3A_1] : memref<2x1250x128xf32, #tpu.memory_space<vmem>>, vector<1x1250x128xf32>
    %get3A_3 = vector.shape_cast %get3A_2 : vector<1x1250x128xf32> to vector<1250x128xf32>
    %get3A_4 = arith.constant 1 : index
    %get3A_5 = arith.constant 0 : index
    %get3A_6 = arith.constant 0 : index
    %get3A_7 = vector.load %arg0[%get3A_4, %get3A_5, %get3A_6] : memref<2x1250x128xf32, #tpu.memory_space<vmem>>, vector<1x1250x128xf32>
    %get3A_8 = vector.shape_cast %get3A_7 : vector<1x1250x128xf32> to vector<1250x128xf32>
    %add3A = arith.addf %get3A_3, %get3A_8 : vector<1250x128xf32>
    %get3A_9 = arith.constant 0 : index
    %get3A_10 = arith.constant 0 : index
    %get3A_11 = vector.load %arg1[%get3A_9, %get3A_10] : memref<1250x128xf32, #tpu.memory_space<vmem>>, vector<1250x128xf32>
    %add3A_12 = arith.addf %add3A, %get3A_11 : vector<1250x128xf32>
    %get3A_13 = arith.constant 0 : index
    %get3A_14 = arith.constant 0 : index
    %get3A_15 = vector.load %arg2[%get3A_13, %get3A_14] : memref<1250x128xf32, #tpu.memory_space<vmem>>, vector<1250x128xf32>
    %mul3A = arith.mulf %get3A_15, %add3A_12 : vector<1250x128xf32>
    %get3A_16 = arith.constant 0 : index
    %get3A_17 = arith.constant 0 : index
    %get3A_18 = vector.load %arg3[%get3A_16, %get3A_17] : memref<1x128xf32, #tpu.memory_space<vmem>>, vector<1x128xf32>
    %add3A_19 = vector.broadcast %get3A_18 : vector<1x128xf32> to vector<1250x128xf32>
    %add3A_20 = arith.addf %mul3A, %add3A_19 : vector<1250x128xf32>
    %max3A = arith.constant 0.000000e+00 : f32
    %max3A_21 = vector.broadcast %max3A : f32 to vector<1250x128xf32>
    %max3A_22 = arith.maximumf %add3A_20, %max3A_21 : vector<1250x128xf32>
    %get3A_23 = arith.constant 0 : index
    %get3A_24 = arith.constant 0 : index
    %get3A_25 = vector.load %arg4[%get3A_23, %get3A_24] : memref<128x128xf32, #tpu.memory_space<vmem>>, vector<128x128xf32>
    %dot_general3A = arith.constant dense<0.000000e+00> : vector<1250x128xf32>
    %dot_general3A_26 = tpu.matmul %max3A_22, %get3A_25, %dot_general3A {dimension_numbers = #tpu.dot_dimension_numbers<[1], [0], [0], [1], [0, 0, 1, 1], [], []>, transpose_lhs_hint = false} : vector<1250x128xf32>, vector<128x128xf32>, vector<1250x128xf32> -> vector<1250x128xf32>
    %get3A_27 = arith.constant 0 : index
    %get3A_28 = arith.constant 0 : index
    %get3A_29 = vector.load %arg2[%get3A_27, %get3A_28] : memref<1250x128xf32, #tpu.memory_space<vmem>>, vector<1250x128xf32>
    %mul3A_30 = arith.mulf %get3A_29, %dot_general3A_26 : vector<1250x128xf32>
    %swap3A = arith.constant 0 : index
    %swap3A_31 = arith.constant 0 : index
    %swap3A_32 = vector.load %arg5[%swap3A, %swap3A_31] : memref<1250x128xf32, #tpu.memory_space<vmem>>, vector<1250x128xf32>
    tpu.vector_store %arg5[%swap3A, %swap3A_31], %mul3A_30 {strides = array<i32>} : memref<1250x128xf32, #tpu.memory_space<vmem>>, vector<1250x128xf32>,
    return
  }
}

module attributes {stable_mosaic.version = 14 : i64} {
  func.func @body(%arg0: memref<2x1250x128xf32, #tpu.memory_space<vmem>>, %arg1: memref<1250x128xf32, #tpu.memory_space<vmem>>, %arg2: memref<1250x128xf32, #tpu.memory_space<vmem>>, %arg3: memref<1x128xf32, #tpu.memory_space<vmem>>, %arg4: memref<128x8xf32, #tpu.memory_space<vmem>>, %arg5: memref<1x1xf32, #tpu.memory_space<vmem>>, %arg6: memref<1250x8xf32, #tpu.memory_space<vmem>>) attributes {dimension_semantics = [], scalar_prefetch = 0 : i64, scratch_operands = 0 : i64, tpu.core_type = #tpu.core_type<tc>} {
    %get3A = arith.constant 0 : index
    %get3A_0 = arith.constant 0 : index
    %get3A_1 = arith.constant 0 : index
    %get3A_2 = vector.load %arg0[%get3A, %get3A_0, %get3A_1] : memref<2x1250x128xf32, #tpu.memory_space<vmem>>, vector<1x1250x128xf32>
    %get3A_3 = vector.shape_cast %get3A_2 : vector<1x1250x128xf32> to vector<1250x128xf32>
    %get3A_4 = arith.constant 1 : index
    %get3A_5 = arith.constant 0 : index
    %get3A_6 = arith.constant 0 : index
    %get3A_7 = vector.load %arg0[%get3A_4, %get3A_5, %get3A_6] : memref<2x1250x128xf32, #tpu.memory_space<vmem>>, vector<1x1250x128xf32>
    %get3A_8 = vector.shape_cast %get3A_7 : vector<1x1250x128xf32> to vector<1250x128xf32>
    %add3A = arith.addf %get3A_3, %get3A_8 : vector<1250x128xf32>
    %get3A_9 = arith.constant 0 : index
    %get3A_10 = arith.constant 0 : index
    %get3A_11 = vector.load %arg1[%get3A_9, %get3A_10] : memref<1250x128xf32, #tpu.memory_space<vmem>>, vector<1250x128xf32>
    %add3A_12 = arith.addf %add3A, %get3A_11 : vector<1250x128xf32>
    %get3A_13 = arith.constant 0 : index
    %get3A_14 = arith.constant 0 : index
    %get3A_15 = vector.load %arg2[%get3A_13, %get3A_14] : memref<1250x128xf32, #tpu.memory_space<vmem>>, vector<1250x128xf32>
    %mul3A = arith.mulf %get3A_15, %add3A_12 : vector<1250x128xf32>
    %get3A_16 = arith.constant 0 : index
    %get3A_17 = arith.constant 0 : index
    %get3A_18 = vector.load %arg3[%get3A_16, %get3A_17] : memref<1x128xf32, #tpu.memory_space<vmem>>, vector<1x128xf32>
    %add3A_19 = vector.broadcast %get3A_18 : vector<1x128xf32> to vector<1250x128xf32>
    %add3A_20 = arith.addf %mul3A, %add3A_19 : vector<1250x128xf32>
    %max3A = arith.constant 0.000000e+00 : f32
    %max3A_21 = vector.broadcast %max3A : f32 to vector<1250x128xf32>
    %max3A_22 = arith.maximumf %add3A_20, %max3A_21 : vector<1250x128xf32>
    %get3A_23 = arith.constant 0 : index
    %get3A_24 = arith.constant 0 : index
    %get3A_25 = vector.load %arg4[%get3A_23, %get3A_24] : memref<128x8xf32, #tpu.memory_space<vmem>>, vector<128x8xf32>
    %dot_general3A = arith.constant dense<0.000000e+00> : vector<1250x8xf32>
    %dot_general3A_26 = tpu.matmul %max3A_22, %get3A_25, %dot_general3A {dimension_numbers = #tpu.dot_dimension_numbers<[1], [0], [0], [1], [0, 0, 1, 1], [], []>, transpose_lhs_hint = false} : vector<1250x128xf32>, vector<128x8xf32>, vector<1250x8xf32> -> vector<1250x8xf32>
    %get3A_27 = arith.constant 0 : index
    %get3A_28 = arith.constant 0 : index
    %get3A_29 = vector.load %arg5[%get3A_27, %get3A_28] : memref<1x1xf32, #tpu.memory_space<vmem>>, vector<1x1xf32>
    %get3A_30 = vector.extract %get3A_29[0, 0] : f32 from vector<1x1xf32>
    %add3A_31 = vector.broadcast %get3A_30 : f32 to vector<1250x8xf32>
    %add3A_32 = arith.addf %dot_general3A_26, %add3A_31 : vector<1250x8xf32>
    %sub3A = arith.subf %add3A_32, %add3A_32 : vector<1250x8xf32>
    %exp3A = math.exp %sub3A : vector<1250x8xf32>
    %log3A = math.log %exp3A : vector<1250x8xf32>
    %sub3A_33 = arith.subf %sub3A, %log3A : vector<1250x8xf32>
    %swap3A = arith.constant 0 : index
    %swap3A_34 = arith.constant 0 : index
    %swap3A_35 = vector.load %arg6[%swap3A, %swap3A_34] : memref<1250x8xf32, #tpu.memory_space<vmem>>, vector<1250x8xf32>
    tpu.vector_store %arg6[%swap3A, %swap3A_34], %sub3A_33 {strides = array<i32>} : memref<1250x8xf32, #tpu.memory_space<vmem>>, vector<1250x8xf32>,
    return
  }
}

</mosaic_0001>

<sc_bundles>
// kernel: kernel.10.cloned.1.call-start
scs
__scs_entry_jumppad:
0x0: {  	(pc) =	sbr.rel $0x88, $3  }
0x1: {  	(tag) =	ssettag $0x0;
	lr =	simm.s32 $0x1  }
0x2: {  	[smem:$0x3F99] =	sst lr;
	_ =	strace $0xD0000000  }
0x3: {  	_ = 	snop  }
0x4: {  	_ = 	snop  }
0x5: {  	_ = 	snop  }
0x6: {  	_ = 	snop  }
0x7: {  	_ = 	snop  }
__scs_overlays_trampoline_lowered:
0x8: {  	[smem:$0x3FA8] =	sst s0  }
0x9: {  	[smem:$0x3FA9] =	sst s1  }
0xa: {  	[smem:$0x3FAA] =	sst s2  }
0xb: {  	[smem:$0x3FAB] =	sst s3  }
0xc: {  	[smem:$0x3FAC] =	sst s4  }
0xd: {  	[smem:$0x3FAD] =	sst s5  }
0xe: {  	[smem:$0x3FAE] =	sst s6  }
0xf: {  	[smem:$0x3FAF] =	sst s7  }
0x10: {  	[smem:$0x3FB0] =	sst s8  }
0x11: {  	[smem:$0x3FB1] =	sst s9;
	s0 =	simm.s32 @!p0 $0x0  }
0x12: {  	s1 =	sld [smem:$0x3F97];
	s0 =	simm.s32 @p0 $0x1  }
0x13: {  	[smem:$0x3FB2] =	sst s0;
	s0 =	simm.s32 @!p1 $0x0  }
0x14: {  	s2 =	sld [smem:$0x3F96];
	s0 =	simm.s32 @p1 $0x1  }
0x15: {  	[smem:$0x3FB3] =	sst s0;
	s0 =	simm.s32 @!p2 $0x0  }
0x16: {  	s3 =	sld [smem:$0x3FDB];
	s0 =	simm.s32 @p2 $0x1  }
0x17: {  	s4 =	simm.s32 $0x1BF5;
	[smem:$0x3FB5] =	sst s0  }
0x18: {  	s0 =	sld [smem:$0x3F98];
	_ =	swait.ge [sflag:s4], $0x0  }
0x19: {  	s7 =	sld [smem:$0x3F99]  }
0x1a: {  	s8 =	sadd.s32 $0xFFFFE003, lr  }
0x1b: {  	s9 =	sadd.s32 $0xFFFFFEF7, lr;
	s5 =	simm.s32 $0xFFFFFFFF;
	p2 =	slt.u32 s8, $0xFFFFF086  }
0x1c: {  	p1 =	slt.u32 s9, $0xF7A;
	s5 =	simm.s32 @!p2 $0x0  }
0x1d: {  	s5 =	simm.s32 @p1 $0x1;
	p0 =	seq.s32 s7, s2  }
0x1e: {  	s7 =	smul.u32 @!p0 $0xF7A, s2;
	p2 =	seq.s32 @!p0 s5, $0x0  }
0x1f: {  	s9 =	smul.u32 $0xF7A, s1;
	s8 =	simm.s32 @!p0 $0x1BF5;
	p2 =	por !p2, p0  }
0x20: {  	[sflag:s8] =	ssyncset.s32 @!p0 $0xFFFFF086;
	s6 =	sadd.s32 @!p0 s3, s7;
	s7 =	simm.s32 @!p0 $0x108  }
0x21: {  	s3 =	sadd.s32 s3, s9;
	s6 =	sadd.s32 @!p0 $0x88, s6;
	s7 =	simm.s32 @p2 $0x1082  }
0x22: {  	[simem:s7], [sflag:s8] =	dma.local @!p0 [hbm:s6], $0xF7A  }
0x23: {  	s9 =	sor.u32 $0xD0000000, s2;
	s6 =	simm.s32 $0x108;
	_ =	swait.ge @!p0 [sflag:s8], $0x0  }
0x24: {  	s3 =	sadd.s32 $0x88, s3;
	s6 =	simm.s32 @!p1 $0x1082;
	[sflag:s4] =	ssyncset.s32 $0xFFFFF086  }
0x25: {  	[simem:s6], [sflag:s4] =	dma.local [hbm:s3], $0xF7A  }
0x26: {  	[smem:$0x3F99] =	sst s1;
	(tag) =	ssettag s2;
	_ =	strace s9  }
0x27: {  	s1 =	sld [smem:$0x3FA9]  }
0x28: {  	s2 =	sld [smem:$0x3FAA]  }
0x29: {  	s4 =	sld [smem:$0x3FAC]  }
0x2a: {  	p0 =	seq.s32 s5, $0x0;
	s5 =	sld [smem:$0x3FAD]  }
0x2b: {  	s6 =	sld [smem:$0x3FAE]  }
0x2c: {  	s7 =	sld [smem:$0x3FAF]  }
0x2d: {  	s3 =	simm.s32 $0x108;
	s8 =	sld [smem:$0x3FB0]  }
0x2e: {  	s3 =	simm.s32 @!p0 $0x1082;
	s9 =	sld [smem:$0x3FB1]  }
0x2f: {  	lr =	sadd.s32 s0, s3;
	s0 =	sld [smem:$0x3FA8]  }
0x30: {  	s3 =	sld [smem:$0x3FAB]  }
0x31: {  	[smem:$0x3FB4] =	sst s10  }
0x32: {  	s10 =	sld [smem:$0x3FB2];
	_ =	sdelay $0x3  }
0x33: {  	p0 =	seq.s32 s10, $0x1;
	s10 =	sld [smem:$0x3FB4];
	_ =	sdelay $0x3  }
0x34: {  	[smem:$0x3FB4] =	sst s10  }
0x35: {  	s10 =	sld [smem:$0x3FB3];
	_ =	sdelay $0x3  }
0x36: {  	p1 =	seq.s32 s10, $0x1;
	s10 =	sld [smem:$0x3FB4];
	_ =	sdelay $0x3  }
0x37: {  	[smem:$0x3FB4] =	sst s10  }
0x38: {  	s10 =	sld [smem:$0x3FB5]  }
0x39: {  	_ = 	snop;
	(pc) =	sbr.ind lr, $3  }
0x3a: {  	_ = 	snop  }
0x3b: {  	_ = 	snop  }
0x3c: {  	p2 =	seq.s32 s10, $0x1;
	s10 =	sld [smem:$0x3FB4]  }
0x3d: {  	_ =	shalt  }
0x3e: {  	_ =	shalt  }
0x3f: {  	_ =	shalt  }
0x40: {  	_ =	shalt  }
0x41: {  	_ =	shalt  }
0x42: {  	_ =	shalt  }
0x43: {  	_ =	shalt  }
0x44: {  	_ =	shalt  }
0x45: {  	_ =	shalt  }
0x46: {  	_ =	shalt  }
0x47: {  	_ =	shalt  }
0x48: {  	_ =	shalt  }
0x49: {  	_ =	shalt  }
0x4a: {  	_ =	shalt  }
0x4b: {  	_ =	shalt  }
0x4c: {  	_ =	shalt  }
0x4d: {  	_ =	shalt  }
0x4e: {  	_ =	shalt  }
0x4f: {  	_ =	shalt  }
0x50: {  	_ =	shalt  }
0x51: {  	_ =	shalt  }
0x52: {  	_ =	shalt  }
0x53: {  	_ =	shalt  }
0x54: {  	_ =	shalt  }
0x55: {  	_ =	shalt  }
0x56: {  	_ =	shalt  }
0x57: {  	_ =	shalt  }
0x58: {  	_ =	shalt  }
0x59: {  	_ =	shalt  }
0x5a: {  	_ =	shalt  }
0x5b: {  	_ =	shalt  }
0x5c: {  	_ =	shalt  }
0x5d: {  	_ =	shalt  }
0x5e: {  	_ =	shalt  }
0x5f: {  	_ =	shalt  }
0x60: {  	_ =	shalt  }
0x61: {  	_ =	shalt  }
0x62: {  	_ =	shalt  }
0x63: {  	_ =	shalt  }
0x64: {  	_ =	shalt  }
0x65: {  	_ =	shalt  }
0x66: {  	_ =	shalt  }
0x67: {  	_ =	shalt  }
0x68: {  	_ =	shalt  }
0x69: {  	_ =	shalt  }
0x6a: {  	_ =	shalt  }
0x6b: {  	_ =	shalt  }
0x6c: {  	_ =	shalt  }
0x6d: {  	_ =	shalt  }
0x6e: {  	_ =	shalt  }
0x6f: {  	_ =	shalt  }
0x70: {  	_ =	shalt  }
0x71: {  	_ =	shalt  }
0x72: {  	_ =	shalt  }
0x73: {  	_ =	shalt  }
0x74: {  	_ =	shalt  }
0x75: {  	_ =	shalt  }
0x76: {  	_ =	shalt  }
0x77: {  	_ =	shalt  }
0x78: {  	_ =	shalt  }
0x79: {  	_ =	shalt  }
0x7a: {  	_ =	shalt  }
0x7b: {  	_ =	shalt  }
0x7c: {  	_ =	shalt  }
0x7d: {  	_ =	shalt  }
0x7e: {  	_ =	shalt  }
0x7f: {  	_ =	shalt  }
0x80: {  	_ =	shalt  }
0x81: {  	_ =	shalt  }
0x82: {  	_ =	shalt  }
0x83: {  	_ =	shalt  }
0x84: {  	_ =	shalt  }
0x85: {  	_ =	shalt  }
0x86: {  	_ =	shalt  }
0x87: {  	_ =	shalt  }
.Lfunc_end0:
.L_simem_size_0:
called_computation_lowered:
.L_overlay_start_0:
0x88: {  	s2 =	sld [smem:$0x3FD9]  }
0x89: {  	s3 =	sld [smem:$0x3FFE];
	_ =	sdelay $0x1  }
0x8a: {  	s1 =	srdreg.scid  }
0x8b: {  	s0 =	sand.u32 $0x1, s1  }
0x8c: {  	s16 =	sshll.u32 s0, $0xA;
	s2 =	sadd.s32 s3, s2  }
0x8d: {  	s2 =	sadd.s32 s2, s16  }
0x8e: {  	[smem:$0x3FC0] =	sst s2  }
0x8f: {  	_ = 	snop  }
0x90: {  	(tm) =	ssettm $0x1  }
0x91: {  	s17 =	sld [smem:$0x3FFB];
	_ =	sdelay $0x3  }
0x92: {  	_ =	strace s17  }
0x93: {  	s2 =	sld [smem:$0x3FFC];
	_ =	sdelay $0x3  }
0x94: {  	_ =	strace s2  }
0x95: {  	s2 =	sld [smem:$0x3FFD];
	_ =	sdelay $0x3  }
0x96: {  	_ =	strace s2  }
0x97: {  	_ =	strace $0x8FFFFFFF  }
0x98: {  	s18 =	sld [smem:$0x3FDB];
	_ =	sdelay $0x1  }
0x99: {  	s19 =	simm.s32 $_scs_section_size  }
0x9a: {  	s4 =	simm.s32 $_size__tile_overlayer_lowered;
	s5 =	simm.s32 $_tile_overlayer_lowered  }
0x9b: {  	s22 =	simm.s32 $0x1BFF;
	s21 =	sshll.u32 s5, $0x1;
	s2 =	sadd.s32 s19, s18  }
0x9c: {  	s6 =	simm.s32 $0x0;
	s20 =	sshll.u32 s4, $0x1;
	s4 =	sadd.s32 s21, s2  }
0x9d: {  	[timem:s6], [sflag:s22] =	dma.local [hbm:s4], s20  }
0x9e: {  	_ =	swait.ge [sflag:s22], s20  }
0x9f: {  	s3 =	ssub.s32 $0x0, s20;
	[sflag:s22] =	ssyncset.done $0x0  }
0xa0: {  	[sflag:s22] =	ssyncadd.s32 s3;
	_ =	sdelay $0x1  }
0xa1: {  	s23 =	simm.s32 $0x1B8B  }
0xa2: {  	_ =	swait.ge [sflag:s23], $0x1  }
0xa3: {  	[sflag:s23] =	ssyncset.done $0x0  }
0xa4: {  	s25 =	simm.s32 $0x1B8E;
	s24 =	sld [smem:$0x3FFE];
	[sflag:s23] =	ssyncadd.s32 $0xFFFFFFFF  }
0xa5: {  	s26 =	simm.s32 $execute0_lowered;
	[smem:$0x3FD2] =	sst s25  }
0xa6: {  	s4 =	sshll.u32 s26, $0x1;
	_ =	strace $0x80000046;
	[dreg:$0x1] =	wrdreg $0xFFFFFFFF  }
0xa7: {  	s28 =	simm.s32 $_size_execute0_lowered;
	s2 =	sadd.s32 s2, s4;
	[dreg:$0x0] =	wrdreg $0x0  }
0xa8: {  	s4 =	sshll.u32 s28, $0x1;
	[dreg:$0x2] =	wrdreg s2  }
0xa9: {  	[dreg:$0x3] =	wrdreg s4  }
0xaa: {  	[dreg:$0x4] =	wrdreg $0xC0  }
0xab: {  	_ =	task [dreg:s6], $0x5FFFF  }
0xac: {  	[dreg:$0x1] =	wrdreg $0xFFFFFFFF  }
0xad: {  	[dreg:$0x0] =	wrdreg $0x60  }
0xae: {  	[dreg:$0x2] =	wrdreg s24  }
0xaf: {  	[dreg:$0x3] =	wrdreg $0x58000  }
0xb0: {  	[dreg:$0x4] =	wrdreg $0x9  }
0xb1: {  	_ =	task.clear_ibuf [dreg:s6], $0x5FFFF;
	_ =	strace $0x90000046  }
0xb2: {  	s29 =	simm.s32 $0x9;
	_ =	strace $0x80000048  }
0xb3: {  	_ =	swait.ge [sflag:s29], $0x1  }
0xb4: {  	[sflag:s29] =	ssyncadd.s32 $0xFFFFFFFF  }
0xb5: {  	_ =	strace $0x90000048  }
0xb6: {  	_ =	sfence  }
0xb7: {  	s30 =	sld [smem:$0x0];
	_ =	sdelay $0x2  }
0xb8: {  	s31 =	sshll.u32 s1, $0xD;
	s1 =	sshrl.u32 s1, $0x2  }
0xb9: {  	s3 =	sand.u32 $0x4000, s31;
	s1 =	sadd.s32 s1, s30  }
0xba: {  	s0 =	sor.u32 s3, s0;
	s1 =	sshll.u32 s1, $0x11  }
0xbb: {  	s0 =	sor.u32 s1, s0  }
0xbc: {  	s0 =	sadd.s32 $0x8F2B, s0  }
0xbd: {  	[sflag:s0] =	ssyncadd.remote.s32 $0x1  }
0xbe: {  	_ =	sfence.sel $0xFFFF  }
0xbf: {  	[dreg:$0x0] =	wrdreg $0xFFFFFFFF;
	(pc) =	sbr.abs _section_cstart, $3  }
0xc0: {  	[dreg:$0x1] =	wrdreg $0xFFFFFFFF  }
0xc1: {  	_ =	task.clear_ibuf [dreg:s6], $0x2FFFF;
	_ =	strace $0x9FFFFFFF  }
0xc2: {  	(tm) =	ssettm $0x7FFFFFFF  }
0xc3: {  	_ =	shalt  }
tec
execute0_lowered:
.L_overlay_start_1:
0x0: {  	(tag) =	ssettag $0x1  }
0x1: {  	s0 =	srdreg.scid;
	s3 =	rddreg [dreg:$0x0]  }
0x2: {  	s1 =	rddreg [dreg:$0x1];
	s12 =	stileid.u32  }
0x3: {  	s14 =	simm.s32 $0x0;
	s4 =	sand.u32 $0x1, s0;
	s7 =	smul.u32 $0xA000, s12  }
0x4: {  	s0 =	rddreg [dreg:$0x2];
	s2 =	sshll.u32 s4, $0x4;
	s29 =	smul.u32 $0x5000, s4  }
0x5: {  	s4 =	ssub.s32 $0x2, s4;
	s9 =	sor.u32 s12, s2;
	s2 =	simm.s32 $0x0  }
0x6: {  	s30 =	sshrl.u32 s4, $0x1;
	s31 =	sshrl.u32 s7, $0x2;
	s5 =	smin.u32 s9, $0x11  }
0x7: {  	s6 =	smul.u32 $0x2600, s9;
	[smem:$0x7FF] =	sst s2;
	s10 =	sadd.s32 s29, s3  }
0x8: {  	p0 =	slt.u32 s9, $0x11;
	s11 =	ssub.s32 s4, s30;
	s5 =	sshll.u32 s5, $0x9  }
0x9: {  	s4 =	sadd.s32 s31, s1;
	p1 =	sgt.u32 s9, $0x10;
	s5 =	sadd.s32 s6, s5  }
0xa: {  	s9 =	simm.s32 $0x3000;
	_ =	strace $0x80000047;
	s5 =	sshrl.u32 s5, $0x3  }
0xb: {  	s7 =	sadd.s32 $0x16800, s10;
	s8 =	sadd.s32 s5, s3;
	s3 =	simm.s32 $0x50  }
0xc: {  	s10 =	simm.s32 $0x1;
	s3 =	simm.s32 @!p0 $0x4C;
	s5 =	sadd.s32 $0xCA40, s8  }
0xd: {  	s6 =	sadd.s32 $0xCF00, s8;
	s8 =	smax.u32 s11, $0x1;
	p0 =	sne.s32 s12, $0x0  }
0xe: {  	v0 =	vimm.f32 $0.0e+00;
	v1 =	vimm.f32 $1.000000000e+00;
	s11 =	simm.s32 $0x80;
	s12 =	simm.s32 $0x2800;
	s13 =	sshrl.u32 @!p0 s1, $0x3  }
.LBB2_1:
0xf: {  	s15 =	simm.s32 $0x0  }
.LBB2_2:
0x10: {  	p2 =	sne.s32 s15, $0x9FC0  }
.Ltmp0:
0x11: {  	_ = 	snop;
	(pc) =	sbr.rel @p2 .LBB2_2-.Ltmp0, $3  }
0x12: {  	_ =	sdelay $0x1  }
0x13: {  	s16 =	sshra.s32 s15, $0x2  }
0x14: {  	s15 =	sadd.s32 $0x40, s15;
	[tilespmem:s16+$0x3000] =	vst v0  }
0x15: {  	s15 =	simm.s32 $0x40;
	s16 =	simm.s32 $0x0  }
.LBB2_4:
0x16: {  	p2 =	sne.s32 s15, $0x1FC0;
	[tilespmem:s16+$0x2800] =	vst v1;
	s16 =	smov.u32 s15;
	s15 =	sadd.s32 $0x40, s15  }
.Ltmp1:
0x17: {  	(pc) =	sbr.rel @p2 .LBB2_4-.Ltmp1, $2  }
0x18: {  	_ =	sdelay $0x2  }
0x19: {  	s16 =	sshra.s32 s16, $0x2  }
0x1a: {  	[tilespmem:s16+$0x2800] =	vst v1  }
0x1b: {  	[spmem:s4] =	stream.linear.scatter [tilespmem:s9], [sflag:$0x1], $0x2800, $0x38;
	[tilespmem:$0x8000] =	vst v63  }
0x1c: {  	_ =	swait.ge [sflag:s10], $0x2800  }
0x1d: {  	[sflag:s10] =	ssyncset.done $0x0  }
0x1e: {  	[sflag:s10] =	ssyncadd.s32 $0xFFFFD800  }
0x1f: {  	[bflag:$0x0] =	sbarrier.arrive $0xFFFF  }
0x20: {  	[tilespmem:s2], [sflag:$0x1] =	stream.linear.gather [hbm4b:s5+s2], $0x2600, $0x38;
	[tilespmem:$0x8000] =	vst v63  }
0x21: {  	_ =	swait.ge [sflag:s10], $0x2600  }
0x22: {  	[sflag:s10] =	ssyncset.done $0x0  }
0x23: {  	s15 =	simm.s32 @!p1 $0x0;
	s16 =	simm.s32 @!p1 $0x2600;
	[sflag:s10] =	ssyncadd.s32 $0xFFFFDA00  }
0x24: {  	[tilespmem:s16], [sflag:$0x1] =	stream.linear.gather @!p1 [hbm4b:s6+s15], $0x200, $0x38;
	[tilespmem:$0x8000] =	vst v63  }
0x25: {  	s15 =	simm.s32 @!p1 $0x1  }
0x26: {  	p2 =	sne.s32 s3, $0x1;
	_ =	swait.ge @!p1 [sflag:s15], $0x200  }
.Ltmp2:
0x27: {  	[sflag:s15] =	ssyncset.done @!p1 $0x0;
	(pc) =	sbr.rel @!p2 .LBB2_7-.Ltmp2, $4  }
0x28: {  	[sflag:s15] =	ssyncadd.s32 @!p1 $0xFFFFFE00;
	s15 =	simm.s32 $0x0  }
0x29: {  	[spmem:s1] =	stream.indirect.scatter.add.f32 [tilespmem:s12], [sflag:$0x1], $0x10, s15, s11, $0xb8;
	[tilespmem:$0x8000] =	vst v63  }
0x2a: {  	_ =	swait.ge [sflag:s10], $0x800  }
0x2b: {  	s16 =	sadd.s32 $0xFFFFFFFF, s3;
	[sflag:s10] =	ssyncset.done $0x0  }
.LBB2_6:
0x2c: {  	p2 =	sne.s32 s16, $0x1;
	[sflag:s10] =	ssyncadd.s32 $0xFFFFF800;
	s15 =	sadd.s32 $0x80, s15  }
.Ltmp3:
0x2d: {  	s16 =	sadd.s32 $0xFFFFFFFF, s16;
	(pc) =	sbr.rel @p2 .LBB2_6-.Ltmp3, $4  }
0x2e: {  	_ = 	snop  }
0x2f: {  	[spmem:s1] =	stream.indirect.scatter.add.f32 [tilespmem:s12], [sflag:$0x1], $0x10, s15, s11, $0xb8;
	[tilespmem:$0x8000] =	vst v63  }
0x30: {  	_ =	swait.ge [sflag:s10], $0x800  }
0x31: {  	[sflag:s10] =	ssyncset.done $0x0  }
.LBB2_7:
0x32: {  	[sflag:s10] =	ssyncadd.s32 $0xFFFFF800;
	s14 =	sadd.s32 $0x1, s14  }
0x33: {  	s15 =	simm.s32 @!p0 $0x1C01;
	[bflag:$0x0] =	sbarrier.arrive $0xFFFF;
	p2 =	sne.s32 s14, s8  }
0x34: {  	[hbm:s7], [sflag:s15] =	dma.local @!p0 [spmem:s13], $0x5000  }
.Ltmp4:
0x35: {  	_ = 	snop;
	(pc) =	sbr.rel @p2 .LBB2_1-.Ltmp4, $4  }
0x36: {  	s15 =	simm.s32 @!p0 $0x1  }
0x37: {  	_ =	swait.ge @!p0 [sflag:s15], $0x5000  }
0x38: {  	[sflag:s15] =	ssyncset.done @!p0 $0x0  }
0x39: {  	[sflag:s15] =	ssyncadd.s32 @!p0 $0xFFFFB000  }
0x3a: {  	_ =	sfence.sel $0x180000  }
0x3b: {  	[bflag:$0x0] =	sbarrier.arrive $0xFFFF  }
0x3c: {  	_ =	strace $0x90000047  }
0x3d: {  	s0 =	sadd.s32 @!p0 $0x100000, s0;
	[bflag:$0x2] =	sbarrier.arrive $0xFFFF  }
0x3e: {  	[sflag:s0] =	ssyncadd.tile.s32 @!p0 $0x1;
	_ =	shalt  }
.Lfunc_end2:
_tile_overlayer_lowered:
.L_overlay_start_2:
0x3f: {  	(tag) =	ssettag $0x2  }
0x40: {  	s0 =	rddreg [dreg:$0x0];
	s2 =	stileid.u32  }
0x41: {  	s1 =	rddreg [dreg:$0x1];
	p0 =	sne.s32 s2, $0x0  }
0x42: {  	s3 =	rddreg [dreg:$0x2];
	[bflag:$0x3] =	sbarrier.arrive $0xFFFF;
	s2 =	simm.s32 @!p0 $0x1C01  }
0x43: {  	[timem:s3], [sflag:s2] =	dma.local @!p0 [hbm:s0], s1  }
0x44: {  	s0 =	simm.s32 @!p0 $0x1  }
0x45: {  	_ =	swait.ge @!p0 [sflag:s0], s1  }
0x46: {  	s1 =	ssub.s32 @!p0 $0x0, s1;
	[sflag:s0] =	ssyncset.done @!p0 $0x0  }
0x47: {  	[sflag:s0] =	ssyncadd.s32 @!p0 s1  }
0x48: {  	[bflag:$0x3] =	sbarrier.arrive $0xFFFF  }
0x49: {  	_ =	shalt  }

// kernel: kernel.13.cloned.1.call-start
scs
__scs_entry_jumppad:
0x0: {  	(pc) =	sbr.rel $0x88, $3  }
0x1: {  	(tag) =	ssettag $0x0;
	lr =	simm.s32 $0x1  }
0x2: {  	[smem:$0x3F99] =	sst lr;
	_ =	strace $0xD0000000  }
0x3: {  	_ = 	snop  }
0x4: {  	_ = 	snop  }
0x5: {  	_ = 	snop  }
0x6: {  	_ = 	snop  }
0x7: {  	_ = 	snop  }
__scs_overlays_trampoline_lowered:
0x8: {  	[smem:$0x3FA8] =	sst s0  }
0x9: {  	[smem:$0x3FA9] =	sst s1  }
0xa: {  	[smem:$0x3FAA] =	sst s2  }
0xb: {  	[smem:$0x3FAB] =	sst s3  }
0xc: {  	[smem:$0x3FAC] =	sst s4  }
0xd: {  	[smem:$0x3FAD] =	sst s5  }
0xe: {  	[smem:$0x3FAE] =	sst s6  }
0xf: {  	[smem:$0x3FAF] =	sst s7  }
0x10: {  	[smem:$0x3FB0] =	sst s8  }
0x11: {  	[smem:$0x3FB1] =	sst s9;
	s0 =	simm.s32 @!p0 $0x0  }
0x12: {  	s1 =	sld [smem:$0x3F97];
	s0 =	simm.s32 @p0 $0x1  }
0x13: {  	[smem:$0x3FB2] =	sst s0;
	s0 =	simm.s32 @!p1 $0x0  }
0x14: {  	s2 =	sld [smem:$0x3F96];
	s0 =	simm.s32 @p1 $0x1  }
0x15: {  	[smem:$0x3FB3] =	sst s0;
	s0 =	simm.s32 @!p2 $0x0  }
0x16: {  	s3 =	sld [smem:$0x3FDB];
	s0 =	simm.s32 @p2 $0x1  }
0x17: {  	s4 =	simm.s32 $0x1BF5;
	[smem:$0x3FB5] =	sst s0  }
0x18: {  	s0 =	sld [smem:$0x3F98];
	_ =	swait.ge [sflag:s4], $0x0  }
0x19: {  	s7 =	sld [smem:$0x3F99]  }
0x1a: {  	s8 =	sadd.s32 $0xFFFFE003, lr  }
0x1b: {  	s9 =	sadd.s32 $0xFFFFFEF7, lr;
	s5 =	simm.s32 $0xFFFFFFFF;
	p2 =	slt.u32 s8, $0xFFFFF086  }
0x1c: {  	p1 =	slt.u32 s9, $0xF7A;
	s5 =	simm.s32 @!p2 $0x0  }
0x1d: {  	s5 =	simm.s32 @p1 $0x1;
	p0 =	seq.s32 s7, s2  }
0x1e: {  	s7 =	smul.u32 @!p0 $0xF7A, s2;
	p2 =	seq.s32 @!p0 s5, $0x0  }
0x1f: {  	s9 =	smul.u32 $0xF7A, s1;
	s8 =	simm.s32 @!p0 $0x1BF5;
	p2 =	por !p2, p0  }
0x20: {  	[sflag:s8] =	ssyncset.s32 @!p0 $0xFFFFF086;
	s6 =	sadd.s32 @!p0 s3, s7;
	s7 =	simm.s32 @!p0 $0x108  }
0x21: {  	s3 =	sadd.s32 s3, s9;
	s6 =	sadd.s32 @!p0 $0x88, s6;
	s7 =	simm.s32 @p2 $0x1082  }
0x22: {  	[simem:s7], [sflag:s8] =	dma.local @!p0 [hbm:s6], $0xF7A  }
0x23: {  	s9 =	sor.u32 $0xD0000000, s2;
	s6 =	simm.s32 $0x108;
	_ =	swait.ge @!p0 [sflag:s8], $0x0  }
0x24: {  	s3 =	sadd.s32 $0x88, s3;
	s6 =	simm.s32 @!p1 $0x1082;
	[sflag:s4] =	ssyncset.s32 $0xFFFFF086  }
0x25: {  	[simem:s6], [sflag:s4] =	dma.local [hbm:s3], $0xF7A  }
0x26: {  	[smem:$0x3F99] =	sst s1;
	(tag) =	ssettag s2;
	_ =	strace s9  }
0x27: {  	s1 =	sld [smem:$0x3FA9]  }
0x28: {  	s2 =	sld [smem:$0x3FAA]  }
0x29: {  	s4 =	sld [smem:$0x3FAC]  }
0x2a: {  	p0 =	seq.s32 s5, $0x0;
	s5 =	sld [smem:$0x3FAD]  }
0x2b: {  	s6 =	sld [smem:$0x3FAE]  }
0x2c: {  	s7 =	sld [smem:$0x3FAF]  }
0x2d: {  	s3 =	simm.s32 $0x108;
	s8 =	sld [smem:$0x3FB0]  }
0x2e: {  	s3 =	simm.s32 @!p0 $0x1082;
	s9 =	sld [smem:$0x3FB1]  }
0x2f: {  	lr =	sadd.s32 s0, s3;
	s0 =	sld [smem:$0x3FA8]  }
0x30: {  	s3 =	sld [smem:$0x3FAB]  }
0x31: {  	[smem:$0x3FB4] =	sst s10  }
0x32: {  	s10 =	sld [smem:$0x3FB2];
	_ =	sdelay $0x3  }
0x33: {  	p0 =	seq.s32 s10, $0x1;
	s10 =	sld [smem:$0x3FB4];
	_ =	sdelay $0x3  }
0x34: {  	[smem:$0x3FB4] =	sst s10  }
0x35: {  	s10 =	sld [smem:$0x3FB3];
	_ =	sdelay $0x3  }
0x36: {  	p1 =	seq.s32 s10, $0x1;
	s10 =	sld [smem:$0x3FB4];
	_ =	sdelay $0x3  }
0x37: {  	[smem:$0x3FB4] =	sst s10  }
0x38: {  	s10 =	sld [smem:$0x3FB5]  }
0x39: {  	_ = 	snop;
	(pc) =	sbr.ind lr, $3  }
0x3a: {  	_ = 	snop  }
0x3b: {  	_ = 	snop  }
0x3c: {  	p2 =	seq.s32 s10, $0x1;
	s10 =	sld [smem:$0x3FB4]  }
0x3d: {  	_ =	shalt  }
0x3e: {  	_ =	shalt  }
0x3f: {  	_ =	shalt  }
0x40: {  	_ =	shalt  }
0x41: {  	_ =	shalt  }
0x42: {  	_ =	shalt  }
0x43: {  	_ =	shalt  }
0x44: {  	_ =	shalt  }
0x45: {  	_ =	shalt  }
0x46: {  	_ =	shalt  }
0x47: {  	_ =	shalt  }
0x48: {  	_ =	shalt  }
0x49: {  	_ =	shalt  }
0x4a: {  	_ =	shalt  }
0x4b: {  	_ =	shalt  }
0x4c: {  	_ =	shalt  }
0x4d: {  	_ =	shalt  }
0x4e: {  	_ =	shalt  }
0x4f: {  	_ =	shalt  }
0x50: {  	_ =	shalt  }
0x51: {  	_ =	shalt  }
0x52: {  	_ =	shalt  }
0x53: {  	_ =	shalt  }
0x54: {  	_ =	shalt  }
0x55: {  	_ =	shalt  }
0x56: {  	_ =	shalt  }
0x57: {  	_ =	shalt  }
0x58: {  	_ =	shalt  }
0x59: {  	_ =	shalt  }
0x5a: {  	_ =	shalt  }
0x5b: {  	_ =	shalt  }
0x5c: {  	_ =	shalt  }
0x5d: {  	_ =	shalt  }
0x5e: {  	_ =	shalt  }
0x5f: {  	_ =	shalt  }
0x60: {  	_ =	shalt  }
0x61: {  	_ =	shalt  }
0x62: {  	_ =	shalt  }
0x63: {  	_ =	shalt  }
0x64: {  	_ =	shalt  }
0x65: {  	_ =	shalt  }
0x66: {  	_ =	shalt  }
0x67: {  	_ =	shalt  }
0x68: {  	_ =	shalt  }
0x69: {  	_ =	shalt  }
0x6a: {  	_ =	shalt  }
0x6b: {  	_ =	shalt  }
0x6c: {  	_ =	shalt  }
0x6d: {  	_ =	shalt  }
0x6e: {  	_ =	shalt  }
0x6f: {  	_ =	shalt  }
0x70: {  	_ =	shalt  }
0x71: {  	_ =	shalt  }
0x72: {  	_ =	shalt  }
0x73: {  	_ =	shalt  }
0x74: {  	_ =	shalt  }
0x75: {  	_ =	shalt  }
0x76: {  	_ =	shalt  }
0x77: {  	_ =	shalt  }
0x78: {  	_ =	shalt  }
0x79: {  	_ =	shalt  }
0x7a: {  	_ =	shalt  }
0x7b: {  	_ =	shalt  }
0x7c: {  	_ =	shalt  }
0x7d: {  	_ =	shalt  }
0x7e: {  	_ =	shalt  }
0x7f: {  	_ =	shalt  }
0x80: {  	_ =	shalt  }
0x81: {  	_ =	shalt  }
0x82: {  	_ =	shalt  }
0x83: {  	_ =	shalt  }
0x84: {  	_ =	shalt  }
0x85: {  	_ =	shalt  }
0x86: {  	_ =	shalt  }
0x87: {  	_ =	shalt  }
.Lfunc_end0:
.L_simem_size_0:
called_computation.1_lowered:
.L_overlay_start_0:
0x88: {  	s2 =	sld [smem:$0x3FD9]  }
0x89: {  	s3 =	sld [smem:$0x3FFE];
	_ =	sdelay $0x1  }
0x8a: {  	s1 =	srdreg.scid  }
0x8b: {  	s0 =	sand.u32 $0x1, s1  }
0x8c: {  	s16 =	sshll.u32 s0, $0xA;
	s2 =	sadd.s32 s3, s2  }
0x8d: {  	s2 =	sadd.s32 s2, s16  }
0x8e: {  	[smem:$0x3FC0] =	sst s2  }
0x8f: {  	_ = 	snop  }
0x90: {  	(tm) =	ssettm $0x1  }
0x91: {  	s17 =	sld [smem:$0x3FFB];
	_ =	sdelay $0x3  }
0x92: {  	_ =	strace s17  }
0x93: {  	s2 =	sld [smem:$0x3FFC];
	_ =	sdelay $0x3  }
0x94: {  	_ =	strace s2  }
0x95: {  	s2 =	sld [smem:$0x3FFD];
	_ =	sdelay $0x3  }
0x96: {  	_ =	strace s2  }
0x97: {  	_ =	strace $0x8FFFFFFF  }
0x98: {  	s18 =	sld [smem:$0x3FDB];
	_ =	sdelay $0x1  }
0x99: {  	s19 =	simm.s32 $_scs_section_size  }
0x9a: {  	s4 =	simm.s32 $_size__tile_overlayer_lowered;
	s5 =	simm.s32 $_tile_overlayer_lowered  }
0x9b: {  	s22 =	simm.s32 $0x1BFF;
	s21 =	sshll.u32 s5, $0x1;
	s2 =	sadd.s32 s19, s18  }
0x9c: {  	s6 =	simm.s32 $0x0;
	s20 =	sshll.u32 s4, $0x1;
	s4 =	sadd.s32 s21, s2  }
0x9d: {  	[timem:s6], [sflag:s22] =	dma.local [hbm:s4], s20  }
0x9e: {  	_ =	swait.ge [sflag:s22], s20  }
0x9f: {  	s3 =	ssub.s32 $0x0, s20;
	[sflag:s22] =	ssyncset.done $0x0  }
0xa0: {  	[sflag:s22] =	ssyncadd.s32 s3;
	_ =	sdelay $0x1  }
0xa1: {  	s23 =	simm.s32 $0x1B8B  }
0xa2: {  	_ =	swait.ge [sflag:s23], $0x1  }
0xa3: {  	[sflag:s23] =	ssyncset.done $0x0  }
0xa4: {  	s25 =	simm.s32 $0x1B8E;
	s24 =	sld [smem:$0x3FFE];
	[sflag:s23] =	ssyncadd.s32 $0xFFFFFFFF  }
0xa5: {  	s26 =	simm.s32 $execute0_lowered;
	[smem:$0x3FD2] =	sst s25  }
0xa6: {  	s4 =	sshll.u32 s26, $0x1;
	_ =	strace $0x80000049;
	[dreg:$0x1] =	wrdreg $0xFFFFFFFF  }
0xa7: {  	s28 =	simm.s32 $_size_execute0_lowered;
	s2 =	sadd.s32 s2, s4;
	[dreg:$0x0] =	wrdreg $0x0  }
0xa8: {  	s4 =	sshll.u32 s28, $0x1;
	[dreg:$0x2] =	wrdreg s2  }
0xa9: {  	[dreg:$0x3] =	wrdreg s4  }
0xaa: {  	[dreg:$0x4] =	wrdreg $0xC0  }
0xab: {  	_ =	task [dreg:s6], $0x5FFFF  }
0xac: {  	[dreg:$0x1] =	wrdreg $0xFFFFFFFF  }
0xad: {  	[dreg:$0x0] =	wrdreg $0x60  }
0xae: {  	[dreg:$0x2] =	wrdreg s24  }
0xaf: {  	[dreg:$0x3] =	wrdreg $0x97100  }
0xb0: {  	[dreg:$0x4] =	wrdreg $0x9  }
0xb1: {  	_ =	task.clear_ibuf [dreg:s6], $0x5FFFF;
	_ =	strace $0x90000049  }
0xb2: {  	s29 =	simm.s32 $0x9;
	_ =	strace $0x8000004B  }
0xb3: {  	_ =	swait.ge [sflag:s29], $0x1  }
0xb4: {  	[sflag:s29] =	ssyncadd.s32 $0xFFFFFFFF  }
0xb5: {  	_ =	strace $0x9000004B  }
0xb6: {  	_ =	sfence  }
0xb7: {  	s30 =	sld [smem:$0x0];
	_ =	sdelay $0x2  }
0xb8: {  	s31 =	sshll.u32 s1, $0xD;
	s1 =	sshrl.u32 s1, $0x2  }
0xb9: {  	s3 =	sand.u32 $0x4000, s31;
	s1 =	sadd.s32 s1, s30  }
0xba: {  	s0 =	sor.u32 s3, s0;
	s1 =	sshll.u32 s1, $0x11  }
0xbb: {  	s0 =	sor.u32 s1, s0  }
0xbc: {  	s0 =	sadd.s32 $0x8F2B, s0  }
0xbd: {  	[sflag:s0] =	ssyncadd.remote.s32 $0x1  }
0xbe: {  	_ =	sfence.sel $0xFFFF  }
0xbf: {  	[dreg:$0x0] =	wrdreg $0xFFFFFFFF;
	(pc) =	sbr.abs _section_cstart, $3  }
0xc0: {  	[dreg:$0x1] =	wrdreg $0xFFFFFFFF  }
0xc1: {  	_ =	task.clear_ibuf [dreg:s6], $0x2FFFF;
	_ =	strace $0x9FFFFFFF  }
0xc2: {  	(tm) =	ssettm $0x7FFFFFFF  }
0xc3: {  	_ =	shalt  }
tec
execute0_lowered:
.L_overlay_start_1:
0x0: {  	(tag) =	ssettag $0x1  }
0x1: {  	s0 =	srdreg.scid;
	s4 =	rddreg [dreg:$0x0]  }
0x2: {  	s1 =	rddreg [dreg:$0x1];
	s25 =	stileid.u32;
	s28 =	simm.s32 $0x0  }
0x3: {  	s15 =	simm.s32 $0x80;
	s16 =	simm.s32 $0x5000;
	s17 =	simm.s32 $0x5800  }
0x4: {  	s18 =	simm.s32 $0x100;
	s19 =	simm.s32 $0x6000;
	s20 =	simm.s32 $0x180  }
0x5: {  	s21 =	simm.s32 $0x6800;
	s22 =	simm.s32 $0x1;
	s23 =	simm.s32 $0x2  }
0x6: {  	s24 =	simm.s32 $0x3;
	s26 =	simm.s32 $0x0;
	s3 =	sand.u32 $0x1, s0  }
0x7: {  	[smem:$0x7FF] =	sst s28;
	s8 =	smul.u32 $0x9C40, s25;
	p1 =	sne.s32 s25, $0x0  }
0x8: {  	s2 =	sshll.u32 s3, $0x4;
	_ =	strace $0x8000004A;
	s29 =	smul.u32 $0x4E20, s3  }
0x9: {  	s7 =	ssub.s32 $0x2, s3;
	s3 =	sadd.s32 $0x16800, s4;
	s13 =	sor.u32 s25, s2  }
0xa: {  	s30 =	sshrl.u32 s7, $0x1;
	s5 =	smul.u32 $0x4C, s13;
	s6 =	smin.u32 s13, $0x11  }
0xb: {  	s31 =	sshrl.u32 s8, $0x2;
	s25 =	simm.s32 $0x4;
	s6 =	sshll.u32 s6, $0x2  }
0xc: {  	s10 =	sadd.s32 s29, s4;
	s11 =	ssub.s32 s7, s30;
	s5 =	sadd.s32 s5, s6  }
0xd: {  	p0 =	slt.u32 s13, $0x11;
	s10 =	sadd.s32 $0x1B800, s10;
	s5 =	sshll.u32 s5, $0x4  }
0xe: {  	s11 =	smax.u32 s11, $0x1;
	s9 =	sadd.s32 s5, s4;
	s5 =	simm.s32 $0x50  }
0xf: {  	s4 =	sadd.s32 s31, s1;
	s5 =	simm.s32 @!p0 $0x4C;
	s6 =	sadd.s32 $0x2E00, s9  }
0x10: {  	s7 =	sadd.s32 $0x32C0, s9;
	s8 =	sadd.s32 $0xCA40, s9;
	s12 =	sshll.u32 s5, $0x9  }
0x11: {  	s9 =	sadd.s32 $0xCF00, s9;
	p0 =	sgt.u32 s13, $0x10;
	s14 =	sadd.s32 $0xFFFFF800, s12  }
0x12: {  	v0 =	vimm.f32 $0.0e+00;
	s12 =	sadd.s32 $0xFFFFFFF9, s5;
	[dreg:$0x3] =	wrdreg s14;
	s14 =	simm.s32 $0x5  }
.LBB2_1:
0x13: {  	s28 =	simm.s32 $0x40;
	s29 =	simm.s32 $0x0  }
.LBB2_2:
0x14: {  	p2 =	sne.s32 s28, $0x9C00;
	[tilespmem:s29+$0x7000] =	vst v0;
	s29 =	smov.u32 s28;
	s28 =	sadd.s32 $0x40, s28  }
.Ltmp0:
0x15: {  	(pc) =	sbr.rel @p2 .LBB2_2-.Ltmp0, $2  }
0x16: {  	_ =	sdelay $0x2  }
0x17: {  	s29 =	sshra.s32 s29, $0x2  }
0x18: {  	[tilespmem:s29+$0x7000] =	vst v0;
	s0 =	simm.s32 $0x7000  }
0x19: {  	[spmem:s4] =	stream.linear.scatter [tilespmem:s0], [sflag:$0x5], $0x2710, $0x38;
	[tilespmem:$0xBE20] =	vst v63  }
0x1a: {  	_ =	swait.ge [sflag:s14], $0x2710  }
0x1b: {  	[sflag:s14] =	ssyncset.done $0x0  }
0x1c: {  	[sflag:s14] =	ssyncadd.s32 $0xFFFFD8F0  }
0x1d: {  	s31 =	simm.s32 $0x0;
	[bflag:$0x0] =	sbarrier.arrive $0xFFFF  }
0x1e: {  	[tilespmem:s31], [sflag:$0x5] =	stream.linear.gather [hbm4b:s6+s31], $0x2600, $0x38;
	[tilespmem:$0xBE20] =	vst v63  }
0x1f: {  	_ =	swait.ge [sflag:s14], $0x2600  }
0x20: {  	[sflag:s14] =	ssyncset.done $0x0  }
0x21: {  	s28 =	simm.s32 @p0 $0x0;
	s29 =	simm.s32 @p0 $0x2800;
	[sflag:s14] =	ssyncadd.s32 $0xFFFFDA00  }
0x22: {  	[tilespmem:s29], [sflag:$0x5] =	stream.linear.gather @p0 [hbm4b:s8+s28], $0x2600, $0x38;
	[tilespmem:$0xBE20] =	vst v63  }
0x23: {  	s28 =	simm.s32 @p0 $0x5  }
0x24: {  	_ =	swait.ge @p0 [sflag:s28], $0x2600  }
0x25: {  	[sflag:s28] =	ssyncset.done @p0 $0x0  }
0x26: {  	s29 =	simm.s32 @!p0 $0x2600;
	[sflag:s28] =	ssyncadd.s32 @p0 $0xFFFFDA00;
	s28 =	simm.s32 @!p0 $0x0  }
0x27: {  	[tilespmem:s29], [sflag:$0x5] =	stream.linear.gather @!p0 [hbm4b:s7+s28], $0x200, $0x38;
	[tilespmem:$0xBE20] =	vst v63  }
0x28: {  	s29 =	simm.s32 @!p0 $0x5  }
0x29: {  	_ =	swait.ge @!p0 [sflag:s29], $0x200  }
0x2a: {  	[sflag:s29] =	ssyncset.done @!p0 $0x0  }
0x2b: {  	s30 =	simm.s32 @!p0 $0x2800;
	[sflag:s29] =	ssyncadd.s32 @!p0 $0xFFFFFE00  }
0x2c: {  	[tilespmem:s30], [sflag:$0x5] =	stream.linear.gather @!p0 [hbm4b:s8+s28], $0x2600, $0x38;
	[tilespmem:$0xBE20] =	vst v63  }
0x2d: {  	_ =	swait.ge @!p0 [sflag:s29], $0x2600  }
0x2e: {  	[sflag:s29] =	ssyncset.done @!p0 $0x0  }
0x2f: {  	s30 =	simm.s32 @!p0 $0x4E00;
	[sflag:s29] =	ssyncadd.s32 @!p0 $0xFFFFDA00  }
0x30: {  	[tilespmem:s30], [sflag:$0x5] =	stream.linear.gather @!p0 [hbm4b:s9+s28], $0x200, $0x38;
	[tilespmem:$0xBE20] =	vst v63  }
0x31: {  	_ =	swait.ge @!p0 [sflag:s29], $0x200  }
0x32: {  	[sflag:s29] =	ssyncset.done @!p0 $0x0  }
0x33: {  	s0 =	simm.s32 $0x0;
	[sflag:s29] =	ssyncadd.s32 @!p0 $0xFFFFFE00  }
0x34: {  	[tilespmem:s16], [sflag:$0x1] =	stream.indirect.gather [hbm4b:s3+s15], $0x10, s0, s15, $0xb8;
	[tilespmem:$0xBE20] =	vst v63  }
0x35: {  	_ = 	snop  }
0x36: {  	[tilespmem:s17], [sflag:$0x2] =	stream.indirect.gather [hbm4b:s3+s15], $0x10, s15, s15, $0xb8;
	[tilespmem:$0xBE20] =	vst v63  }
0x37: {  	_ = 	snop  }
0x38: {  	[tilespmem:s19], [sflag:$0x3] =	stream.indirect.gather [hbm4b:s3+s15], $0x10, s18, s15, $0xb8;
	[tilespmem:$0xBE20] =	vst v63  }
0x39: {  	s29 =	simm.s32 $0x0  }
0x3a: {  	[tilespmem:s21], [sflag:$0x4] =	stream.indirect.gather [hbm4b:s3+s15], $0x10, s20, s15, $0xb8;
	[tilespmem:$0xBE20] =	vst v63  }
.LBB2_4:
0x3b: {  	_ =	swait.ge [sflag:s22], $0x800  }
0x3c: {  	s30 =	sshra.s32 s29, $0x2;
	s28 =	smov.u32 s0;
	[sflag:s22] =	ssyncset.done $0x0  }
0x3d: {  	s0 =	sadd.s32 $0x4, s0;
	s31 =	sadd.s32 $0x2800, s30;
	[sflag:s22] =	ssyncadd.s32 $0xFFFFF800  }
0x3e: {  	[spmem:s1] =	stream.indirect.scatter.add.f32 [tilespmem:s16], [sflag:$0x5], $0x10, s31, s15, $0xb8;
	[tilespmem:$0xBE20] =	vst v63  }
0x3f: {  	p2 =	sge.u32 s0, s5;
	_ =	swait.ge [sflag:s14], $0x800  }
0x40: {  	s2 =	simm.s32 @!p2 $0x80;
	s31 =	sshra.s32 @!p2 s29, $0x2;
	[sflag:s14] =	ssyncset.done $0x0  }
0x41: {  	s13 =	simm.s32 @!p2 $0x5000;
	s31 =	sadd.s32 @!p2 $0x200, s31;
	[sflag:s14] =	ssyncadd.s32 $0xFFFFF800  }
0x42: {  	[tilespmem:s13], [sflag:$0x1] =	stream.indirect.gather @!p2 [hbm4b:s3+s2], $0x10, s31, s2, $0xb8;
	[tilespmem:$0xBE20] =	vst v63  }
0x43: {  	_ =	swait.ge [sflag:s23], $0x800  }
0x44: {  	[sflag:s23] =	ssyncset.done $0x0  }
0x45: {  	s13 =	sadd.s32 $0x2880, s30;
	s31 =	sadd.s32 $0x5, s28;
	[sflag:s23] =	ssyncadd.s32 $0xFFFFF800  }
0x46: {  	[spmem:s1] =	stream.indirect.scatter.add.f32 [tilespmem:s17], [sflag:$0x5], $0x10, s13, s15, $0xb8;
	[tilespmem:$0xBE20] =	vst v63  }
0x47: {  	p2 =	sge.u32 s31, s5;
	_ =	swait.ge [sflag:s14], $0x800  }
0x48: {  	s2 =	sshra.s32 @!p2 s29, $0x2;
	s31 =	simm.s32 @!p2 $0x5800;
	[sflag:s14] =	ssyncset.done $0x0  }
0x49: {  	s2 =	sadd.s32 @!p2 $0x280, s2;
	s13 =	simm.s32 @!p2 $0x80;
	[sflag:s14] =	ssyncadd.s32 $0xFFFFF800  }
0x4a: {  	[tilespmem:s31], [sflag:$0x2] =	stream.indirect.gather @!p2 [hbm4b:s3+s13], $0x10, s2, s13, $0xb8;
	[tilespmem:$0xBE20] =	vst v63  }
0x4b: {  	_ =	swait.ge [sflag:s24], $0x800  }
0x4c: {  	[sflag:s24] =	ssyncset.done $0x0  }
0x4d: {  	s13 =	sadd.s32 $0x2900, s30;
	s31 =	sadd.s32 $0x6, s28;
	[sflag:s24] =	ssyncadd.s32 $0xFFFFF800  }
0x4e: {  	[spmem:s1] =	stream.indirect.scatter.add.f32 [tilespmem:s19], [sflag:$0x5], $0x10, s13, s15, $0xb8;
	[tilespmem:$0xBE20] =	vst v63  }
0x4f: {  	p2 =	sge.u32 s31, s5;
	_ =	swait.ge [sflag:s14], $0x800  }
0x50: {  	s2 =	sshra.s32 @!p2 s29, $0x2;
	s31 =	simm.s32 @!p2 $0x6000;
	[sflag:s14] =	ssyncset.done $0x0  }
0x51: {  	s2 =	sadd.s32 @!p2 $0x300, s2;
	s13 =	simm.s32 @!p2 $0x80;
	[sflag:s14] =	ssyncadd.s32 $0xFFFFF800  }
0x52: {  	[tilespmem:s31], [sflag:$0x3] =	stream.indirect.gather @!p2 [hbm4b:s3+s13], $0x10, s2, s13, $0xb8;
	[tilespmem:$0xBE20] =	vst v63  }
0x53: {  	_ =	swait.ge [sflag:s25], $0x800  }
0x54: {  	s13 =	sadd.s32 $0x2980, s30;
	s30 =	sadd.s32 $0x7, s28;
	[sflag:s25] =	ssyncset.done $0x0  }
0x55: {  	p2 =	sge.u32 s30, s5;
	[sflag:s25] =	ssyncadd.s32 $0xFFFFF800  }
0x56: {  	[spmem:s1] =	stream.indirect.scatter.add.f32 [tilespmem:s21], [sflag:$0x5], $0x10, s13, s15, $0xb8;
	[tilespmem:$0xBE20] =	vst v63  }
0x57: {  	s2 =	sshra.s32 @!p2 s29, $0x2;
	s28 =	simm.s32 @!p2 $0x6800;
	_ =	swait.ge [sflag:s14], $0x800  }
0x58: {  	s29 =	sadd.s32 $0x800, s29;
	s2 =	sadd.s32 @!p2 $0x380, s2;
	[sflag:s14] =	ssyncset.done $0x0  }
0x59: {  	s13 =	simm.s32 @!p2 $0x80;
	s31 =	rddreg [dreg:$0x3];
	[sflag:s14] =	ssyncadd.s32 $0xFFFFF800  }
0x5a: {  	[tilespmem:s28], [sflag:$0x4] =	stream.indirect.gather @!p2 [hbm4b:s3+s13], $0x10, s2, s13, $0xb8;
	[tilespmem:$0xBE20] =	vst v63  }
0x5b: {  	p2 =	sne.s32 s31, s29  }
.Ltmp1:
0x5c: {  	_ = 	snop;
	(pc) =	sbr.rel @p2 .LBB2_4-.Ltmp1, $1  }
0x5d: {  	_ =	sdelay $0x3  }
0x5e: {  	_ =	swait.ge [sflag:s22], $0x800  }
0x5f: {  	s2 =	sshra.s32 s29, $0x2;
	[sflag:s22] =	ssyncset.done $0x0  }
0x60: {  	s30 =	sadd.s32 $0x4, s0;
	s13 =	sadd.s32 $0x2800, s2;
	[sflag:s22] =	ssyncadd.s32 $0xFFFFF800  }
0x61: {  	[spmem:s1] =	stream.indirect.scatter.add.f32 [tilespmem:s16], [sflag:$0x5], $0x10, s13, s15, $0xb8;
	[tilespmem:$0xBE20] =	vst v63  }
0x62: {  	p2 =	sge.u32 s30, s5;
	_ =	swait.ge [sflag:s14], $0x800  }
0x63: {  	s28 =	simm.s32 @!p2 $0x80;
	s13 =	sshra.s32 @!p2 s29, $0x2;
	[sflag:s14] =	ssyncset.done $0x0  }
0x64: {  	s30 =	simm.s32 @!p2 $0x5000;
	s13 =	sadd.s32 @!p2 $0x200, s13;
	[sflag:s14] =	ssyncadd.s32 $0xFFFFF800  }
0x65: {  	[tilespmem:s30], [sflag:$0x1] =	stream.indirect.gather @!p2 [hbm4b:s3+s28], $0x10, s13, s28, $0xb8;
	[tilespmem:$0xBE20] =	vst v63  }
0x66: {  	_ =	swait.ge [sflag:s23], $0x800  }
0x67: {  	[sflag:s23] =	ssyncset.done $0x0  }
0x68: {  	s31 =	sadd.s32 $0x2880, s2;
	s28 =	sadd.s32 $0x5, s0;
	[sflag:s23] =	ssyncadd.s32 $0xFFFFF800  }
0x69: {  	[spmem:s1] =	stream.indirect.scatter.add.f32 [tilespmem:s17], [sflag:$0x5], $0x10, s31, s15, $0xb8;
	[tilespmem:$0xBE20] =	vst v63  }
0x6a: {  	p2 =	sge.u32 s28, s5;
	_ =	swait.ge [sflag:s14], $0x800  }
0x6b: {  	s13 =	sshra.s32 @!p2 s29, $0x2;
	s28 =	simm.s32 @!p2 $0x80;
	[sflag:s14] =	ssyncset.done $0x0  }
0x6c: {  	s30 =	simm.s32 @!p2 $0x5800;
	s13 =	sadd.s32 @!p2 $0x280, s13;
	[sflag:s14] =	ssyncadd.s32 $0xFFFFF800  }
0x6d: {  	[tilespmem:s30], [sflag:$0x2] =	stream.indirect.gather @!p2 [hbm4b:s3+s28], $0x10, s13, s28, $0xb8;
	[tilespmem:$0xBE20] =	vst v63  }
0x6e: {  	_ =	swait.ge [sflag:s24], $0x800  }
0x6f: {  	[sflag:s24] =	ssyncset.done $0x0  }
0x70: {  	s31 =	sadd.s32 $0x6, s0;
	s30 =	sadd.s32 $0x2900, s2;
	[sflag:s24] =	ssyncadd.s32 $0xFFFFF800  }
0x71: {  	[spmem:s1] =	stream.indirect.scatter.add.f32 [tilespmem:s19], [sflag:$0x5], $0x10, s30, s15, $0xb8;
	[tilespmem:$0xBE20] =	vst v63  }
0x72: {  	p2 =	sge.u32 s31, s5;
	_ =	swait.ge [sflag:s14], $0x800  }
0x73: {  	s13 =	sshra.s32 @!p2 s29, $0x2;
	s28 =	simm.s32 @!p2 $0x80;
	[sflag:s14] =	ssyncset.done $0x0  }
0x74: {  	s29 =	simm.s32 @!p2 $0x6000;
	s13 =	sadd.s32 @!p2 $0x300, s13;
	[sflag:s14] =	ssyncadd.s32 $0xFFFFF800  }
0x75: {  	[tilespmem:s29], [sflag:$0x3] =	stream.indirect.gather @!p2 [hbm4b:s3+s28], $0x10, s13, s28, $0xb8;
	[tilespmem:$0xBE20] =	vst v63  }
0x76: {  	_ =	swait.ge [sflag:s25], $0x800  }
0x77: {  	[sflag:s25] =	ssyncset.done $0x0  }
0x78: {  	s2 =	sadd.s32 $0x2980, s2;
	[sflag:s25] =	ssyncadd.s32 $0xFFFFF800  }
0x79: {  	[spmem:s1] =	stream.indirect.scatter.add.f32 [tilespmem:s21], [sflag:$0x5], $0x10, s2, s15, $0xb8;
	[tilespmem:$0xBE20] =	vst v63  }
0x7a: {  	p2 =	sge.u32 s0, s12;
	_ =	swait.ge [sflag:s14], $0x800  }
0x7b: {  	s0 =	simm.s32 @!p2 $0x80;
	[sflag:s14] =	ssyncset.done $0x0  }
0x7c: {  	s13 =	simm.s32 @!p2 $0x6800;
	s2 =	simm.s32 @!p2 $0x2780;
	[sflag:s14] =	ssyncadd.s32 $0xFFFFF800  }
0x7d: {  	[tilespmem:s13], [sflag:$0x4] =	stream.indirect.gather @!p2 [hbm4b:s3+s0], $0x10, s2, s0, $0xb8;
	[tilespmem:$0xBE20] =	vst v63  }
0x7e: {  	s26 =	sadd.s32 $0x1, s26;
	s0 =	sshrl.u32 @!p1 s1, $0x3  }
0x7f: {  	s2 =	simm.s32 @!p1 $0x1C05;
	p2 =	sne.s32 s26, s11;
	[bflag:$0x0] =	sbarrier.arrive $0xFFFF  }
0x80: {  	[hbm:s10], [sflag:s2] =	dma.local @!p1 [spmem:s0], $0x4E20  }
.Ltmp2:
0x81: {  	_ = 	snop;
	(pc) =	sbr.rel @p2 .LBB2_1-.Ltmp2, $4  }
0x82: {  	s0 =	simm.s32 @!p1 $0x5  }
0x83: {  	_ =	swait.ge @!p1 [sflag:s0], $0x4E20  }
0x84: {  	[sflag:s0] =	ssyncset.done @!p1 $0x0  }
0x85: {  	[sflag:s0] =	ssyncadd.s32 @!p1 $0xFFFFB1E0  }
0x86: {  	_ =	sfence.sel $0x180000  }
0x87: {  	[bflag:$0x0] =	sbarrier.arrive $0xFFFF  }
0x88: {  	_ =	strace $0x9000004A  }
0x89: {  	[bflag:$0x2] =	sbarrier.arrive $0xFFFF  }
0x8a: {  	s0 =	rddreg [dreg:$0x2]  }
0x8b: {  	s0 =	sadd.s32 @!p1 $0x100000, s0  }
0x8c: {  	[sflag:s0] =	ssyncadd.tile.s32 @!p1 $0x1;
	_ =	shalt  }
.Lfunc_end2:
_tile_overlayer_lowered:
.L_overlay_start_2:
0x8d: {  	(tag) =	ssettag $0x2  }
0x8e: {  	s0 =	rddreg [dreg:$0x0];
	s2 =	stileid.u32  }
0x8f: {  	s1 =	rddreg [dreg:$0x1];
	p0 =	sne.s32 s2, $0x0  }
0x90: {  	s3 =	rddreg [dreg:$0x2];
	[bflag:$0x3] =	sbarrier.arrive $0xFFFF;
	s2 =	simm.s32 @!p0 $0x1C05  }
0x91: {  	[timem:s3], [sflag:s2] =	dma.local @!p0 [hbm:s0], s1  }
0x92: {  	s0 =	simm.s32 @!p0 $0x5  }
0x93: {  	_ =	swait.ge @!p0 [sflag:s0], s1  }
0x94: {  	s1 =	ssub.s32 @!p0 $0x0, s1;
	[sflag:s0] =	ssyncset.done @!p0 $0x0  }
0x95: {  	[sflag:s0] =	ssyncadd.s32 @!p0 s1  }
0x96: {  	[bflag:$0x3] =	sbarrier.arrive $0xFFFF  }
0x97: {  	_ =	shalt  }

// kernel: kernel.16.cloned.1.call-start
scs
__scs_entry_jumppad:
0x0: {  	(pc) =	sbr.rel $0x88, $3  }
0x1: {  	(tag) =	ssettag $0x0;
	lr =	simm.s32 $0x1  }
0x2: {  	[smem:$0x3F99] =	sst lr;
	_ =	strace $0xD0000000  }
0x3: {  	_ = 	snop  }
0x4: {  	_ = 	snop  }
0x5: {  	_ = 	snop  }
0x6: {  	_ = 	snop  }
0x7: {  	_ = 	snop  }
__scs_overlays_trampoline_lowered:
0x8: {  	[smem:$0x3FA8] =	sst s0  }
0x9: {  	[smem:$0x3FA9] =	sst s1  }
0xa: {  	[smem:$0x3FAA] =	sst s2  }
0xb: {  	[smem:$0x3FAB] =	sst s3  }
0xc: {  	[smem:$0x3FAC] =	sst s4  }
0xd: {  	[smem:$0x3FAD] =	sst s5  }
0xe: {  	[smem:$0x3FAE] =	sst s6  }
0xf: {  	[smem:$0x3FAF] =	sst s7  }
0x10: {  	[smem:$0x3FB0] =	sst s8  }
0x11: {  	[smem:$0x3FB1] =	sst s9;
	s0 =	simm.s32 @!p0 $0x0  }
0x12: {  	s1 =	sld [smem:$0x3F97];
	s0 =	simm.s32 @p0 $0x1  }
0x13: {  	[smem:$0x3FB2] =	sst s0;
	s0 =	simm.s32 @!p1 $0x0  }
0x14: {  	s2 =	sld [smem:$0x3F96];
	s0 =	simm.s32 @p1 $0x1  }
0x15: {  	[smem:$0x3FB3] =	sst s0;
	s0 =	simm.s32 @!p2 $0x0  }
0x16: {  	s3 =	sld [smem:$0x3FDB];
	s0 =	simm.s32 @p2 $0x1  }
0x17: {  	s4 =	simm.s32 $0x1BF5;
	[smem:$0x3FB5] =	sst s0  }
0x18: {  	s0 =	sld [smem:$0x3F98];
	_ =	swait.ge [sflag:s4], $0x0  }
0x19: {  	s7 =	sld [smem:$0x3F99]  }
0x1a: {  	s8 =	sadd.s32 $0xFFFFE003, lr  }
0x1b: {  	s9 =	sadd.s32 $0xFFFFFEF7, lr;
	s5 =	simm.s32 $0xFFFFFFFF;
	p2 =	slt.u32 s8, $0xFFFFF086  }
0x1c: {  	p1 =	slt.u32 s9, $0xF7A;
	s5 =	simm.s32 @!p2 $0x0  }
0x1d: {  	s5 =	simm.s32 @p1 $0x1;
	p0 =	seq.s32 s7, s2  }
0x1e: {  	s7 =	smul.u32 @!p0 $0xF7A, s2;
	p2 =	seq.s32 @!p0 s5, $0x0  }
0x1f: {  	s9 =	smul.u32 $0xF7A, s1;
	s8 =	simm.s32 @!p0 $0x1BF5;
	p2 =	por !p2, p0  }
0x20: {  	[sflag:s8] =	ssyncset.s32 @!p0 $0xFFFFF086;
	s6 =	sadd.s32 @!p0 s3, s7;
	s7 =	simm.s32 @!p0 $0x108  }
0x21: {  	s3 =	sadd.s32 s3, s9;
	s6 =	sadd.s32 @!p0 $0x88, s6;
	s7 =	simm.s32 @p2 $0x1082  }
0x22: {  	[simem:s7], [sflag:s8] =	dma.local @!p0 [hbm:s6], $0xF7A  }
0x23: {  	s9 =	sor.u32 $0xD0000000, s2;
	s6 =	simm.s32 $0x108;
	_ =	swait.ge @!p0 [sflag:s8], $0x0  }
0x24: {  	s3 =	sadd.s32 $0x88, s3;
	s6 =	simm.s32 @!p1 $0x1082;
	[sflag:s4] =	ssyncset.s32 $0xFFFFF086  }
0x25: {  	[simem:s6], [sflag:s4] =	dma.local [hbm:s3], $0xF7A  }
0x26: {  	[smem:$0x3F99] =	sst s1;
	(tag) =	ssettag s2;
	_ =	strace s9  }
0x27: {  	s1 =	sld [smem:$0x3FA9]  }
0x28: {  	s2 =	sld [smem:$0x3FAA]  }
0x29: {  	s4 =	sld [smem:$0x3FAC]  }
0x2a: {  	p0 =	seq.s32 s5, $0x0;
	s5 =	sld [smem:$0x3FAD]  }
0x2b: {  	s6 =	sld [smem:$0x3FAE]  }
0x2c: {  	s7 =	sld [smem:$0x3FAF]  }
0x2d: {  	s3 =	simm.s32 $0x108;
	s8 =	sld [smem:$0x3FB0]  }
0x2e: {  	s3 =	simm.s32 @!p0 $0x1082;
	s9 =	sld [smem:$0x3FB1]  }
0x2f: {  	lr =	sadd.s32 s0, s3;
	s0 =	sld [smem:$0x3FA8]  }
0x30: {  	s3 =	sld [smem:$0x3FAB]  }
0x31: {  	[smem:$0x3FB4] =	sst s10  }
0x32: {  	s10 =	sld [smem:$0x3FB2];
	_ =	sdelay $0x3  }
0x33: {  	p0 =	seq.s32 s10, $0x1;
	s10 =	sld [smem:$0x3FB4];
	_ =	sdelay $0x3  }
0x34: {  	[smem:$0x3FB4] =	sst s10  }
0x35: {  	s10 =	sld [smem:$0x3FB3];
	_ =	sdelay $0x3  }
0x36: {  	p1 =	seq.s32 s10, $0x1;
	s10 =	sld [smem:$0x3FB4];
	_ =	sdelay $0x3  }
0x37: {  	[smem:$0x3FB4] =	sst s10  }
0x38: {  	s10 =	sld [smem:$0x3FB5]  }
0x39: {  	_ = 	snop;
	(pc) =	sbr.ind lr, $3  }
0x3a: {  	_ = 	snop  }
0x3b: {  	_ = 	snop  }
0x3c: {  	p2 =	seq.s32 s10, $0x1;
	s10 =	sld [smem:$0x3FB4]  }
0x3d: {  	_ =	shalt  }
0x3e: {  	_ =	shalt  }
0x3f: {  	_ =	shalt  }
0x40: {  	_ =	shalt  }
0x41: {  	_ =	shalt  }
0x42: {  	_ =	shalt  }
0x43: {  	_ =	shalt  }
0x44: {  	_ =	shalt  }
0x45: {  	_ =	shalt  }
0x46: {  	_ =	shalt  }
0x47: {  	_ =	shalt  }
0x48: {  	_ =	shalt  }
0x49: {  	_ =	shalt  }
0x4a: {  	_ =	shalt  }
0x4b: {  	_ =	shalt  }
0x4c: {  	_ =	shalt  }
0x4d: {  	_ =	shalt  }
0x4e: {  	_ =	shalt  }
0x4f: {  	_ =	shalt  }
0x50: {  	_ =	shalt  }
0x51: {  	_ =	shalt  }
0x52: {  	_ =	shalt  }
0x53: {  	_ =	shalt  }
0x54: {  	_ =	shalt  }
0x55: {  	_ =	shalt  }
0x56: {  	_ =	shalt  }
0x57: {  	_ =	shalt  }
0x58: {  	_ =	shalt  }
0x59: {  	_ =	shalt  }
0x5a: {  	_ =	shalt  }
0x5b: {  	_ =	shalt  }
0x5c: {  	_ =	shalt  }
0x5d: {  	_ =	shalt  }
0x5e: {  	_ =	shalt  }
0x5f: {  	_ =	shalt  }
0x60: {  	_ =	shalt  }
0x61: {  	_ =	shalt  }
0x62: {  	_ =	shalt  }
0x63: {  	_ =	shalt  }
0x64: {  	_ =	shalt  }
0x65: {  	_ =	shalt  }
0x66: {  	_ =	shalt  }
0x67: {  	_ =	shalt  }
0x68: {  	_ =	shalt  }
0x69: {  	_ =	shalt  }
0x6a: {  	_ =	shalt  }
0x6b: {  	_ =	shalt  }
0x6c: {  	_ =	shalt  }
0x6d: {  	_ =	shalt  }
0x6e: {  	_ =	shalt  }
0x6f: {  	_ =	shalt  }
0x70: {  	_ =	shalt  }
0x71: {  	_ =	shalt  }
0x72: {  	_ =	shalt  }
0x73: {  	_ =	shalt  }
0x74: {  	_ =	shalt  }
0x75: {  	_ =	shalt  }
0x76: {  	_ =	shalt  }
0x77: {  	_ =	shalt  }
0x78: {  	_ =	shalt  }
0x79: {  	_ =	shalt  }
0x7a: {  	_ =	shalt  }
0x7b: {  	_ =	shalt  }
0x7c: {  	_ =	shalt  }
0x7d: {  	_ =	shalt  }
0x7e: {  	_ =	shalt  }
0x7f: {  	_ =	shalt  }
0x80: {  	_ =	shalt  }
0x81: {  	_ =	shalt  }
0x82: {  	_ =	shalt  }
0x83: {  	_ =	shalt  }
0x84: {  	_ =	shalt  }
0x85: {  	_ =	shalt  }
0x86: {  	_ =	shalt  }
0x87: {  	_ =	shalt  }
.Lfunc_end0:
.L_simem_size_0:
called_computation.2_lowered:
.L_overlay_start_0:
0x88: {  	s2 =	sld [smem:$0x3FD9]  }
0x89: {  	s3 =	sld [smem:$0x3FFE];
	_ =	sdelay $0x1  }
0x8a: {  	s1 =	srdreg.scid  }
0x8b: {  	s0 =	sand.u32 $0x1, s1  }
0x8c: {  	s16 =	sshll.u32 s0, $0xA;
	s2 =	sadd.s32 s3, s2  }
0x8d: {  	s2 =	sadd.s32 s2, s16  }
0x8e: {  	[smem:$0x3FC0] =	sst s2  }
0x8f: {  	_ = 	snop  }
0x90: {  	(tm) =	ssettm $0x1  }
0x91: {  	s17 =	sld [smem:$0x3FFB];
	_ =	sdelay $0x3  }
0x92: {  	_ =	strace s17  }
0x93: {  	s2 =	sld [smem:$0x3FFC];
	_ =	sdelay $0x3  }
0x94: {  	_ =	strace s2  }
0x95: {  	s2 =	sld [smem:$0x3FFD];
	_ =	sdelay $0x3  }
0x96: {  	_ =	strace s2  }
0x97: {  	_ =	strace $0x8FFFFFFF  }
0x98: {  	s18 =	sld [smem:$0x3FDB];
	_ =	sdelay $0x1  }
0x99: {  	s19 =	simm.s32 $_scs_section_size  }
0x9a: {  	s4 =	simm.s32 $_size__tile_overlayer_lowered;
	s5 =	simm.s32 $_tile_overlayer_lowered  }
0x9b: {  	s22 =	simm.s32 $0x1BFF;
	s21 =	sshll.u32 s5, $0x1;
	s2 =	sadd.s32 s19, s18  }
0x9c: {  	s6 =	simm.s32 $0x0;
	s20 =	sshll.u32 s4, $0x1;
	s4 =	sadd.s32 s21, s2  }
0x9d: {  	[timem:s6], [sflag:s22] =	dma.local [hbm:s4], s20  }
0x9e: {  	_ =	swait.ge [sflag:s22], s20  }
0x9f: {  	s3 =	ssub.s32 $0x0, s20;
	[sflag:s22] =	ssyncset.done $0x0  }
0xa0: {  	[sflag:s22] =	ssyncadd.s32 s3;
	_ =	sdelay $0x1  }
0xa1: {  	s23 =	simm.s32 $0x1B8B  }
0xa2: {  	_ =	swait.ge [sflag:s23], $0x1  }
0xa3: {  	[sflag:s23] =	ssyncset.done $0x0  }
0xa4: {  	s25 =	simm.s32 $0x1B8E;
	s24 =	sld [smem:$0x3FFE];
	[sflag:s23] =	ssyncadd.s32 $0xFFFFFFFF  }
0xa5: {  	s26 =	simm.s32 $execute0_lowered;
	[smem:$0x3FD2] =	sst s25  }
0xa6: {  	s4 =	sshll.u32 s26, $0x1;
	_ =	strace $0x8000004C;
	[dreg:$0x1] =	wrdreg $0xFFFFFFFF  }
0xa7: {  	s28 =	simm.s32 $_size_execute0_lowered;
	s2 =	sadd.s32 s2, s4;
	[dreg:$0x0] =	wrdreg $0x0  }
0xa8: {  	s4 =	sshll.u32 s28, $0x1;
	[dreg:$0x2] =	wrdreg s2  }
0xa9: {  	[dreg:$0x3] =	wrdreg s4  }
0xaa: {  	[dreg:$0x4] =	wrdreg $0xC0  }
0xab: {  	_ =	task [dreg:s6], $0x5FFFF  }
0xac: {  	[dreg:$0x1] =	wrdreg $0xFFFFFFFF  }
0xad: {  	[dreg:$0x0] =	wrdreg $0x60  }
0xae: {  	[dreg:$0x2] =	wrdreg s24  }
0xaf: {  	[dreg:$0x3] =	wrdreg $0x97100  }
0xb0: {  	[dreg:$0x4] =	wrdreg $0x9  }
0xb1: {  	_ =	task.clear_ibuf [dreg:s6], $0x5FFFF;
	_ =	strace $0x9000004C  }
0xb2: {  	s29 =	simm.s32 $0x9;
	_ =	strace $0x8000004E  }
0xb3: {  	_ =	swait.ge [sflag:s29], $0x1  }
0xb4: {  	[sflag:s29] =	ssyncadd.s32 $0xFFFFFFFF  }
0xb5: {  	_ =	strace $0x9000004E  }
0xb6: {  	_ =	sfence  }
0xb7: {  	s30 =	sld [smem:$0x0];
	_ =	sdelay $0x2  }
0xb8: {  	s31 =	sshll.u32 s1, $0xD;
	s1 =	sshrl.u32 s1, $0x2  }
0xb9: {  	s3 =	sand.u32 $0x4000, s31;
	s1 =	sadd.s32 s1, s30  }
0xba: {  	s0 =	sor.u32 s3, s0;
	s1 =	sshll.u32 s1, $0x11  }
0xbb: {  	s0 =	sor.u32 s1, s0  }
0xbc: {  	s0 =	sadd.s32 $0x8F2B, s0  }
0xbd: {  	[sflag:s0] =	ssyncadd.remote.s32 $0x1  }
0xbe: {  	_ =	sfence.sel $0xFFFF  }
0xbf: {  	[dreg:$0x0] =	wrdreg $0xFFFFFFFF;
	(pc) =	sbr.abs _section_cstart, $3  }
0xc0: {  	[dreg:$0x1] =	wrdreg $0xFFFFFFFF  }
0xc1: {  	_ =	task.clear_ibuf [dreg:s6], $0x2FFFF;
	_ =	strace $0x9FFFFFFF  }
0xc2: {  	(tm) =	ssettm $0x7FFFFFFF  }
0xc3: {  	_ =	shalt  }
tec
execute0_lowered:
.L_overlay_start_1:
0x0: {  	(tag) =	ssettag $0x1  }
0x1: {  	s0 =	srdreg.scid;
	s4 =	rddreg [dreg:$0x0]  }
0x2: {  	s1 =	rddreg [dreg:$0x1];
	s25 =	stileid.u32;
	s28 =	simm.s32 $0x0  }
0x3: {  	s15 =	simm.s32 $0x80;
	s16 =	simm.s32 $0x5000;
	s17 =	simm.s32 $0x5800  }
0x4: {  	s18 =	simm.s32 $0x100;
	s19 =	simm.s32 $0x6000;
	s20 =	simm.s32 $0x180  }
0x5: {  	s21 =	simm.s32 $0x6800;
	s22 =	simm.s32 $0x1;
	s23 =	simm.s32 $0x2  }
0x6: {  	s24 =	simm.s32 $0x3;
	s26 =	simm.s32 $0x0;
	s3 =	sand.u32 $0x1, s0  }
0x7: {  	[smem:$0x7FF] =	sst s28;
	s8 =	smul.u32 $0x9C40, s25;
	p1 =	sne.s32 s25, $0x0  }
0x8: {  	s2 =	sshll.u32 s3, $0x4;
	_ =	strace $0x8000004D;
	s29 =	smul.u32 $0x4E20, s3  }
0x9: {  	s7 =	ssub.s32 $0x2, s3;
	s3 =	sadd.s32 $0x16800, s4;
	s13 =	sor.u32 s25, s2  }
0xa: {  	s30 =	sshrl.u32 s7, $0x1;
	s5 =	smul.u32 $0x4C, s13;
	s6 =	smin.u32 s13, $0x11  }
0xb: {  	s31 =	sshrl.u32 s8, $0x2;
	s25 =	simm.s32 $0x4;
	s6 =	sshll.u32 s6, $0x2  }
0xc: {  	s10 =	sadd.s32 s29, s4;
	s11 =	ssub.s32 s7, s30;
	s5 =	sadd.s32 s5, s6  }
0xd: {  	p0 =	slt.u32 s13, $0x11;
	s10 =	sadd.s32 $0x1B800, s10;
	s5 =	sshll.u32 s5, $0x4  }
0xe: {  	s11 =	smax.u32 s11, $0x1;
	s9 =	sadd.s32 s5, s4;
	s5 =	simm.s32 $0x50  }
0xf: {  	s4 =	sadd.s32 s31, s1;
	s5 =	simm.s32 @!p0 $0x4C;
	s6 =	sadd.s32 $0x2E00, s9  }
0x10: {  	s7 =	sadd.s32 $0x32C0, s9;
	s8 =	sadd.s32 $0xCA40, s9;
	s12 =	sshll.u32 s5, $0x9  }
0x11: {  	s9 =	sadd.s32 $0xCF00, s9;
	p0 =	sgt.u32 s13, $0x10;
	s14 =	sadd.s32 $0xFFFFF800, s12  }
0x12: {  	v0 =	vimm.f32 $0.0e+00;
	s12 =	sadd.s32 $0xFFFFFFF9, s5;
	[dreg:$0x3] =	wrdreg s14;
	s14 =	simm.s32 $0x5  }
.LBB2_1:
0x13: {  	s28 =	simm.s32 $0x40;
	s29 =	simm.s32 $0x0  }
.LBB2_2:
0x14: {  	p2 =	sne.s32 s28, $0x9C00;
	[tilespmem:s29+$0x7000] =	vst v0;
	s29 =	smov.u32 s28;
	s28 =	sadd.s32 $0x40, s28  }
.Ltmp0:
0x15: {  	(pc) =	sbr.rel @p2 .LBB2_2-.Ltmp0, $2  }
0x16: {  	_ =	sdelay $0x2  }
0x17: {  	s29 =	sshra.s32 s29, $0x2  }
0x18: {  	[tilespmem:s29+$0x7000] =	vst v0;
	s0 =	simm.s32 $0x7000  }
0x19: {  	[spmem:s4] =	stream.linear.scatter [tilespmem:s0], [sflag:$0x5], $0x2710, $0x38;
	[tilespmem:$0xBE20] =	vst v63  }
0x1a: {  	_ =	swait.ge [sflag:s14], $0x2710  }
0x1b: {  	[sflag:s14] =	ssyncset.done $0x0  }
0x1c: {  	[sflag:s14] =	ssyncadd.s32 $0xFFFFD8F0  }
0x1d: {  	s31 =	simm.s32 $0x0;
	[bflag:$0x0] =	sbarrier.arrive $0xFFFF  }
0x1e: {  	[tilespmem:s31], [sflag:$0x5] =	stream.linear.gather [hbm4b:s6+s31], $0x2600, $0x38;
	[tilespmem:$0xBE20] =	vst v63  }
0x1f: {  	_ =	swait.ge [sflag:s14], $0x2600  }
0x20: {  	[sflag:s14] =	ssyncset.done $0x0  }
0x21: {  	s28 =	simm.s32 @p0 $0x0;
	s29 =	simm.s32 @p0 $0x2800;
	[sflag:s14] =	ssyncadd.s32 $0xFFFFDA00  }
0x22: {  	[tilespmem:s29], [sflag:$0x5] =	stream.linear.gather @p0 [hbm4b:s8+s28], $0x2600, $0x38;
	[tilespmem:$0xBE20] =	vst v63  }
0x23: {  	s28 =	simm.s32 @p0 $0x5  }
0x24: {  	_ =	swait.ge @p0 [sflag:s28], $0x2600  }
0x25: {  	[sflag:s28] =	ssyncset.done @p0 $0x0  }
0x26: {  	s29 =	simm.s32 @!p0 $0x2600;
	[sflag:s28] =	ssyncadd.s32 @p0 $0xFFFFDA00;
	s28 =	simm.s32 @!p0 $0x0  }
0x27: {  	[tilespmem:s29], [sflag:$0x5] =	stream.linear.gather @!p0 [hbm4b:s7+s28], $0x200, $0x38;
	[tilespmem:$0xBE20] =	vst v63  }
0x28: {  	s29 =	simm.s32 @!p0 $0x5  }
0x29: {  	_ =	swait.ge @!p0 [sflag:s29], $0x200  }
0x2a: {  	[sflag:s29] =	ssyncset.done @!p0 $0x0  }
0x2b: {  	s30 =	simm.s32 @!p0 $0x2800;
	[sflag:s29] =	ssyncadd.s32 @!p0 $0xFFFFFE00  }
0x2c: {  	[tilespmem:s30], [sflag:$0x5] =	stream.linear.gather @!p0 [hbm4b:s8+s28], $0x2600, $0x38;
	[tilespmem:$0xBE20] =	vst v63  }
0x2d: {  	_ =	swait.ge @!p0 [sflag:s29], $0x2600  }
0x2e: {  	[sflag:s29] =	ssyncset.done @!p0 $0x0  }
0x2f: {  	s30 =	simm.s32 @!p0 $0x4E00;
	[sflag:s29] =	ssyncadd.s32 @!p0 $0xFFFFDA00  }
0x30: {  	[tilespmem:s30], [sflag:$0x5] =	stream.linear.gather @!p0 [hbm4b:s9+s28], $0x200, $0x38;
	[tilespmem:$0xBE20] =	vst v63  }
0x31: {  	_ =	swait.ge @!p0 [sflag:s29], $0x200  }
0x32: {  	[sflag:s29] =	ssyncset.done @!p0 $0x0  }
0x33: {  	s0 =	simm.s32 $0x0;
	[sflag:s29] =	ssyncadd.s32 @!p0 $0xFFFFFE00  }
0x34: {  	[tilespmem:s16], [sflag:$0x1] =	stream.indirect.gather [hbm4b:s3+s15], $0x10, s0, s15, $0xb8;
	[tilespmem:$0xBE20] =	vst v63  }
0x35: {  	_ = 	snop  }
0x36: {  	[tilespmem:s17], [sflag:$0x2] =	stream.indirect.gather [hbm4b:s3+s15], $0x10, s15, s15, $0xb8;
	[tilespmem:$0xBE20] =	vst v63  }
0x37: {  	_ = 	snop  }
0x38: {  	[tilespmem:s19], [sflag:$0x3] =	stream.indirect.gather [hbm4b:s3+s15], $0x10, s18, s15, $0xb8;
	[tilespmem:$0xBE20] =	vst v63  }
0x39: {  	s29 =	simm.s32 $0x0  }
0x3a: {  	[tilespmem:s21], [sflag:$0x4] =	stream.indirect.gather [hbm4b:s3+s15], $0x10, s20, s15, $0xb8;
	[tilespmem:$0xBE20] =	vst v63  }
.LBB2_4:
0x3b: {  	_ =	swait.ge [sflag:s22], $0x800  }
0x3c: {  	s30 =	sshra.s32 s29, $0x2;
	s28 =	smov.u32 s0;
	[sflag:s22] =	ssyncset.done $0x0  }
0x3d: {  	s0 =	sadd.s32 $0x4, s0;
	s31 =	sadd.s32 $0x2800, s30;
	[sflag:s22] =	ssyncadd.s32 $0xFFFFF800  }
0x3e: {  	[spmem:s1] =	stream.indirect.scatter.add.f32 [tilespmem:s16], [sflag:$0x5], $0x10, s31, s15, $0xb8;
	[tilespmem:$0xBE20] =	vst v63  }
0x3f: {  	p2 =	sge.u32 s0, s5;
	_ =	swait.ge [sflag:s14], $0x800  }
0x40: {  	s2 =	simm.s32 @!p2 $0x80;
	s31 =	sshra.s32 @!p2 s29, $0x2;
	[sflag:s14] =	ssyncset.done $0x0  }
0x41: {  	s13 =	simm.s32 @!p2 $0x5000;
	s31 =	sadd.s32 @!p2 $0x200, s31;
	[sflag:s14] =	ssyncadd.s32 $0xFFFFF800  }
0x42: {  	[tilespmem:s13], [sflag:$0x1] =	stream.indirect.gather @!p2 [hbm4b:s3+s2], $0x10, s31, s2, $0xb8;
	[tilespmem:$0xBE20] =	vst v63  }
0x43: {  	_ =	swait.ge [sflag:s23], $0x800  }
0x44: {  	[sflag:s23] =	ssyncset.done $0x0  }
0x45: {  	s13 =	sadd.s32 $0x2880, s30;
	s31 =	sadd.s32 $0x5, s28;
	[sflag:s23] =	ssyncadd.s32 $0xFFFFF800  }
0x46: {  	[spmem:s1] =	stream.indirect.scatter.add.f32 [tilespmem:s17], [sflag:$0x5], $0x10, s13, s15, $0xb8;
	[tilespmem:$0xBE20] =	vst v63  }
0x47: {  	p2 =	sge.u32 s31, s5;
	_ =	swait.ge [sflag:s14], $0x800  }
0x48: {  	s2 =	sshra.s32 @!p2 s29, $0x2;
	s31 =	simm.s32 @!p2 $0x5800;
	[sflag:s14] =	ssyncset.done $0x0  }
0x49: {  	s2 =	sadd.s32 @!p2 $0x280, s2;
	s13 =	simm.s32 @!p2 $0x80;
	[sflag:s14] =	ssyncadd.s32 $0xFFFFF800  }
0x4a: {  	[tilespmem:s31], [sflag:$0x2] =	stream.indirect.gather @!p2 [hbm4b:s3+s13], $0x10, s2, s13, $0xb8;
	[tilespmem:$0xBE20] =	vst v63  }
0x4b: {  	_ =	swait.ge [sflag:s24], $0x800  }
0x4c: {  	[sflag:s24] =	ssyncset.done $0x0  }
0x4d: {  	s13 =	sadd.s32 $0x2900, s30;
	s31 =	sadd.s32 $0x6, s28;
	[sflag:s24] =	ssyncadd.s32 $0xFFFFF800  }
0x4e: {  	[spmem:s1] =	stream.indirect.scatter.add.f32 [tilespmem:s19], [sflag:$0x5], $0x10, s13, s15, $0xb8;
	[tilespmem:$0xBE20] =	vst v63  }
0x4f: {  	p2 =	sge.u32 s31, s5;
	_ =	swait.ge [sflag:s14], $0x800  }
0x50: {  	s2 =	sshra.s32 @!p2 s29, $0x2;
	s31 =	simm.s32 @!p2 $0x6000;
	[sflag:s14] =	ssyncset.done $0x0  }
0x51: {  	s2 =	sadd.s32 @!p2 $0x300, s2;
	s13 =	simm.s32 @!p2 $0x80;
	[sflag:s14] =	ssyncadd.s32 $0xFFFFF800  }
0x52: {  	[tilespmem:s31], [sflag:$0x3] =	stream.indirect.gather @!p2 [hbm4b:s3+s13], $0x10, s2, s13, $0xb8;
	[tilespmem:$0xBE20] =	vst v63  }
0x53: {  	_ =	swait.ge [sflag:s25], $0x800  }
0x54: {  	s13 =	sadd.s32 $0x2980, s30;
	s30 =	sadd.s32 $0x7, s28;
	[sflag:s25] =	ssyncset.done $0x0  }
0x55: {  	p2 =	sge.u32 s30, s5;
	[sflag:s25] =	ssyncadd.s32 $0xFFFFF800  }
0x56: {  	[spmem:s1] =	stream.indirect.scatter.add.f32 [tilespmem:s21], [sflag:$0x5], $0x10, s13, s15, $0xb8;
	[tilespmem:$0xBE20] =	vst v63  }
0x57: {  	s2 =	sshra.s32 @!p2 s29, $0x2;
	s28 =	simm.s32 @!p2 $0x6800;
	_ =	swait.ge [sflag:s14], $0x800  }
0x58: {  	s29 =	sadd.s32 $0x800, s29;
	s2 =	sadd.s32 @!p2 $0x380, s2;
	[sflag:s14] =	ssyncset.done $0x0  }
0x59: {  	s13 =	simm.s32 @!p2 $0x80;
	s31 =	rddreg [dreg:$0x3];
	[sflag:s14] =	ssyncadd.s32 $0xFFFFF800  }
0x5a: {  	[tilespmem:s28], [sflag:$0x4] =	stream.indirect.gather @!p2 [hbm4b:s3+s13], $0x10, s2, s13, $0xb8;
	[tilespmem:$0xBE20] =	vst v63  }
0x5b: {  	p2 =	sne.s32 s31, s29  }
.Ltmp1:
0x5c: {  	_ = 	snop;
	(pc) =	sbr.rel @p2 .LBB2_4-.Ltmp1, $1  }
0x5d: {  	_ =	sdelay $0x3  }
0x5e: {  	_ =	swait.ge [sflag:s22], $0x800  }
0x5f: {  	s2 =	sshra.s32 s29, $0x2;
	[sflag:s22] =	ssyncset.done $0x0  }
0x60: {  	s30 =	sadd.s32 $0x4, s0;
	s13 =	sadd.s32 $0x2800, s2;
	[sflag:s22] =	ssyncadd.s32 $0xFFFFF800  }
0x61: {  	[spmem:s1] =	stream.indirect.scatter.add.f32 [tilespmem:s16], [sflag:$0x5], $0x10, s13, s15, $0xb8;
	[tilespmem:$0xBE20] =	vst v63  }
0x62: {  	p2 =	sge.u32 s30, s5;
	_ =	swait.ge [sflag:s14], $0x800  }
0x63: {  	s28 =	simm.s32 @!p2 $0x80;
	s13 =	sshra.s32 @!p2 s29, $0x2;
	[sflag:s14] =	ssyncset.done $0x0  }
0x64: {  	s30 =	simm.s32 @!p2 $0x5000;
	s13 =	sadd.s32 @!p2 $0x200, s13;
	[sflag:s14] =	ssyncadd.s32 $0xFFFFF800  }
0x65: {  	[tilespmem:s30], [sflag:$0x1] =	stream.indirect.gather @!p2 [hbm4b:s3+s28], $0x10, s13, s28, $0xb8;
	[tilespmem:$0xBE20] =	vst v63  }
0x66: {  	_ =	swait.ge [sflag:s23], $0x800  }
0x67: {  	[sflag:s23] =	ssyncset.done $0x0  }
0x68: {  	s31 =	sadd.s32 $0x2880, s2;
	s28 =	sadd.s32 $0x5, s0;
	[sflag:s23] =	ssyncadd.s32 $0xFFFFF800  }
0x69: {  	[spmem:s1] =	stream.indirect.scatter.add.f32 [tilespmem:s17], [sflag:$0x5], $0x10, s31, s15, $0xb8;
	[tilespmem:$0xBE20] =	vst v63  }
0x6a: {  	p2 =	sge.u32 s28, s5;
	_ =	swait.ge [sflag:s14], $0x800  }
0x6b: {  	s13 =	sshra.s32 @!p2 s29, $0x2;
	s28 =	simm.s32 @!p2 $0x80;
	[sflag:s14] =	ssyncset.done $0x0  }
0x6c: {  	s30 =	simm.s32 @!p2 $0x5800;
	s13 =	sadd.s32 @!p2 $0x280, s13;
	[sflag:s14] =	ssyncadd.s32 $0xFFFFF800  }
0x6d: {  	[tilespmem:s30], [sflag:$0x2] =	stream.indirect.gather @!p2 [hbm4b:s3+s28], $0x10, s13, s28, $0xb8;
	[tilespmem:$0xBE20] =	vst v63  }
0x6e: {  	_ =	swait.ge [sflag:s24], $0x800  }
0x6f: {  	[sflag:s24] =	ssyncset.done $0x0  }
0x70: {  	s31 =	sadd.s32 $0x6, s0;
	s30 =	sadd.s32 $0x2900, s2;
	[sflag:s24] =	ssyncadd.s32 $0xFFFFF800  }
0x71: {  	[spmem:s1] =	stream.indirect.scatter.add.f32 [tilespmem:s19], [sflag:$0x5], $0x10, s30, s15, $0xb8;
	[tilespmem:$0xBE20] =	vst v63  }
0x72: {  	p2 =	sge.u32 s31, s5;
	_ =	swait.ge [sflag:s14], $0x800  }
0x73: {  	s13 =	sshra.s32 @!p2 s29, $0x2;
	s28 =	simm.s32 @!p2 $0x80;
	[sflag:s14] =	ssyncset.done $0x0  }
0x74: {  	s29 =	simm.s32 @!p2 $0x6000;
	s13 =	sadd.s32 @!p2 $0x300, s13;
	[sflag:s14] =	ssyncadd.s32 $0xFFFFF800  }
0x75: {  	[tilespmem:s29], [sflag:$0x3] =	stream.indirect.gather @!p2 [hbm4b:s3+s28], $0x10, s13, s28, $0xb8;
	[tilespmem:$0xBE20] =	vst v63  }
0x76: {  	_ =	swait.ge [sflag:s25], $0x800  }
0x77: {  	[sflag:s25] =	ssyncset.done $0x0  }
0x78: {  	s2 =	sadd.s32 $0x2980, s2;
	[sflag:s25] =	ssyncadd.s32 $0xFFFFF800  }
0x79: {  	[spmem:s1] =	stream.indirect.scatter.add.f32 [tilespmem:s21], [sflag:$0x5], $0x10, s2, s15, $0xb8;
	[tilespmem:$0xBE20] =	vst v63  }
0x7a: {  	p2 =	sge.u32 s0, s12;
	_ =	swait.ge [sflag:s14], $0x800  }
0x7b: {  	s0 =	simm.s32 @!p2 $0x80;
	[sflag:s14] =	ssyncset.done $0x0  }
0x7c: {  	s13 =	simm.s32 @!p2 $0x6800;
	s2 =	simm.s32 @!p2 $0x2780;
	[sflag:s14] =	ssyncadd.s32 $0xFFFFF800  }
0x7d: {  	[tilespmem:s13], [sflag:$0x4] =	stream.indirect.gather @!p2 [hbm4b:s3+s0], $0x10, s2, s0, $0xb8;
	[tilespmem:$0xBE20] =	vst v63  }
0x7e: {  	s26 =	sadd.s32 $0x1, s26;
	s0 =	sshrl.u32 @!p1 s1, $0x3  }
0x7f: {  	s2 =	simm.s32 @!p1 $0x1C05;
	p2 =	sne.s32 s26, s11;
	[bflag:$0x0] =	sbarrier.arrive $0xFFFF  }
0x80: {  	[hbm:s10], [sflag:s2] =	dma.local @!p1 [spmem:s0], $0x4E20  }
.Ltmp2:
0x81: {  	_ = 	snop;
	(pc) =	sbr.rel @p2 .LBB2_1-.Ltmp2, $4  }
0x82: {  	s0 =	simm.s32 @!p1 $0x5  }
0x83: {  	_ =	swait.ge @!p1 [sflag:s0], $0x4E20  }
0x84: {  	[sflag:s0] =	ssyncset.done @!p1 $0x0  }
0x85: {  	[sflag:s0] =	ssyncadd.s32 @!p1 $0xFFFFB1E0  }
0x86: {  	_ =	sfence.sel $0x180000  }
0x87: {  	[bflag:$0x0] =	sbarrier.arrive $0xFFFF  }
0x88: {  	_ =	strace $0x9000004D  }
0x89: {  	[bflag:$0x2] =	sbarrier.arrive $0xFFFF  }
0x8a: {  	s0 =	rddreg [dreg:$0x2]  }
0x8b: {  	s0 =	sadd.s32 @!p1 $0x100000, s0  }
0x8c: {  	[sflag:s0] =	ssyncadd.tile.s32 @!p1 $0x1;
	_ =	shalt  }
.Lfunc_end2:
_tile_overlayer_lowered:
.L_overlay_start_2:
0x8d: {  	(tag) =	ssettag $0x2  }
0x8e: {  	s0 =	rddreg [dreg:$0x0];
	s2 =	stileid.u32  }
0x8f: {  	s1 =	rddreg [dreg:$0x1];
	p0 =	sne.s32 s2, $0x0  }
0x90: {  	s3 =	rddreg [dreg:$0x2];
	[bflag:$0x3] =	sbarrier.arrive $0xFFFF;
	s2 =	simm.s32 @!p0 $0x1C05  }
0x91: {  	[timem:s3], [sflag:s2] =	dma.local @!p0 [hbm:s0], s1  }
0x92: {  	s0 =	simm.s32 @!p0 $0x5  }
0x93: {  	_ =	swait.ge @!p0 [sflag:s0], s1  }
0x94: {  	s1 =	ssub.s32 @!p0 $0x0, s1;
	[sflag:s0] =	ssyncset.done @!p0 $0x0  }
0x95: {  	[sflag:s0] =	ssyncadd.s32 @!p0 s1  }
0x96: {  	[bflag:$0x3] =	sbarrier.arrive $0xFFFF  }
0x97: {  	_ =	shalt  }

</sc_bundles>
